<compile_context>
chip_gen: v7x
topology: tpu7x:2x2x1
jax: 0.10.2.dev20260603
libtpu: 0.0.44.dev20260713+nightly
codegen_flags: <defaults>
</compile_context>

<pallas_src>
import functools

import jax
import jax.numpy as jnp
from jax import lax
from jax.experimental import pallas as pl
from jax.experimental.pallas import tpu as pltpu
from jax.experimental.pallas import tpu_sc as plsc

F_TOTAL = 4
N_ROWS = 100000
HALF = N_ROWS // 2
DIM = 64
PAIR = 2 * DIM
BATCH = 16384
NC, NS = 2, 16
NW = NC * NS
BPW = BATCH // NW
R = 64
NCH = BPW // R
LANE = 16
DC = DIM // LANE
BMIX = 2000


def _mix_body(w_ref, fa_ref, fb_ref, out_ref):
    xa = fa_ref[...]
    xb = fb_ref[...]
    ma = w_ref[0] * xa[0] + w_ref[1] * xa[1] + w_ref[2] * xa[2] \
        + w_ref[3] * xa[3]
    mb = w_ref[0] * xb[0] + w_ref[1] * xb[1] + w_ref[2] * xb[2] \
        + w_ref[3] * xb[3]
    out_ref[...] = jnp.concatenate([ma, mb], axis=1)


_mix = pl.pallas_call(
    _mix_body,
    grid=(HALF // BMIX,),
    in_specs=[
        pl.BlockSpec(memory_space=pltpu.SMEM),
        pl.BlockSpec((F_TOTAL, BMIX, DIM), lambda i: (0, i, 0)),
        pl.BlockSpec((F_TOTAL, BMIX, DIM),
                     lambda i: (0, i + HALF // BMIX, 0)),
    ],
    out_specs=pl.BlockSpec((BMIX, PAIR), lambda i: (i, 0)),
    out_shape=jax.ShapeDtypeStruct((HALF, PAIR), jnp.float32),
)


def _score_body(t_hbm, idx_i_hbm, idx_j_hbm, par_hbm, out_hbm,
                par_v, idx_v, off_v, gbuf, sq_v, out_v, sem):
    wid = lax.axis_index("s") * NC + lax.axis_index("c")
    base = wid * BPW

    pltpu.sync_copy(par_hbm, par_v)
    lanes = lax.iota(jnp.int32, LANE)
    b_vec = par_v[pl.ds(0, LANE)]
    k_vec = par_v[pl.ds(LANE, LANE)]

    pltpu.sync_copy(idx_i_hbm.at[pl.ds(base, BPW)], idx_v.at[0])
    pltpu.sync_copy(idx_j_hbm.at[pl.ds(base, BPW)], idx_v.at[1])

    def idx_body(v, carry):
        sl = pl.ds(v * LANE, LANE)
        for side in range(2):
            n = idx_v[side, sl]
            hi = n >= HALF
            off_v[side, sl] = jnp.where(hi, DIM, 0)
            idx_v[side, sl] = n - jnp.where(hi, HALF, 0)
        return carry

    lax.fori_loop(0, BPW // LANE, idx_body, 0)

    def chunk_body(k, carry):
        copies = []
        for side in range(2):
            cp = pltpu.make_async_copy(
                t_hbm.at[idx_v.at[side, pl.ds(k * R, R)]],
                gbuf.at[side], sem)
            cp.start()
            copies.append(cp)
        for cp in copies:
            cp.wait()

        def blk_body(blk, carry2):
            rbase = k * R + blk * LANE
            oiv = off_v[0, pl.ds(rbase, LANE)]
            ojv = off_v[1, pl.ds(rbase, LANE)]
            for rl in range(LANE):
                r = blk * LANE + rl
                oi = oiv[rl]
                oj = ojv[rl]
                sq = None
                for c in range(DC):
                    a = (gbuf[0, r, pl.ds(oi + c * LANE, LANE)]
                         - gbuf[1, r, pl.ds(oj + c * LANE, LANE)])
                    sq = a * a if sq is None else sq + a * a
                sq_v[pl.ds(rl * LANE, LANE)] = sq
            o = plsc.load_gather(sq_v, [lanes * LANE])
            for l in range(1, LANE):
                o += plsc.load_gather(sq_v, [lanes * LANE + l])
            logit = b_vec - k_vec * o
            eneg = jnp.exp(-jnp.abs(logit))
            inv = 1.0 / (1.0 + eneg)
            res = jnp.where(logit >= 0.0, inv, eneg * inv)
            out_v[pl.ds(rbase, LANE)] = res
            return carry2

        lax.fori_loop(0, R // LANE, blk_body, 0)
        return carry

    lax.fori_loop(0, NCH, chunk_body, 0)
    pltpu.sync_copy(out_v, out_hbm.at[pl.ds(base, BPW)])


_score = functools.partial(
    pl.kernel,
    out_type=jax.ShapeDtypeStruct((BATCH,), jnp.float32),
    mesh=plsc.VectorSubcoreMesh(core_axis_name="c", subcore_axis_name="s"),
    compiler_params=pltpu.CompilerParams(needs_layout_passes=False),
    scratch_types=[
        pltpu.VMEM((2 * LANE,), jnp.float32),
        pltpu.VMEM((2, BPW), jnp.int32),
        pltpu.VMEM((2, BPW), jnp.int32),
        pltpu.VMEM((2, R, PAIR), jnp.float32),
        pltpu.VMEM((LANE * LANE,), jnp.float32),
        pltpu.VMEM((BPW,), jnp.float32),
        pltpu.SemaphoreType.DMA,
    ],
)(_score_body)


@jax.jit
def kernel(features, feature_weights, intercept, slope, idx_i, idx_j):
    w4 = jax.nn.softmax(feature_weights.reshape(-1).astype(jnp.float32))
    packed = _mix(w4, features, features)
    par = jnp.concatenate([
        jnp.full((LANE,), intercept, dtype=jnp.float32),
        jnp.full((LANE,), slope, dtype=jnp.float32),
    ])
    return _score(packed, idx_i, idx_j, par)

# --- scband reference (transcript-rebuilt; emitter-appended) ---
"""Pipeline reference for scband-fast-rpmodel-25056839205852 (READ-ONLY COPY).

The authoritative reference and input builder live on the scoring server;
editing this copy changes nothing except your own understanding.
"""

import jax, jax.numpy as jnp
import numpy as np

F_META, NUM_POWERS = 2, 2
N_AUTHORS, DIM = 100000, 64
BATCH = 16384


def setup_inputs(seed: int = 0) -> dict:
    key = jax.random.key(seed)
    k1, k2, k3 = jax.random.split(key, 3)
    F_total = F_META * NUM_POWERS
    # Precomputed FastRP feature banks (in the torch module these are built in
    # __init__ from sparse meta-path matrix powers applied to a random projection,
    # with each bank L2-normalized row-wise). We materialize them directly as
    # row-normalized random features of the same shape/scale.
    feats = jax.random.normal(k1, (F_total, N_AUTHORS, DIM), dtype=jnp.float32)
    feats = feats / (jnp.linalg.norm(feats, axis=2, keepdims=True) + 1e-12)
    # Learned parameters: feature_weights initialized to ones, intercept=0, slope=1
    feature_weights = jnp.ones((F_META, NUM_POWERS), dtype=jnp.float32)
    intercept = jnp.zeros((), dtype=jnp.float32)
    slope = jnp.ones((), dtype=jnp.float32)
    idx_i = jax.random.randint(k2, (BATCH,), 0, N_AUTHORS, dtype=jnp.int32)
    idx_j = jax.random.randint(k3, (BATCH,), 0, N_AUTHORS, dtype=jnp.int32)
    return {
        "features": feats,
        "feature_weights": feature_weights,
        "intercept": intercept,
        "slope": slope,
        "idx_i": idx_i,
        "idx_j": idx_j,
    }


def reference(features, feature_weights, intercept, slope, idx_i, idx_j):
    # _mixed_embedding: softmax over flattened feature weights, weighted sum of banks
    w = jax.nn.softmax(feature_weights.reshape(-1))
    E = jnp.einsum("f,fnd->nd", w, features)
    # embedding lookup (gather)
    zi = jnp.take(E, idx_i, axis=0)
    zj = jnp.take(E, idx_j, axis=0)
    dist_sq = jnp.sum((zi - zj) ** 2, axis=1)
    logits = intercept - slope * dist_sq
    return jax.nn.sigmoid(logits)

if __name__ == "__main__":
    import jax
    _d = setup_inputs()
    print(jax.jit(kernel)(*tuple(_d.values())))

</pallas_src>

<mosaic_0001>
#map = affine_map<(d0, d1) -> (0, 0)>
#map1 = affine_map<(d0, d1) -> (0)>
module attributes {stable_mosaic.version = 14 : i64} {
  func.func @_score_body(%arg0: i32, %arg1: i32, %arg2: memref<50000x128xf32, #tpu.memory_space<hbm>>, %arg3: memref<16384xi32, #tpu.memory_space<hbm>>, %arg4: memref<16384xi32, #tpu.memory_space<hbm>>, %arg5: memref<32xf32, #tpu.memory_space<hbm>>, %arg6: memref<16384xf32, #tpu.memory_space<hbm>>, %arg7: memref<32xf32, #tpu.memory_space<vmem>>, %arg8: memref<2x512xi32, #tpu.memory_space<vmem>>, %arg9: memref<2x512xi32, #tpu.memory_space<vmem>>, %arg10: memref<2x64x128xf32, #tpu.memory_space<vmem>>, %arg11: memref<256xf32, #tpu.memory_space<vmem>>, %arg12: memref<512xf32, #tpu.memory_space<vmem>>, %arg13: memref<!tpu.dma_semaphore, #tpu.memory_space<semaphore_mem>>) attributes {dimension_semantics = [#tpu.dimension_semantics<core_parallel>, #tpu.dimension_semantics<subcore_parallel>], iteration_bounds = array<i64: 2, 16>, scalar_prefetch = 0 : i64, scratch_operands = 7 : i64, tpu.core_type = #tpu.core_type<sc_vector_subcore>, window_params = [{transform_indices = #map}, {transform_indices = #map1}, {transform_indices = #map1}, {transform_indices = #map1}, {transform_indices = #map1}]} {
    %mul3A = arith.constant 2 : i32
    %mul3A_0 = arith.muli %arg1, %mul3A : i32
    %add3A = arith.addi %mul3A_0, %arg0 : i32
    %mul3A_1 = arith.constant 512 : i32
    %mul3A_2 = arith.muli %add3A, %mul3A_1 : i32
    "tpu.region"() ({
      %run_scoped3A_18 = tpu.sem_alloc : memref<!tpu.dma_semaphore, #tpu.memory_space<semaphore_mem>>
      tpu.enqueue_dma source(%arg5 : memref<32xf32, #tpu.memory_space<hbm>>) target(%arg7 : memref<32xf32, #tpu.memory_space<vmem>>) target_semaphore(%run_scoped3A_18 : memref<!tpu.dma_semaphore, #tpu.memory_space<semaphore_mem>>)
      tpu.wait_dma2 semaphore(%run_scoped3A_18 : memref<!tpu.dma_semaphore, #tpu.memory_space<semaphore_mem>>) src(%arg5 : memref<32xf32, #tpu.memory_space<hbm>>) dst(%arg7 : memref<32xf32, #tpu.memory_space<vmem>>)
      tpu.yield
    }) : () -> ()
    %iota3A = tpu.iota {dimensions = array<i32: 0>} : vector<16xi32>
    %get3A = arith.constant 0 : index
    %get3A_3 = tpu.vector_load %arg7[%get3A] {strides = array<i32>} : memref<32xf32, #tpu.memory_space<vmem>>, vector<16xf32>,
    %get3A_4 = arith.constant 16 : index
    %get3A_5 = tpu.vector_load %arg7[%get3A_4] {strides = array<i32>} : memref<32xf32, #tpu.memory_space<vmem>>, vector<16xf32>,
    %run_scoped3A = arith.constant 0 : i32
    "tpu.region"() ({
      %run_scoped3A_18 = tpu.sem_alloc : memref<!tpu.dma_semaphore, #tpu.memory_space<semaphore_mem>>
      %dma_start3A = arith.constant 0 : i32
      %dma_start3A_19 = tpu.memref_slice %arg8[%run_scoped3A, %dma_start3A] : memref<2x512xi32, #tpu.memory_space<vmem>> -> memref<1x512xi32, #tpu.memory_space<vmem>>
      %dma_start3A_20 = tpu.memref_squeeze %dma_start3A_19 : memref<1x512xi32, #tpu.memory_space<vmem>> -> memref<512xi32, #tpu.memory_space<vmem>>
      %dma_start3A_21 = tpu.memref_slice %arg3[%mul3A_2] : memref<16384xi32, #tpu.memory_space<hbm>> -> memref<512xi32, #tpu.memory_space<hbm>>
      %dma_start3A_22 = arith.constant 0 : i32
      %dma_start3A_23 = tpu.memref_slice %arg8[%run_scoped3A, %dma_start3A_22] : memref<2x512xi32, #tpu.memory_space<vmem>> -> memref<1x512xi32, #tpu.memory_space<vmem>>
      %dma_start3A_24 = tpu.memref_squeeze %dma_start3A_23 : memref<1x512xi32, #tpu.memory_space<vmem>> -> memref<512xi32, #tpu.memory_space<vmem>>
      %dma_start3A_25 = tpu.memref_slice %arg3[%mul3A_2] : memref<16384xi32, #tpu.memory_space<hbm>> -> memref<512xi32, #tpu.memory_space<hbm>>
      tpu.enqueue_dma source(%dma_start3A_25 : memref<512xi32, #tpu.memory_space<hbm>>) target(%dma_start3A_24 : memref<512xi32, #tpu.memory_space<vmem>>) target_semaphore(%run_scoped3A_18 : memref<!tpu.dma_semaphore, #tpu.memory_space<semaphore_mem>>)
      %dma_wait3A = arith.constant 0 : i32
      %dma_wait3A_26 = tpu.memref_slice %arg8[%run_scoped3A, %dma_wait3A] : memref<2x512xi32, #tpu.memory_space<vmem>> -> memref<1x512xi32, #tpu.memory_space<vmem>>
      %dma_wait3A_27 = tpu.memref_squeeze %dma_wait3A_26 : memref<1x512xi32, #tpu.memory_space<vmem>> -> memref<512xi32, #tpu.memory_space<vmem>>
      %dma_wait3A_28 = tpu.memref_slice %arg3[%mul3A_2] : memref<16384xi32, #tpu.memory_space<hbm>> -> memref<512xi32, #tpu.memory_space<hbm>>
      %dma_wait3A_29 = arith.constant 0 : i32
      %dma_wait3A_30 = tpu.memref_slice %arg8[%run_scoped3A, %dma_wait3A_29] : memref<2x512xi32, #tpu.memory_space<vmem>> -> memref<1x512xi32, #tpu.memory_space<vmem>>
      %dma_wait3A_31 = tpu.memref_squeeze %dma_wait3A_30 : memref<1x512xi32, #tpu.memory_space<vmem>> -> memref<512xi32, #tpu.memory_space<vmem>>
      %dma_wait3A_32 = tpu.memref_slice %arg3[%mul3A_2] : memref<16384xi32, #tpu.memory_space<hbm>> -> memref<512xi32, #tpu.memory_space<hbm>>
      tpu.wait_dma2 semaphore(%run_scoped3A_18 : memref<!tpu.dma_semaphore, #tpu.memory_space<semaphore_mem>>) src(%dma_wait3A_32 : memref<512xi32, #tpu.memory_space<hbm>>) dst(%dma_wait3A_31 : memref<512xi32, #tpu.memory_space<vmem>>)
      tpu.yield
    }) : () -> ()
    %run_scoped3A_6 = arith.constant 1 : i32
    "tpu.region"() ({
      %run_scoped3A_18 = tpu.sem_alloc : memref<!tpu.dma_semaphore, #tpu.memory_space<semaphore_mem>>
      %dma_start3A = arith.constant 0 : i32
      %dma_start3A_19 = tpu.memref_slice %arg8[%run_scoped3A_6, %dma_start3A] : memref<2x512xi32, #tpu.memory_space<vmem>> -> memref<1x512xi32, #tpu.memory_space<vmem>>
      %dma_start3A_20 = tpu.memref_squeeze %dma_start3A_19 : memref<1x512xi32, #tpu.memory_space<vmem>> -> memref<512xi32, #tpu.memory_space<vmem>>
      %dma_start3A_21 = tpu.memref_slice %arg4[%mul3A_2] : memref<16384xi32, #tpu.memory_space<hbm>> -> memref<512xi32, #tpu.memory_space<hbm>>
      %dma_start3A_22 = arith.constant 0 : i32
      %dma_start3A_23 = tpu.memref_slice %arg8[%run_scoped3A_6, %dma_start3A_22] : memref<2x512xi32, #tpu.memory_space<vmem>> -> memref<1x512xi32, #tpu.memory_space<vmem>>
      %dma_start3A_24 = tpu.memref_squeeze %dma_start3A_23 : memref<1x512xi32, #tpu.memory_space<vmem>> -> memref<512xi32, #tpu.memory_space<vmem>>
      %dma_start3A_25 = tpu.memref_slice %arg4[%mul3A_2] : memref<16384xi32, #tpu.memory_space<hbm>> -> memref<512xi32, #tpu.memory_space<hbm>>
      tpu.enqueue_dma source(%dma_start3A_25 : memref<512xi32, #tpu.memory_space<hbm>>) target(%dma_start3A_24 : memref<512xi32, #tpu.memory_space<vmem>>) target_semaphore(%run_scoped3A_18 : memref<!tpu.dma_semaphore, #tpu.memory_space<semaphore_mem>>)
      %dma_wait3A = arith.constant 0 : i32
      %dma_wait3A_26 = tpu.memref_slice %arg8[%run_scoped3A_6, %dma_wait3A] : memref<2x512xi32, #tpu.memory_space<vmem>> -> memref<1x512xi32, #tpu.memory_space<vmem>>
      %dma_wait3A_27 = tpu.memref_squeeze %dma_wait3A_26 : memref<1x512xi32, #tpu.memory_space<vmem>> -> memref<512xi32, #tpu.memory_space<vmem>>
      %dma_wait3A_28 = tpu.memref_slice %arg4[%mul3A_2] : memref<16384xi32, #tpu.memory_space<hbm>> -> memref<512xi32, #tpu.memory_space<hbm>>
      %dma_wait3A_29 = arith.constant 0 : i32
      %dma_wait3A_30 = tpu.memref_slice %arg8[%run_scoped3A_6, %dma_wait3A_29] : memref<2x512xi32, #tpu.memory_space<vmem>> -> memref<1x512xi32, #tpu.memory_space<vmem>>
      %dma_wait3A_31 = tpu.memref_squeeze %dma_wait3A_30 : memref<1x512xi32, #tpu.memory_space<vmem>> -> memref<512xi32, #tpu.memory_space<vmem>>
      %dma_wait3A_32 = tpu.memref_slice %arg4[%mul3A_2] : memref<16384xi32, #tpu.memory_space<hbm>> -> memref<512xi32, #tpu.memory_space<hbm>>
      tpu.wait_dma2 semaphore(%run_scoped3A_18 : memref<!tpu.dma_semaphore, #tpu.memory_space<semaphore_mem>>) src(%dma_wait3A_32 : memref<512xi32, #tpu.memory_space<hbm>>) dst(%dma_wait3A_31 : memref<512xi32, #tpu.memory_space<vmem>>)
      tpu.yield
    }) : () -> ()
    %scan3A = arith.constant 0 : i32
    %scan3A_7 = arith.constant 0 : i32
    %scan3A_8 = arith.constant 32 : i32
    %scan3A_9 = arith.addi %scan3A_7, %scan3A_8 : i32
    %scan3A_10 = arith.constant 1 : i32
    scf.for %scan3A_18 = %scan3A_7 to %scan3A_9 step %scan3A_10  : i32 {
      %mul3A_19 = arith.constant 16 : i32
      %mul3A_20 = arith.muli %scan3A_18, %mul3A_19 : i32
      %get3A_21 = arith.constant 0 : i32
      %get3A_22 = arith.index_cast %get3A_21 : i32 to index
      %get3A_23 = arith.index_cast %mul3A_20 : i32 to index
      %get3A_24 = tpu.vector_load %arg8[%get3A_22, %get3A_23] {strides = array<i32>} : memref<2x512xi32, #tpu.memory_space<vmem>>, vector<16xi32>,
      %ge3A = arith.constant 50000 : i32
      %ge3A_25 = vector.broadcast %ge3A : i32 to vector<16xi32>
      %ge3A_26 = arith.cmpi sge, %get3A_24, %ge3A_25 : vector<16xi32>
      %jit3A = arith.constant 64 : i32
      %jit3A_27 = arith.constant 0 : i32
      %broadcast_in_dim3A = vector.broadcast %jit3A : i32 to vector<16xi32>
      %broadcast_in_dim3A_28 = vector.broadcast %jit3A_27 : i32 to vector<16xi32>
      %select_n3A = arith.select %ge3A_26, %broadcast_in_dim3A, %broadcast_in_dim3A_28 : vector<16xi1>, vector<16xi32>
      %swap3A = arith.constant 0 : i32
      %swap3A_29 = arith.index_cast %swap3A : i32 to index
      %swap3A_30 = arith.index_cast %mul3A_20 : i32 to index
      %swap3A_31 = tpu.vector_load %arg9[%swap3A_29, %swap3A_30] {strides = array<i32>} : memref<2x512xi32, #tpu.memory_space<vmem>>, vector<16xi32>,
      tpu.vector_store %arg9[%swap3A_29, %swap3A_30], %select_n3A {strides = array<i32>} : memref<2x512xi32, #tpu.memory_space<vmem>>, vector<16xi32>,
      %jit3A_32 = arith.constant 50000 : i32
      %jit3A_33 = arith.constant 0 : i32
      %broadcast_in_dim3A_34 = vector.broadcast %jit3A_32 : i32 to vector<16xi32>
      %broadcast_in_dim3A_35 = vector.broadcast %jit3A_33 : i32 to vector<16xi32>
      %select_n3A_36 = arith.select %ge3A_26, %broadcast_in_dim3A_34, %broadcast_in_dim3A_35 : vector<16xi1>, vector<16xi32>
      %sub3A = arith.subi %get3A_24, %select_n3A_36 : vector<16xi32>
      %swap3A_37 = arith.constant 0 : i32
      %swap3A_38 = arith.index_cast %swap3A_37 : i32 to index
      %swap3A_39 = arith.index_cast %mul3A_20 : i32 to index
      %swap3A_40 = tpu.vector_load %arg8[%swap3A_38, %swap3A_39] {strides = array<i32>} : memref<2x512xi32, #tpu.memory_space<vmem>>, vector<16xi32>,
      tpu.vector_store %arg8[%swap3A_38, %swap3A_39], %sub3A {strides = array<i32>} : memref<2x512xi32, #tpu.memory_space<vmem>>, vector<16xi32>,
      %get3A_41 = arith.constant 1 : i32
      %get3A_42 = arith.index_cast %get3A_41 : i32 to index
      %get3A_43 = arith.index_cast %mul3A_20 : i32 to index
      %get3A_44 = tpu.vector_load %arg8[%get3A_42, %get3A_43] {strides = array<i32>} : memref<2x512xi32, #tpu.memory_space<vmem>>, vector<16xi32>,
      %ge3A_45 = arith.constant 50000 : i32
      %ge3A_46 = vector.broadcast %ge3A_45 : i32 to vector<16xi32>
      %ge3A_47 = arith.cmpi sge, %get3A_44, %ge3A_46 : vector<16xi32>
      %jit3A_48 = arith.constant 64 : i32
      %jit3A_49 = arith.constant 0 : i32
      %broadcast_in_dim3A_50 = vector.broadcast %jit3A_48 : i32 to vector<16xi32>
      %broadcast_in_dim3A_51 = vector.broadcast %jit3A_49 : i32 to vector<16xi32>
      %select_n3A_52 = arith.select %ge3A_47, %broadcast_in_dim3A_50, %broadcast_in_dim3A_51 : vector<16xi1>, vector<16xi32>
      %swap3A_53 = arith.constant 1 : i32
      %swap3A_54 = arith.index_cast %swap3A_53 : i32 to index
      %swap3A_55 = arith.index_cast %mul3A_20 : i32 to index
      %swap3A_56 = tpu.vector_load %arg9[%swap3A_54, %swap3A_55] {strides = array<i32>} : memref<2x512xi32, #tpu.memory_space<vmem>>, vector<16xi32>,
      tpu.vector_store %arg9[%swap3A_54, %swap3A_55], %select_n3A_52 {strides = array<i32>} : memref<2x512xi32, #tpu.memory_space<vmem>>, vector<16xi32>,
      %jit3A_57 = arith.constant 50000 : i32
      %jit3A_58 = arith.constant 0 : i32
      %broadcast_in_dim3A_59 = vector.broadcast %jit3A_57 : i32 to vector<16xi32>
      %broadcast_in_dim3A_60 = vector.broadcast %jit3A_58 : i32 to vector<16xi32>
      %select_n3A_61 = arith.select %ge3A_47, %broadcast_in_dim3A_59, %broadcast_in_dim3A_60 : vector<16xi1>, vector<16xi32>
      %sub3A_62 = arith.subi %get3A_44, %select_n3A_61 : vector<16xi32>
      %swap3A_63 = arith.constant 1 : i32
      %swap3A_64 = arith.index_cast %swap3A_63 : i32 to index
      %swap3A_65 = arith.index_cast %mul3A_20 : i32 to index
      %swap3A_66 = tpu.vector_load %arg8[%swap3A_64, %swap3A_65] {strides = array<i32>} : memref<2x512xi32, #tpu.memory_space<vmem>>, vector<16xi32>,
      tpu.vector_store %arg8[%swap3A_64, %swap3A_65], %sub3A_62 {strides = array<i32>} : memref<2x512xi32, #tpu.memory_space<vmem>>, vector<16xi32>,
    }
    %scan3A_11 = arith.constant 32 : i32
    %scan3A_12 = arith.constant 0 : i32
    %scan3A_13 = arith.constant 0 : i32
    %scan3A_14 = arith.constant 8 : i32
    %scan3A_15 = arith.addi %scan3A_13, %scan3A_14 : i32
    %scan3A_16 = arith.constant 1 : i32
    scf.for %scan3A_18 = %scan3A_13 to %scan3A_15 step %scan3A_16  : i32 {
      %mul3A_19 = arith.constant 64 : i32
      %mul3A_20 = arith.muli %scan3A_18, %mul3A_19 : i32
      %dma_start3A = arith.constant 0 : i32
      %dma_start3A_21 = arith.constant 0 : i32
      %dma_start3A_22 = arith.constant 0 : i32
      %dma_start3A_23 = arith.constant 0 : i32
      %dma_start3A_24 = tpu.memref_slice %arg10[%dma_start3A_21, %dma_start3A_22, %dma_start3A_23] : memref<2x64x128xf32, #tpu.memory_space<vmem>> -> memref<1x64x128xf32, #tpu.memory_space<vmem>>
      %dma_start3A_25 = tpu.memref_squeeze %dma_start3A_24 : memref<1x64x128xf32, #tpu.memory_space<vmem>> -> memref<64x128xf32, #tpu.memory_space<vmem>>
      %dma_start3A_26 = tpu.memref_slice %arg8[%dma_start3A, %mul3A_20] : memref<2x512xi32, #tpu.memory_space<vmem>> -> memref<1x64xi32, #tpu.memory_space<vmem>>
      %dma_start3A_27 = tpu.memref_squeeze %dma_start3A_26 : memref<1x64xi32, #tpu.memory_space<vmem>> -> memref<64xi32, #tpu.memory_space<vmem>>
      %dma_start3A_28 = arith.constant 0 : i32
      %dma_start3A_29 = arith.constant 0 : i32
      %dma_start3A_30 = tpu.memref_slice %arg2[%dma_start3A_28, %dma_start3A_29] : memref<50000x128xf32, #tpu.memory_space<hbm>> -> memref<50000x128xf32, #tpu.memory_space<hbm>>
      tpu.enqueue_indirect_dma source(%dma_start3A_30 : memref<50000x128xf32, #tpu.memory_space<hbm>>) target(%dma_start3A_25 : memref<64x128xf32, #tpu.memory_space<vmem>>) offsets(%dma_start3A_27 : memref<64xi32, #tpu.memory_space<vmem>>) semaphore(%arg13 : memref<!tpu.dma_semaphore, #tpu.memory_space<semaphore_mem>>)
      %mul3A_31 = arith.constant 64 : i32
      %mul3A_32 = arith.muli %scan3A_18, %mul3A_31 : i32
      %dma_start3A_33 = arith.constant 1 : i32
      %dma_start3A_34 = arith.constant 1 : i32
      %dma_start3A_35 = arith.constant 0 : i32
      %dma_start3A_36 = arith.constant 0 : i32
      %dma_start3A_37 = tpu.memref_slice %arg10[%dma_start3A_34, %dma_start3A_35, %dma_start3A_36] : memref<2x64x128xf32, #tpu.memory_space<vmem>> -> memref<1x64x128xf32, #tpu.memory_space<vmem>>
      %dma_start3A_38 = tpu.memref_squeeze %dma_start3A_37 : memref<1x64x128xf32, #tpu.memory_space<vmem>> -> memref<64x128xf32, #tpu.memory_space<vmem>>
      %dma_start3A_39 = tpu.memref_slice %arg8[%dma_start3A_33, %mul3A_32] : memref<2x512xi32, #tpu.memory_space<vmem>> -> memref<1x64xi32, #tpu.memory_space<vmem>>
      %dma_start3A_40 = tpu.memref_squeeze %dma_start3A_39 : memref<1x64xi32, #tpu.memory_space<vmem>> -> memref<64xi32, #tpu.memory_space<vmem>>
      %dma_start3A_41 = arith.constant 0 : i32
      %dma_start3A_42 = arith.constant 0 : i32
      %dma_start3A_43 = tpu.memref_slice %arg2[%dma_start3A_41, %dma_start3A_42] : memref<50000x128xf32, #tpu.memory_space<hbm>> -> memref<50000x128xf32, #tpu.memory_space<hbm>>
      tpu.enqueue_indirect_dma source(%dma_start3A_43 : memref<50000x128xf32, #tpu.memory_space<hbm>>) target(%dma_start3A_38 : memref<64x128xf32, #tpu.memory_space<vmem>>) offsets(%dma_start3A_40 : memref<64xi32, #tpu.memory_space<vmem>>) semaphore(%arg13 : memref<!tpu.dma_semaphore, #tpu.memory_space<semaphore_mem>>)
      %dma_wait3A = arith.constant 0 : i32
      %dma_wait3A_44 = arith.constant 0 : i32
      %dma_wait3A_45 = arith.constant 0 : i32
      %dma_wait3A_46 = arith.constant 0 : i32
      %dma_wait3A_47 = tpu.memref_slice %arg10[%dma_wait3A_44, %dma_wait3A_45, %dma_wait3A_46] : memref<2x64x128xf32, #tpu.memory_space<vmem>> -> memref<1x64x128xf32, #tpu.memory_space<vmem>>
      %dma_wait3A_48 = tpu.memref_squeeze %dma_wait3A_47 : memref<1x64x128xf32, #tpu.memory_space<vmem>> -> memref<64x128xf32, #tpu.memory_space<vmem>>
      %dma_wait3A_49 = tpu.memref_slice %arg8[%dma_wait3A, %mul3A_20] : memref<2x512xi32, #tpu.memory_space<vmem>> -> memref<1x64xi32, #tpu.memory_space<vmem>>
      %dma_wait3A_50 = tpu.memref_squeeze %dma_wait3A_49 : memref<1x64xi32, #tpu.memory_space<vmem>> -> memref<64xi32, #tpu.memory_space<vmem>>
      %dma_wait3A_51 = arith.constant 0 : i32
      %dma_wait3A_52 = arith.constant 0 : i32
      %dma_wait3A_53 = tpu.memref_slice %arg2[%dma_wait3A_51, %dma_wait3A_52] : memref<50000x128xf32, #tpu.memory_space<hbm>> -> memref<50000x128xf32, #tpu.memory_space<hbm>>
      tpu.wait_indirect_dma semaphore(%arg13 : memref<!tpu.dma_semaphore, #tpu.memory_space<semaphore_mem>>) src(%dma_wait3A_53 : memref<50000x128xf32, #tpu.memory_space<hbm>>) dst(%dma_wait3A_48 : memref<64x128xf32, #tpu.memory_space<vmem>>)
      %dma_wait3A_54 = arith.constant 1 : i32
      %dma_wait3A_55 = arith.constant 1 : i32
      %dma_wait3A_56 = arith.constant 0 : i32
      %dma_wait3A_57 = arith.constant 0 : i32
      %dma_wait3A_58 = tpu.memref_slice %arg10[%dma_wait3A_55, %dma_wait3A_56, %dma_wait3A_57] : memref<2x64x128xf32, #tpu.memory_space<vmem>> -> memref<1x64x128xf32, #tpu.memory_space<vmem>>
      %dma_wait3A_59 = tpu.memref_squeeze %dma_wait3A_58 : memref<1x64x128xf32, #tpu.memory_space<vmem>> -> memref<64x128xf32, #tpu.memory_space<vmem>>
      %dma_wait3A_60 = tpu.memref_slice %arg8[%dma_wait3A_54, %mul3A_32] : memref<2x512xi32, #tpu.memory_space<vmem>> -> memref<1x64xi32, #tpu.memory_space<vmem>>
      %dma_wait3A_61 = tpu.memref_squeeze %dma_wait3A_60 : memref<1x64xi32, #tpu.memory_space<vmem>> -> memref<64xi32, #tpu.memory_space<vmem>>
      %dma_wait3A_62 = arith.constant 0 : i32
      %dma_wait3A_63 = arith.constant 0 : i32
      %dma_wait3A_64 = tpu.memref_slice %arg2[%dma_wait3A_62, %dma_wait3A_63] : memref<50000x128xf32, #tpu.memory_space<hbm>> -> memref<50000x128xf32, #tpu.memory_space<hbm>>
      tpu.wait_indirect_dma semaphore(%arg13 : memref<!tpu.dma_semaphore, #tpu.memory_space<semaphore_mem>>) src(%dma_wait3A_64 : memref<50000x128xf32, #tpu.memory_space<hbm>>) dst(%dma_wait3A_59 : memref<64x128xf32, #tpu.memory_space<vmem>>)
      %scan3A_65 = arith.constant 0 : i32
      %scan3A_66 = arith.constant 0 : i32
      %scan3A_67 = arith.constant 4 : i32
      %scan3A_68 = arith.addi %scan3A_66, %scan3A_67 : i32
      %scan3A_69 = arith.constant 1 : i32
      scf.for %scan3A_71 = %scan3A_66 to %scan3A_68 step %scan3A_69  : i32 {
        %mul3A_72 = arith.constant 64 : i32
        %mul3A_73 = arith.muli %scan3A_18, %mul3A_72 : i32
        %mul3A_74 = arith.constant 16 : i32
        %mul3A_75 = arith.muli %scan3A_71, %mul3A_74 : i32
        %add3A_76 = arith.addi %mul3A_73, %mul3A_75 : i32
        %get3A_77 = arith.constant 0 : i32
        %get3A_78 = arith.index_cast %get3A_77 : i32 to index
        %get3A_79 = arith.index_cast %add3A_76 : i32 to index
        %get3A_80 = tpu.vector_load %arg9[%get3A_78, %get3A_79] {strides = array<i32>} : memref<2x512xi32, #tpu.memory_space<vmem>>, vector<16xi32>,
        %get3A_81 = arith.constant 1 : i32
        %get3A_82 = arith.index_cast %get3A_81 : i32 to index
        %get3A_83 = arith.index_cast %add3A_76 : i32 to index
        %get3A_84 = tpu.vector_load %arg9[%get3A_82, %get3A_83] {strides = array<i32>} : memref<2x512xi32, #tpu.memory_space<vmem>>, vector<16xi32>,
        %mul3A_85 = arith.constant 16 : i32
        %mul3A_86 = arith.muli %scan3A_71, %mul3A_85 : i32
        %add3A_87 = arith.constant 0 : i32
        %add3A_88 = arith.addi %mul3A_86, %add3A_87 : i32
        %slice3A = vector.extract_strided_slice %get3A_80 {offsets = [0], sizes = [1], strides = [1]} : vector<16xi32> to vector<1xi32>
        %squeeze3A = vector.extract %slice3A[0] : i32 from vector<1xi32>
        %slice3A_89 = vector.extract_strided_slice %get3A_84 {offsets = [0], sizes = [1], strides = [1]} : vector<16xi32> to vector<1xi32>
        %squeeze3A_90 = vector.extract %slice3A_89[0] : i32 from vector<1xi32>
        %add3A_91 = arith.constant 0 : i32
        %add3A_92 = arith.addi %squeeze3A, %add3A_91 : i32
        %get3A_93 = arith.constant 0 : i32
        %get3A_94 = arith.index_cast %get3A_93 : i32 to index
        %get3A_95 = arith.index_cast %add3A_88 : i32 to index
        %get3A_96 = arith.index_cast %add3A_92 : i32 to index
        %get3A_97 = tpu.vector_load %arg10[%get3A_94, %get3A_95, %get3A_96] {strides = array<i32>} : memref<2x64x128xf32, #tpu.memory_space<vmem>>, vector<16xf32>,
        %add3A_98 = arith.constant 0 : i32
        %add3A_99 = arith.addi %squeeze3A_90, %add3A_98 : i32
        %get3A_100 = arith.constant 1 : i32
        %get3A_101 = arith.index_cast %get3A_100 : i32 to index
        %get3A_102 = arith.index_cast %add3A_88 : i32 to index
        %get3A_103 = arith.index_cast %add3A_99 : i32 to index
        %get3A_104 = tpu.vector_load %arg10[%get3A_101, %get3A_102, %get3A_103] {strides = array<i32>} : memref<2x64x128xf32, #tpu.memory_space<vmem>>, vector<16xf32>,
        %sub3A = arith.subf %get3A_97, %get3A_104 : vector<16xf32>
        %mul3A_105 = arith.mulf %sub3A, %sub3A : vector<16xf32>
        %add3A_106 = arith.constant 16 : i32
        %add3A_107 = arith.addi %squeeze3A, %add3A_106 : i32
        %get3A_108 = arith.constant 0 : i32
        %get3A_109 = arith.index_cast %get3A_108 : i32 to index
        %get3A_110 = arith.index_cast %add3A_88 : i32 to index
        %get3A_111 = arith.index_cast %add3A_107 : i32 to index
        %get3A_112 = tpu.vector_load %arg10[%get3A_109, %get3A_110, %get3A_111] {strides = array<i32>} : memref<2x64x128xf32, #tpu.memory_space<vmem>>, vector<16xf32>,
        %add3A_113 = arith.constant 16 : i32
        %add3A_114 = arith.addi %squeeze3A_90, %add3A_113 : i32
        %get3A_115 = arith.constant 1 : i32
        %get3A_116 = arith.index_cast %get3A_115 : i32 to index
        %get3A_117 = arith.index_cast %add3A_88 : i32 to index
        %get3A_118 = arith.index_cast %add3A_114 : i32 to index
        %get3A_119 = tpu.vector_load %arg10[%get3A_116, %get3A_117, %get3A_118] {strides = array<i32>} : memref<2x64x128xf32, #tpu.memory_space<vmem>>, vector<16xf32>,
        %sub3A_120 = arith.subf %get3A_112, %get3A_119 : vector<16xf32>
        %mul3A_121 = arith.mulf %sub3A_120, %sub3A_120 : vector<16xf32>
        %add3A_122 = arith.addf %mul3A_105, %mul3A_121 : vector<16xf32>
        %add3A_123 = arith.constant 32 : i32
        %add3A_124 = arith.addi %squeeze3A, %add3A_123 : i32
        %get3A_125 = arith.constant 0 : i32
        %get3A_126 = arith.index_cast %get3A_125 : i32 to index
        %get3A_127 = arith.index_cast %add3A_88 : i32 to index
        %get3A_128 = arith.index_cast %add3A_124 : i32 to index
        %get3A_129 = tpu.vector_load %arg10[%get3A_126, %get3A_127, %get3A_128] {strides = array<i32>} : memref<2x64x128xf32, #tpu.memory_space<vmem>>, vector<16xf32>,
        %add3A_130 = arith.constant 32 : i32
        %add3A_131 = arith.addi %squeeze3A_90, %add3A_130 : i32
        %get3A_132 = arith.constant 1 : i32
        %get3A_133 = arith.index_cast %get3A_132 : i32 to index
        %get3A_134 = arith.index_cast %add3A_88 : i32 to index
        %get3A_135 = arith.index_cast %add3A_131 : i32 to index
        %get3A_136 = tpu.vector_load %arg10[%get3A_133, %get3A_134, %get3A_135] {strides = array<i32>} : memref<2x64x128xf32, #tpu.memory_space<vmem>>, vector<16xf32>,
        %sub3A_137 = arith.subf %get3A_129, %get3A_136 : vector<16xf32>
        %mul3A_138 = arith.mulf %sub3A_137, %sub3A_137 : vector<16xf32>
        %add3A_139 = arith.addf %add3A_122, %mul3A_138 : vector<16xf32>
        %add3A_140 = arith.constant 48 : i32
        %add3A_141 = arith.addi %squeeze3A, %add3A_140 : i32
        %get3A_142 = arith.constant 0 : i32
        %get3A_143 = arith.index_cast %get3A_142 : i32 to index
        %get3A_144 = arith.index_cast %add3A_88 : i32 to index
        %get3A_145 = arith.index_cast %add3A_141 : i32 to index
        %get3A_146 = tpu.vector_load %arg10[%get3A_143, %get3A_144, %get3A_145] {strides = array<i32>} : memref<2x64x128xf32, #tpu.memory_space<vmem>>, vector<16xf32>,
        %add3A_147 = arith.constant 48 : i32
        %add3A_148 = arith.addi %squeeze3A_90, %add3A_147 : i32
        %get3A_149 = arith.constant 1 : i32
        %get3A_150 = arith.index_cast %get3A_149 : i32 to index
        %get3A_151 = arith.index_cast %add3A_88 : i32 to index
        %get3A_152 = arith.index_cast %add3A_148 : i32 to index
        %get3A_153 = tpu.vector_load %arg10[%get3A_150, %get3A_151, %get3A_152] {strides = array<i32>} : memref<2x64x128xf32, #tpu.memory_space<vmem>>, vector<16xf32>,
        %sub3A_154 = arith.subf %get3A_146, %get3A_153 : vector<16xf32>
        %mul3A_155 = arith.mulf %sub3A_154, %sub3A_154 : vector<16xf32>
        %add3A_156 = arith.addf %add3A_139, %mul3A_155 : vector<16xf32>
        %swap3A = arith.constant 0 : index
        %swap3A_157 = tpu.vector_load %arg11[%swap3A] {strides = array<i32>} : memref<256xf32, #tpu.memory_space<vmem>>, vector<16xf32>,
        tpu.vector_store %arg11[%swap3A], %add3A_156 {strides = array<i32>} : memref<256xf32, #tpu.memory_space<vmem>>, vector<16xf32>,
        %mul3A_158 = arith.constant 16 : i32
        %mul3A_159 = arith.muli %scan3A_71, %mul3A_158 : i32
        %add3A_160 = arith.constant 1 : i32
        %add3A_161 = arith.addi %mul3A_159, %add3A_160 : i32
        %slice3A_162 = vector.extract_strided_slice %get3A_80 {offsets = [1], sizes = [1], strides = [1]} : vector<16xi32> to vector<1xi32>
        %squeeze3A_163 = vector.extract %slice3A_162[0] : i32 from vector<1xi32>
        %slice3A_164 = vector.extract_strided_slice %get3A_84 {offsets = [1], sizes = [1], strides = [1]} : vector<16xi32> to vector<1xi32>
        %squeeze3A_165 = vector.extract %slice3A_164[0] : i32 from vector<1xi32>
        %add3A_166 = arith.constant 0 : i32
        %add3A_167 = arith.addi %squeeze3A_163, %add3A_166 : i32
        %get3A_168 = arith.constant 0 : i32
        %get3A_169 = arith.index_cast %get3A_168 : i32 to index
        %get3A_170 = arith.index_cast %add3A_161 : i32 to index
        %get3A_171 = arith.index_cast %add3A_167 : i32 to index
        %get3A_172 = tpu.vector_load %arg10[%get3A_169, %get3A_170, %get3A_171] {strides = array<i32>} : memref<2x64x128xf32, #tpu.memory_space<vmem>>, vector<16xf32>,
        %add3A_173 = arith.constant 0 : i32
        %add3A_174 = arith.addi %squeeze3A_165, %add3A_173 : i32
        %get3A_175 = arith.constant 1 : i32
        %get3A_176 = arith.index_cast %get3A_175 : i32 to index
        %get3A_177 = arith.index_cast %add3A_161 : i32 to index
        %get3A_178 = arith.index_cast %add3A_174 : i32 to index
        %get3A_179 = tpu.vector_load %arg10[%get3A_176, %get3A_177, %get3A_178] {strides = array<i32>} : memref<2x64x128xf32, #tpu.memory_space<vmem>>, vector<16xf32>,
        %sub3A_180 = arith.subf %get3A_172, %get3A_179 : vector<16xf32>
        %mul3A_181 = arith.mulf %sub3A_180, %sub3A_180 : vector<16xf32>
        %add3A_182 = arith.constant 16 : i32
        %add3A_183 = arith.addi %squeeze3A_163, %add3A_182 : i32
        %get3A_184 = arith.constant 0 : i32
        %get3A_185 = arith.index_cast %get3A_184 : i32 to index
        %get3A_186 = arith.index_cast %add3A_161 : i32 to index
        %get3A_187 = arith.index_cast %add3A_183 : i32 to index
        %get3A_188 = tpu.vector_load %arg10[%get3A_185, %get3A_186, %get3A_187] {strides = array<i32>} : memref<2x64x128xf32, #tpu.memory_space<vmem>>, vector<16xf32>,
        %add3A_189 = arith.constant 16 : i32
        %add3A_190 = arith.addi %squeeze3A_165, %add3A_189 : i32
        %get3A_191 = arith.constant 1 : i32
        %get3A_192 = arith.index_cast %get3A_191 : i32 to index
        %get3A_193 = arith.index_cast %add3A_161 : i32 to index
        %get3A_194 = arith.index_cast %add3A_190 : i32 to index
        %get3A_195 = tpu.vector_load %arg10[%get3A_192, %get3A_193, %get3A_194] {strides = array<i32>} : memref<2x64x128xf32, #tpu.memory_space<vmem>>, vector<16xf32>,
        %sub3A_196 = arith.subf %get3A_188, %get3A_195 : vector<16xf32>
        %mul3A_197 = arith.mulf %sub3A_196, %sub3A_196 : vector<16xf32>
        %add3A_198 = arith.addf %mul3A_181, %mul3A_197 : vector<16xf32>
        %add3A_199 = arith.constant 32 : i32
        %add3A_200 = arith.addi %squeeze3A_163, %add3A_199 : i32
        %get3A_201 = arith.constant 0 : i32
        %get3A_202 = arith.index_cast %get3A_201 : i32 to index
        %get3A_203 = arith.index_cast %add3A_161 : i32 to index
        %get3A_204 = arith.index_cast %add3A_200 : i32 to index
        %get3A_205 = tpu.vector_load %arg10[%get3A_202, %get3A_203, %get3A_204] {strides = array<i32>} : memref<2x64x128xf32, #tpu.memory_space<vmem>>, vector<16xf32>,
        %add3A_206 = arith.constant 32 : i32
        %add3A_207 = arith.addi %squeeze3A_165, %add3A_206 : i32
        %get3A_208 = arith.constant 1 : i32
        %get3A_209 = arith.index_cast %get3A_208 : i32 to index
        %get3A_210 = arith.index_cast %add3A_161 : i32 to index
        %get3A_211 = arith.index_cast %add3A_207 : i32 to index
        %get3A_212 = tpu.vector_load %arg10[%get3A_209, %get3A_210, %get3A_211] {strides = array<i32>} : memref<2x64x128xf32, #tpu.memory_space<vmem>>, vector<16xf32>,
        %sub3A_213 = arith.subf %get3A_205, %get3A_212 : vector<16xf32>
        %mul3A_214 = arith.mulf %sub3A_213, %sub3A_213 : vector<16xf32>
        %add3A_215 = arith.addf %add3A_198, %mul3A_214 : vector<16xf32>
        %add3A_216 = arith.constant 48 : i32
        %add3A_217 = arith.addi %squeeze3A_163, %add3A_216 : i32
        %get3A_218 = arith.constant 0 : i32
        %get3A_219 = arith.index_cast %get3A_218 : i32 to index
        %get3A_220 = arith.index_cast %add3A_161 : i32 to index
        %get3A_221 = arith.index_cast %add3A_217 : i32 to index
        %get3A_222 = tpu.vector_load %arg10[%get3A_219, %get3A_220, %get3A_221] {strides = array<i32>} : memref<2x64x128xf32, #tpu.memory_space<vmem>>, vector<16xf32>,
        %add3A_223 = arith.constant 48 : i32
        %add3A_224 = arith.addi %squeeze3A_165, %add3A_223 : i32
        %get3A_225 = arith.constant 1 : i32
        %get3A_226 = arith.index_cast %get3A_225 : i32 to index
        %get3A_227 = arith.index_cast %add3A_161 : i32 to index
        %get3A_228 = arith.index_cast %add3A_224 : i32 to index
        %get3A_229 = tpu.vector_load %arg10[%get3A_226, %get3A_227, %get3A_228] {strides = array<i32>} : memref<2x64x128xf32, #tpu.memory_space<vmem>>, vector<16xf32>,
        %sub3A_230 = arith.subf %get3A_222, %get3A_229 : vector<16xf32>
        %mul3A_231 = arith.mulf %sub3A_230, %sub3A_230 : vector<16xf32>
        %add3A_232 = arith.addf %add3A_215, %mul3A_231 : vector<16xf32>
        %swap3A_233 = arith.constant 16 : index
        %swap3A_234 = tpu.vector_load %arg11[%swap3A_233] {strides = array<i32>} : memref<256xf32, #tpu.memory_space<vmem>>, vector<16xf32>,
        tpu.vector_store %arg11[%swap3A_233], %add3A_232 {strides = array<i32>} : memref<256xf32, #tpu.memory_space<vmem>>, vector<16xf32>,
        %mul3A_235 = arith.constant 16 : i32
        %mul3A_236 = arith.muli %scan3A_71, %mul3A_235 : i32
        %add3A_237 = arith.constant 2 : i32
        %add3A_238 = arith.addi %mul3A_236, %add3A_237 : i32
        %slice3A_239 = vector.extract_strided_slice %get3A_80 {offsets = [2], sizes = [1], strides = [1]} : vector<16xi32> to vector<1xi32>
        %squeeze3A_240 = vector.extract %slice3A_239[0] : i32 from vector<1xi32>
        %slice3A_241 = vector.extract_strided_slice %get3A_84 {offsets = [2], sizes = [1], strides = [1]} : vector<16xi32> to vector<1xi32>
        %squeeze3A_242 = vector.extract %slice3A_241[0] : i32 from vector<1xi32>
        %add3A_243 = arith.constant 0 : i32
        %add3A_244 = arith.addi %squeeze3A_240, %add3A_243 : i32
        %get3A_245 = arith.constant 0 : i32
        %get3A_246 = arith.index_cast %get3A_245 : i32 to index
        %get3A_247 = arith.index_cast %add3A_238 : i32 to index
        %get3A_248 = arith.index_cast %add3A_244 : i32 to index
        %get3A_249 = tpu.vector_load %arg10[%get3A_246, %get3A_247, %get3A_248] {strides = array<i32>} : memref<2x64x128xf32, #tpu.memory_space<vmem>>, vector<16xf32>,
        %add3A_250 = arith.constant 0 : i32
        %add3A_251 = arith.addi %squeeze3A_242, %add3A_250 : i32
        %get3A_252 = arith.constant 1 : i32
        %get3A_253 = arith.index_cast %get3A_252 : i32 to index
        %get3A_254 = arith.index_cast %add3A_238 : i32 to index
        %get3A_255 = arith.index_cast %add3A_251 : i32 to index
        %get3A_256 = tpu.vector_load %arg10[%get3A_253, %get3A_254, %get3A_255] {strides = array<i32>} : memref<2x64x128xf32, #tpu.memory_space<vmem>>, vector<16xf32>,
        %sub3A_257 = arith.subf %get3A_249, %get3A_256 : vector<16xf32>
        %mul3A_258 = arith.mulf %sub3A_257, %sub3A_257 : vector<16xf32>
        %add3A_259 = arith.constant 16 : i32
        %add3A_260 = arith.addi %squeeze3A_240, %add3A_259 : i32
        %get3A_261 = arith.constant 0 : i32
        %get3A_262 = arith.index_cast %get3A_261 : i32 to index
        %get3A_263 = arith.index_cast %add3A_238 : i32 to index
        %get3A_264 = arith.index_cast %add3A_260 : i32 to index
        %get3A_265 = tpu.vector_load %arg10[%get3A_262, %get3A_263, %get3A_264] {strides = array<i32>} : memref<2x64x128xf32, #tpu.memory_space<vmem>>, vector<16xf32>,
        %add3A_266 = arith.constant 16 : i32
        %add3A_267 = arith.addi %squeeze3A_242, %add3A_266 : i32
        %get3A_268 = arith.constant 1 : i32
        %get3A_269 = arith.index_cast %get3A_268 : i32 to index
        %get3A_270 = arith.index_cast %add3A_238 : i32 to index
        %get3A_271 = arith.index_cast %add3A_267 : i32 to index
        %get3A_272 = tpu.vector_load %arg10[%get3A_269, %get3A_270, %get3A_271] {strides = array<i32>} : memref<2x64x128xf32, #tpu.memory_space<vmem>>, vector<16xf32>,
        %sub3A_273 = arith.subf %get3A_265, %get3A_272 : vector<16xf32>
        %mul3A_274 = arith.mulf %sub3A_273, %sub3A_273 : vector<16xf32>
        %add3A_275 = arith.addf %mul3A_258, %mul3A_274 : vector<16xf32>
        %add3A_276 = arith.constant 32 : i32
        %add3A_277 = arith.addi %squeeze3A_240, %add3A_276 : i32
        %get3A_278 = arith.constant 0 : i32
        %get3A_279 = arith.index_cast %get3A_278 : i32 to index
        %get3A_280 = arith.index_cast %add3A_238 : i32 to index
        %get3A_281 = arith.index_cast %add3A_277 : i32 to index
        %get3A_282 = tpu.vector_load %arg10[%get3A_279, %get3A_280, %get3A_281] {strides = array<i32>} : memref<2x64x128xf32, #tpu.memory_space<vmem>>, vector<16xf32>,
        %add3A_283 = arith.constant 32 : i32
        %add3A_284 = arith.addi %squeeze3A_242, %add3A_283 : i32
        %get3A_285 = arith.constant 1 : i32
        %get3A_286 = arith.index_cast %get3A_285 : i32 to index
        %get3A_287 = arith.index_cast %add3A_238 : i32 to index
        %get3A_288 = arith.index_cast %add3A_284 : i32 to index
        %get3A_289 = tpu.vector_load %arg10[%get3A_286, %get3A_287, %get3A_288] {strides = array<i32>} : memref<2x64x128xf32, #tpu.memory_space<vmem>>, vector<16xf32>,
        %sub3A_290 = arith.subf %get3A_282, %get3A_289 : vector<16xf32>
        %mul3A_291 = arith.mulf %sub3A_290, %sub3A_290 : vector<16xf32>
        %add3A_292 = arith.addf %add3A_275, %mul3A_291 : vector<16xf32>
        %add3A_293 = arith.constant 48 : i32
        %add3A_294 = arith.addi %squeeze3A_240, %add3A_293 : i32
        %get3A_295 = arith.constant 0 : i32
        %get3A_296 = arith.index_cast %get3A_295 : i32 to index
        %get3A_297 = arith.index_cast %add3A_238 : i32 to index
        %get3A_298 = arith.index_cast %add3A_294 : i32 to index
        %get3A_299 = tpu.vector_load %arg10[%get3A_296, %get3A_297, %get3A_298] {strides = array<i32>} : memref<2x64x128xf32, #tpu.memory_space<vmem>>, vector<16xf32>,
        %add3A_300 = arith.constant 48 : i32
        %add3A_301 = arith.addi %squeeze3A_242, %add3A_300 : i32
        %get3A_302 = arith.constant 1 : i32
        %get3A_303 = arith.index_cast %get3A_302 : i32 to index
        %get3A_304 = arith.index_cast %add3A_238 : i32 to index
        %get3A_305 = arith.index_cast %add3A_301 : i32 to index
        %get3A_306 = tpu.vector_load %arg10[%get3A_303, %get3A_304, %get3A_305] {strides = array<i32>} : memref<2x64x128xf32, #tpu.memory_space<vmem>>, vector<16xf32>,
        %sub3A_307 = arith.subf %get3A_299, %get3A_306 : vector<16xf32>
        %mul3A_308 = arith.mulf %sub3A_307, %sub3A_307 : vector<16xf32>
        %add3A_309 = arith.addf %add3A_292, %mul3A_308 : vector<16xf32>
        %swap3A_310 = arith.constant 32 : index
        %swap3A_311 = tpu.vector_load %arg11[%swap3A_310] {strides = array<i32>} : memref<256xf32, #tpu.memory_space<vmem>>, vector<16xf32>,
        tpu.vector_store %arg11[%swap3A_310], %add3A_309 {strides = array<i32>} : memref<256xf32, #tpu.memory_space<vmem>>, vector<16xf32>,
        %mul3A_312 = arith.constant 16 : i32
        %mul3A_313 = arith.muli %scan3A_71, %mul3A_312 : i32
        %add3A_314 = arith.constant 3 : i32
        %add3A_315 = arith.addi %mul3A_313, %add3A_314 : i32
        %slice3A_316 = vector.extract_strided_slice %get3A_80 {offsets = [3], sizes = [1], strides = [1]} : vector<16xi32> to vector<1xi32>
        %squeeze3A_317 = vector.extract %slice3A_316[0] : i32 from vector<1xi32>
        %slice3A_318 = vector.extract_strided_slice %get3A_84 {offsets = [3], sizes = [1], strides = [1]} : vector<16xi32> to vector<1xi32>
        %squeeze3A_319 = vector.extract %slice3A_318[0] : i32 from vector<1xi32>
        %add3A_320 = arith.constant 0 : i32
        %add3A_321 = arith.addi %squeeze3A_317, %add3A_320 : i32
        %get3A_322 = arith.constant 0 : i32
        %get3A_323 = arith.index_cast %get3A_322 : i32 to index
        %get3A_324 = arith.index_cast %add3A_315 : i32 to index
        %get3A_325 = arith.index_cast %add3A_321 : i32 to index
        %get3A_326 = tpu.vector_load %arg10[%get3A_323, %get3A_324, %get3A_325] {strides = array<i32>} : memref<2x64x128xf32, #tpu.memory_space<vmem>>, vector<16xf32>,
        %add3A_327 = arith.constant 0 : i32
        %add3A_328 = arith.addi %squeeze3A_319, %add3A_327 : i32
        %get3A_329 = arith.constant 1 : i32
        %get3A_330 = arith.index_cast %get3A_329 : i32 to index
        %get3A_331 = arith.index_cast %add3A_315 : i32 to index
        %get3A_332 = arith.index_cast %add3A_328 : i32 to index
        %get3A_333 = tpu.vector_load %arg10[%get3A_330, %get3A_331, %get3A_332] {strides = array<i32>} : memref<2x64x128xf32, #tpu.memory_space<vmem>>, vector<16xf32>,
        %sub3A_334 = arith.subf %get3A_326, %get3A_333 : vector<16xf32>
        %mul3A_335 = arith.mulf %sub3A_334, %sub3A_334 : vector<16xf32>
        %add3A_336 = arith.constant 16 : i32
        %add3A_337 = arith.addi %squeeze3A_317, %add3A_336 : i32
        %get3A_338 = arith.constant 0 : i32
        %get3A_339 = arith.index_cast %get3A_338 : i32 to index
        %get3A_340 = arith.index_cast %add3A_315 : i32 to index
        %get3A_341 = arith.index_cast %add3A_337 : i32 to index
        %get3A_342 = tpu.vector_load %arg10[%get3A_339, %get3A_340, %get3A_341] {strides = array<i32>} : memref<2x64x128xf32, #tpu.memory_space<vmem>>, vector<16xf32>,
        %add3A_343 = arith.constant 16 : i32
        %add3A_344 = arith.addi %squeeze3A_319, %add3A_343 : i32
        %get3A_345 = arith.constant 1 : i32
        %get3A_346 = arith.index_cast %get3A_345 : i32 to index
        %get3A_347 = arith.index_cast %add3A_315 : i32 to index
        %get3A_348 = arith.index_cast %add3A_344 : i32 to index
        %get3A_349 = tpu.vector_load %arg10[%get3A_346, %get3A_347, %get3A_348] {strides = array<i32>} : memref<2x64x128xf32, #tpu.memory_space<vmem>>, vector<16xf32>,
        %sub3A_350 = arith.subf %get3A_342, %get3A_349 : vector<16xf32>
        %mul3A_351 = arith.mulf %sub3A_350, %sub3A_350 : vector<16xf32>
        %add3A_352 = arith.addf %mul3A_335, %mul3A_351 : vector<16xf32>
        %add3A_353 = arith.constant 32 : i32
        %add3A_354 = arith.addi %squeeze3A_317, %add3A_353 : i32
        %get3A_355 = arith.constant 0 : i32
        %get3A_356 = arith.index_cast %get3A_355 : i32 to index
        %get3A_357 = arith.index_cast %add3A_315 : i32 to index
        %get3A_358 = arith.index_cast %add3A_354 : i32 to index
        %get3A_359 = tpu.vector_load %arg10[%get3A_356, %get3A_357, %get3A_358] {strides = array<i32>} : memref<2x64x128xf32, #tpu.memory_space<vmem>>, vector<16xf32>,
        %add3A_360 = arith.constant 32 : i32
        %add3A_361 = arith.addi %squeeze3A_319, %add3A_360 : i32
        %get3A_362 = arith.constant 1 : i32
        %get3A_363 = arith.index_cast %get3A_362 : i32 to index
        %get3A_364 = arith.index_cast %add3A_315 : i32 to index
        %get3A_365 = arith.index_cast %add3A_361 : i32 to index
        %get3A_366 = tpu.vector_load %arg10[%get3A_363, %get3A_364, %get3A_365] {strides = array<i32>} : memref<2x64x128xf32, #tpu.memory_space<vmem>>, vector<16xf32>,
        %sub3A_367 = arith.subf %get3A_359, %get3A_366 : vector<16xf32>
        %mul3A_368 = arith.mulf %sub3A_367, %sub3A_367 : vector<16xf32>
        %add3A_369 = arith.addf %add3A_352, %mul3A_368 : vector<16xf32>
        %add3A_370 = arith.constant 48 : i32
        %add3A_371 = arith.addi %squeeze3A_317, %add3A_370 : i32
        %get3A_372 = arith.constant 0 : i32
        %get3A_373 = arith.index_cast %get3A_372 : i32 to index
        %get3A_374 = arith.index_cast %add3A_315 : i32 to index
        %get3A_375 = arith.index_cast %add3A_371 : i32 to index
        %get3A_376 = tpu.vector_load %arg10[%get3A_373, %get3A_374, %get3A_375] {strides = array<i32>} : memref<2x64x128xf32, #tpu.memory_space<vmem>>, vector<16xf32>,
        %add3A_377 = arith.constant 48 : i32
        %add3A_378 = arith.addi %squeeze3A_319, %add3A_377 : i32
        %get3A_379 = arith.constant 1 : i32
        %get3A_380 = arith.index_cast %get3A_379 : i32 to index
        %get3A_381 = arith.index_cast %add3A_315 : i32 to index
        %get3A_382 = arith.index_cast %add3A_378 : i32 to index
        %get3A_383 = tpu.vector_load %arg10[%get3A_380, %get3A_381, %get3A_382] {strides = array<i32>} : memref<2x64x128xf32, #tpu.memory_space<vmem>>, vector<16xf32>,
        %sub3A_384 = arith.subf %get3A_376, %get3A_383 : vector<16xf32>
        %mul3A_385 = arith.mulf %sub3A_384, %sub3A_384 : vector<16xf32>
        %add3A_386 = arith.addf %add3A_369, %mul3A_385 : vector<16xf32>
        %swap3A_387 = arith.constant 48 : index
        %swap3A_388 = tpu.vector_load %arg11[%swap3A_387] {strides = array<i32>} : memref<256xf32, #tpu.memory_space<vmem>>, vector<16xf32>,
        tpu.vector_store %arg11[%swap3A_387], %add3A_386 {strides = array<i32>} : memref<256xf32, #tpu.memory_space<vmem>>, vector<16xf32>,
        %mul3A_389 = arith.constant 16 : i32
        %mul3A_390 = arith.muli %scan3A_71, %mul3A_389 : i32
        %add3A_391 = arith.constant 4 : i32
        %add3A_392 = arith.addi %mul3A_390, %add3A_391 : i32
        %slice3A_393 = vector.extract_strided_slice %get3A_80 {offsets = [4], sizes = [1], strides = [1]} : vector<16xi32> to vector<1xi32>
        %squeeze3A_394 = vector.extract %slice3A_393[0] : i32 from vector<1xi32>
        %slice3A_395 = vector.extract_strided_slice %get3A_84 {offsets = [4], sizes = [1], strides = [1]} : vector<16xi32> to vector<1xi32>
        %squeeze3A_396 = vector.extract %slice3A_395[0] : i32 from vector<1xi32>
        %add3A_397 = arith.constant 0 : i32
        %add3A_398 = arith.addi %squeeze3A_394, %add3A_397 : i32
        %get3A_399 = arith.constant 0 : i32
        %get3A_400 = arith.index_cast %get3A_399 : i32 to index
        %get3A_401 = arith.index_cast %add3A_392 : i32 to index
        %get3A_402 = arith.index_cast %add3A_398 : i32 to index
        %get3A_403 = tpu.vector_load %arg10[%get3A_400, %get3A_401, %get3A_402] {strides = array<i32>} : memref<2x64x128xf32, #tpu.memory_space<vmem>>, vector<16xf32>,
        %add3A_404 = arith.constant 0 : i32
        %add3A_405 = arith.addi %squeeze3A_396, %add3A_404 : i32
        %get3A_406 = arith.constant 1 : i32
        %get3A_407 = arith.index_cast %get3A_406 : i32 to index
        %get3A_408 = arith.index_cast %add3A_392 : i32 to index
        %get3A_409 = arith.index_cast %add3A_405 : i32 to index
        %get3A_410 = tpu.vector_load %arg10[%get3A_407, %get3A_408, %get3A_409] {strides = array<i32>} : memref<2x64x128xf32, #tpu.memory_space<vmem>>, vector<16xf32>,
        %sub3A_411 = arith.subf %get3A_403, %get3A_410 : vector<16xf32>
        %mul3A_412 = arith.mulf %sub3A_411, %sub3A_411 : vector<16xf32>
        %add3A_413 = arith.constant 16 : i32
        %add3A_414 = arith.addi %squeeze3A_394, %add3A_413 : i32
        %get3A_415 = arith.constant 0 : i32
        %get3A_416 = arith.index_cast %get3A_415 : i32 to index
        %get3A_417 = arith.index_cast %add3A_392 : i32 to index
        %get3A_418 = arith.index_cast %add3A_414 : i32 to index
        %get3A_419 = tpu.vector_load %arg10[%get3A_416, %get3A_417, %get3A_418] {strides = array<i32>} : memref<2x64x128xf32, #tpu.memory_space<vmem>>, vector<16xf32>,
        %add3A_420 = arith.constant 16 : i32
        %add3A_421 = arith.addi %squeeze3A_396, %add3A_420 : i32
        %get3A_422 = arith.constant 1 : i32
        %get3A_423 = arith.index_cast %get3A_422 : i32 to index
        %get3A_424 = arith.index_cast %add3A_392 : i32 to index
        %get3A_425 = arith.index_cast %add3A_421 : i32 to index
        %get3A_426 = tpu.vector_load %arg10[%get3A_423, %get3A_424, %get3A_425] {strides = array<i32>} : memref<2x64x128xf32, #tpu.memory_space<vmem>>, vector<16xf32>,
        %sub3A_427 = arith.subf %get3A_419, %get3A_426 : vector<16xf32>
        %mul3A_428 = arith.mulf %sub3A_427, %sub3A_427 : vector<16xf32>
        %add3A_429 = arith.addf %mul3A_412, %mul3A_428 : vector<16xf32>
        %add3A_430 = arith.constant 32 : i32
        %add3A_431 = arith.addi %squeeze3A_394, %add3A_430 : i32
        %get3A_432 = arith.constant 0 : i32
        %get3A_433 = arith.index_cast %get3A_432 : i32 to index
        %get3A_434 = arith.index_cast %add3A_392 : i32 to index
        %get3A_435 = arith.index_cast %add3A_431 : i32 to index
        %get3A_436 = tpu.vector_load %arg10[%get3A_433, %get3A_434, %get3A_435] {strides = array<i32>} : memref<2x64x128xf32, #tpu.memory_space<vmem>>, vector<16xf32>,
        %add3A_437 = arith.constant 32 : i32
        %add3A_438 = arith.addi %squeeze3A_396, %add3A_437 : i32
        %get3A_439 = arith.constant 1 : i32
        %get3A_440 = arith.index_cast %get3A_439 : i32 to index
        %get3A_441 = arith.index_cast %add3A_392 : i32 to index
        %get3A_442 = arith.index_cast %add3A_438 : i32 to index
        %get3A_443 = tpu.vector_load %arg10[%get3A_440, %get3A_441, %get3A_442] {strides = array<i32>} : memref<2x64x128xf32, #tpu.memory_space<vmem>>, vector<16xf32>,
        %sub3A_444 = arith.subf %get3A_436, %get3A_443 : vector<16xf32>
        %mul3A_445 = arith.mulf %sub3A_444, %sub3A_444 : vector<16xf32>
        %add3A_446 = arith.addf %add3A_429, %mul3A_445 : vector<16xf32>
        %add3A_447 = arith.constant 48 : i32
        %add3A_448 = arith.addi %squeeze3A_394, %add3A_447 : i32
        %get3A_449 = arith.constant 0 : i32
        %get3A_450 = arith.index_cast %get3A_449 : i32 to index
        %get3A_451 = arith.index_cast %add3A_392 : i32 to index
        %get3A_452 = arith.index_cast %add3A_448 : i32 to index
        %get3A_453 = tpu.vector_load %arg10[%get3A_450, %get3A_451, %get3A_452] {strides = array<i32>} : memref<2x64x128xf32, #tpu.memory_space<vmem>>, vector<16xf32>,
        %add3A_454 = arith.constant 48 : i32
        %add3A_455 = arith.addi %squeeze3A_396, %add3A_454 : i32
        %get3A_456 = arith.constant 1 : i32
        %get3A_457 = arith.index_cast %get3A_456 : i32 to index
        %get3A_458 = arith.index_cast %add3A_392 : i32 to index
        %get3A_459 = arith.index_cast %add3A_455 : i32 to index
        %get3A_460 = tpu.vector_load %arg10[%get3A_457, %get3A_458, %get3A_459] {strides = array<i32>} : memref<2x64x128xf32, #tpu.memory_space<vmem>>, vector<16xf32>,
        %sub3A_461 = arith.subf %get3A_453, %get3A_460 : vector<16xf32>
        %mul3A_462 = arith.mulf %sub3A_461, %sub3A_461 : vector<16xf32>
        %add3A_463 = arith.addf %add3A_446, %mul3A_462 : vector<16xf32>
        %swap3A_464 = arith.constant 64 : index
        %swap3A_465 = tpu.vector_load %arg11[%swap3A_464] {strides = array<i32>} : memref<256xf32, #tpu.memory_space<vmem>>, vector<16xf32>,
        tpu.vector_store %arg11[%swap3A_464], %add3A_463 {strides = array<i32>} : memref<256xf32, #tpu.memory_space<vmem>>, vector<16xf32>,
        %mul3A_466 = arith.constant 16 : i32
        %mul3A_467 = arith.muli %scan3A_71, %mul3A_466 : i32
        %add3A_468 = arith.constant 5 : i32
        %add3A_469 = arith.addi %mul3A_467, %add3A_468 : i32
        %slice3A_470 = vector.extract_strided_slice %get3A_80 {offsets = [5], sizes = [1], strides = [1]} : vector<16xi32> to vector<1xi32>
        %squeeze3A_471 = vector.extract %slice3A_470[0] : i32 from vector<1xi32>
        %slice3A_472 = vector.extract_strided_slice %get3A_84 {offsets = [5], sizes = [1], strides = [1]} : vector<16xi32> to vector<1xi32>
        %squeeze3A_473 = vector.extract %slice3A_472[0] : i32 from vector<1xi32>
        %add3A_474 = arith.constant 0 : i32
        %add3A_475 = arith.addi %squeeze3A_471, %add3A_474 : i32
        %get3A_476 = arith.constant 0 : i32
        %get3A_477 = arith.index_cast %get3A_476 : i32 to index
        %get3A_478 = arith.index_cast %add3A_469 : i32 to index
        %get3A_479 = arith.index_cast %add3A_475 : i32 to index
        %get3A_480 = tpu.vector_load %arg10[%get3A_477, %get3A_478, %get3A_479] {strides = array<i32>} : memref<2x64x128xf32, #tpu.memory_space<vmem>>, vector<16xf32>,
        %add3A_481 = arith.constant 0 : i32
        %add3A_482 = arith.addi %squeeze3A_473, %add3A_481 : i32
        %get3A_483 = arith.constant 1 : i32
        %get3A_484 = arith.index_cast %get3A_483 : i32 to index
        %get3A_485 = arith.index_cast %add3A_469 : i32 to index
        %get3A_486 = arith.index_cast %add3A_482 : i32 to index
        %get3A_487 = tpu.vector_load %arg10[%get3A_484, %get3A_485, %get3A_486] {strides = array<i32>} : memref<2x64x128xf32, #tpu.memory_space<vmem>>, vector<16xf32>,
        %sub3A_488 = arith.subf %get3A_480, %get3A_487 : vector<16xf32>
        %mul3A_489 = arith.mulf %sub3A_488, %sub3A_488 : vector<16xf32>
        %add3A_490 = arith.constant 16 : i32
        %add3A_491 = arith.addi %squeeze3A_471, %add3A_490 : i32
        %get3A_492 = arith.constant 0 : i32
        %get3A_493 = arith.index_cast %get3A_492 : i32 to index
        %get3A_494 = arith.index_cast %add3A_469 : i32 to index
        %get3A_495 = arith.index_cast %add3A_491 : i32 to index
        %get3A_496 = tpu.vector_load %arg10[%get3A_493, %get3A_494, %get3A_495] {strides = array<i32>} : memref<2x64x128xf32, #tpu.memory_space<vmem>>, vector<16xf32>,
        %add3A_497 = arith.constant 16 : i32
        %add3A_498 = arith.addi %squeeze3A_473, %add3A_497 : i32
        %get3A_499 = arith.constant 1 : i32
        %get3A_500 = arith.index_cast %get3A_499 : i32 to index
        %get3A_501 = arith.index_cast %add3A_469 : i32 to index
        %get3A_502 = arith.index_cast %add3A_498 : i32 to index
        %get3A_503 = tpu.vector_load %arg10[%get3A_500, %get3A_501, %get3A_502] {strides = array<i32>} : memref<2x64x128xf32, #tpu.memory_space<vmem>>, vector<16xf32>,
        %sub3A_504 = arith.subf %get3A_496, %get3A_503 : vector<16xf32>
        %mul3A_505 = arith.mulf %sub3A_504, %sub3A_504 : vector<16xf32>
        %add3A_506 = arith.addf %mul3A_489, %mul3A_505 : vector<16xf32>
        %add3A_507 = arith.constant 32 : i32
        %add3A_508 = arith.addi %squeeze3A_471, %add3A_507 : i32
        %get3A_509 = arith.constant 0 : i32
        %get3A_510 = arith.index_cast %get3A_509 : i32 to index
        %get3A_511 = arith.index_cast %add3A_469 : i32 to index
        %get3A_512 = arith.index_cast %add3A_508 : i32 to index
        %get3A_513 = tpu.vector_load %arg10[%get3A_510, %get3A_511, %get3A_512] {strides = array<i32>} : memref<2x64x128xf32, #tpu.memory_space<vmem>>, vector<16xf32>,
        %add3A_514 = arith.constant 32 : i32
        %add3A_515 = arith.addi %squeeze3A_473, %add3A_514 : i32
        %get3A_516 = arith.constant 1 : i32
        %get3A_517 = arith.index_cast %get3A_516 : i32 to index
        %get3A_518 = arith.index_cast %add3A_469 : i32 to index
        %get3A_519 = arith.index_cast %add3A_515 : i32 to index
        %get3A_520 = tpu.vector_load %arg10[%get3A_517, %get3A_518, %get3A_519] {strides = array<i32>} : memref<2x64x128xf32, #tpu.memory_space<vmem>>, vector<16xf32>,
        %sub3A_521 = arith.subf %get3A_513, %get3A_520 : vector<16xf32>
        %mul3A_522 = arith.mulf %sub3A_521, %sub3A_521 : vector<16xf32>
        %add3A_523 = arith.addf %add3A_506, %mul3A_522 : vector<16xf32>
        %add3A_524 = arith.constant 48 : i32
        %add3A_525 = arith.addi %squeeze3A_471, %add3A_524 : i32
        %get3A_526 = arith.constant 0 : i32
        %get3A_527 = arith.index_cast %get3A_526 : i32 to index
        %get3A_528 = arith.index_cast %add3A_469 : i32 to index
        %get3A_529 = arith.index_cast %add3A_525 : i32 to index
        %get3A_530 = tpu.vector_load %arg10[%get3A_527, %get3A_528, %get3A_529] {strides = array<i32>} : memref<2x64x128xf32, #tpu.memory_space<vmem>>, vector<16xf32>,
        %add3A_531 = arith.constant 48 : i32
        %add3A_532 = arith.addi %squeeze3A_473, %add3A_531 : i32
        %get3A_533 = arith.constant 1 : i32
        %get3A_534 = arith.index_cast %get3A_533 : i32 to index
        %get3A_535 = arith.index_cast %add3A_469 : i32 to index
        %get3A_536 = arith.index_cast %add3A_532 : i32 to index
        %get3A_537 = tpu.vector_load %arg10[%get3A_534, %get3A_535, %get3A_536] {strides = array<i32>} : memref<2x64x128xf32, #tpu.memory_space<vmem>>, vector<16xf32>,
        %sub3A_538 = arith.subf %get3A_530, %get3A_537 : vector<16xf32>
        %mul3A_539 = arith.mulf %sub3A_538, %sub3A_538 : vector<16xf32>
        %add3A_540 = arith.addf %add3A_523, %mul3A_539 : vector<16xf32>
        %swap3A_541 = arith.constant 80 : index
        %swap3A_542 = tpu.vector_load %arg11[%swap3A_541] {strides = array<i32>} : memref<256xf32, #tpu.memory_space<vmem>>, vector<16xf32>,
        tpu.vector_store %arg11[%swap3A_541], %add3A_540 {strides = array<i32>} : memref<256xf32, #tpu.memory_space<vmem>>, vector<16xf32>,
        %mul3A_543 = arith.constant 16 : i32
        %mul3A_544 = arith.muli %scan3A_71, %mul3A_543 : i32
        %add3A_545 = arith.constant 6 : i32
        %add3A_546 = arith.addi %mul3A_544, %add3A_545 : i32
        %slice3A_547 = vector.extract_strided_slice %get3A_80 {offsets = [6], sizes = [1], strides = [1]} : vector<16xi32> to vector<1xi32>
        %squeeze3A_548 = vector.extract %slice3A_547[0] : i32 from vector<1xi32>
        %slice3A_549 = vector.extract_strided_slice %get3A_84 {offsets = [6], sizes = [1], strides = [1]} : vector<16xi32> to vector<1xi32>
        %squeeze3A_550 = vector.extract %slice3A_549[0] : i32 from vector<1xi32>
        %add3A_551 = arith.constant 0 : i32
        %add3A_552 = arith.addi %squeeze3A_548, %add3A_551 : i32
        %get3A_553 = arith.constant 0 : i32
        %get3A_554 = arith.index_cast %get3A_553 : i32 to index
        %get3A_555 = arith.index_cast %add3A_546 : i32 to index
        %get3A_556 = arith.index_cast %add3A_552 : i32 to index
        %get3A_557 = tpu.vector_load %arg10[%get3A_554, %get3A_555, %get3A_556] {strides = array<i32>} : memref<2x64x128xf32, #tpu.memory_space<vmem>>, vector<16xf32>,
        %add3A_558 = arith.constant 0 : i32
        %add3A_559 = arith.addi %squeeze3A_550, %add3A_558 : i32
        %get3A_560 = arith.constant 1 : i32
        %get3A_561 = arith.index_cast %get3A_560 : i32 to index
        %get3A_562 = arith.index_cast %add3A_546 : i32 to index
        %get3A_563 = arith.index_cast %add3A_559 : i32 to index
        %get3A_564 = tpu.vector_load %arg10[%get3A_561, %get3A_562, %get3A_563] {strides = array<i32>} : memref<2x64x128xf32, #tpu.memory_space<vmem>>, vector<16xf32>,
        %sub3A_565 = arith.subf %get3A_557, %get3A_564 : vector<16xf32>
        %mul3A_566 = arith.mulf %sub3A_565, %sub3A_565 : vector<16xf32>
        %add3A_567 = arith.constant 16 : i32
        %add3A_568 = arith.addi %squeeze3A_548, %add3A_567 : i32
        %get3A_569 = arith.constant 0 : i32
        %get3A_570 = arith.index_cast %get3A_569 : i32 to index
        %get3A_571 = arith.index_cast %add3A_546 : i32 to index
        %get3A_572 = arith.index_cast %add3A_568 : i32 to index
        %get3A_573 = tpu.vector_load %arg10[%get3A_570, %get3A_571, %get3A_572] {strides = array<i32>} : memref<2x64x128xf32, #tpu.memory_space<vmem>>, vector<16xf32>,
        %add3A_574 = arith.constant 16 : i32
        %add3A_575 = arith.addi %squeeze3A_550, %add3A_574 : i32
        %get3A_576 = arith.constant 1 : i32
        %get3A_577 = arith.index_cast %get3A_576 : i32 to index
        %get3A_578 = arith.index_cast %add3A_546 : i32 to index
        %get3A_579 = arith.index_cast %add3A_575 : i32 to index
        %get3A_580 = tpu.vector_load %arg10[%get3A_577, %get3A_578, %get3A_579] {strides = array<i32>} : memref<2x64x128xf32, #tpu.memory_space<vmem>>, vector<16xf32>,
        %sub3A_581 = arith.subf %get3A_573, %get3A_580 : vector<16xf32>
        %mul3A_582 = arith.mulf %sub3A_581, %sub3A_581 : vector<16xf32>
        %add3A_583 = arith.addf %mul3A_566, %mul3A_582 : vector<16xf32>
        %add3A_584 = arith.constant 32 : i32
        %add3A_585 = arith.addi %squeeze3A_548, %add3A_584 : i32
        %get3A_586 = arith.constant 0 : i32
        %get3A_587 = arith.index_cast %get3A_586 : i32 to index
        %get3A_588 = arith.index_cast %add3A_546 : i32 to index
        %get3A_589 = arith.index_cast %add3A_585 : i32 to index
        %get3A_590 = tpu.vector_load %arg10[%get3A_587, %get3A_588, %get3A_589] {strides = array<i32>} : memref<2x64x128xf32, #tpu.memory_space<vmem>>, vector<16xf32>,
        %add3A_591 = arith.constant 32 : i32
        %add3A_592 = arith.addi %squeeze3A_550, %add3A_591 : i32
        %get3A_593 = arith.constant 1 : i32
        %get3A_594 = arith.index_cast %get3A_593 : i32 to index
        %get3A_595 = arith.index_cast %add3A_546 : i32 to index
        %get3A_596 = arith.index_cast %add3A_592 : i32 to index
        %get3A_597 = tpu.vector_load %arg10[%get3A_594, %get3A_595, %get3A_596] {strides = array<i32>} : memref<2x64x128xf32, #tpu.memory_space<vmem>>, vector<16xf32>,
        %sub3A_598 = arith.subf %get3A_590, %get3A_597 : vector<16xf32>
        %mul3A_599 = arith.mulf %sub3A_598, %sub3A_598 : vector<16xf32>
        %add3A_600 = arith.addf %add3A_583, %mul3A_599 : vector<16xf32>
        %add3A_601 = arith.constant 48 : i32
        %add3A_602 = arith.addi %squeeze3A_548, %add3A_601 : i32
        %get3A_603 = arith.constant 0 : i32
        %get3A_604 = arith.index_cast %get3A_603 : i32 to index
        %get3A_605 = arith.index_cast %add3A_546 : i32 to index
        %get3A_606 = arith.index_cast %add3A_602 : i32 to index
        %get3A_607 = tpu.vector_load %arg10[%get3A_604, %get3A_605, %get3A_606] {strides = array<i32>} : memref<2x64x128xf32, #tpu.memory_space<vmem>>, vector<16xf32>,
        %add3A_608 = arith.constant 48 : i32
        %add3A_609 = arith.addi %squeeze3A_550, %add3A_608 : i32
        %get3A_610 = arith.constant 1 : i32
        %get3A_611 = arith.index_cast %get3A_610 : i32 to index
        %get3A_612 = arith.index_cast %add3A_546 : i32 to index
        %get3A_613 = arith.index_cast %add3A_609 : i32 to index
        %get3A_614 = tpu.vector_load %arg10[%get3A_611, %get3A_612, %get3A_613] {strides = array<i32>} : memref<2x64x128xf32, #tpu.memory_space<vmem>>, vector<16xf32>,
        %sub3A_615 = arith.subf %get3A_607, %get3A_614 : vector<16xf32>
        %mul3A_616 = arith.mulf %sub3A_615, %sub3A_615 : vector<16xf32>
        %add3A_617 = arith.addf %add3A_600, %mul3A_616 : vector<16xf32>
        %swap3A_618 = arith.constant 96 : index
        %swap3A_619 = tpu.vector_load %arg11[%swap3A_618] {strides = array<i32>} : memref<256xf32, #tpu.memory_space<vmem>>, vector<16xf32>,
        tpu.vector_store %arg11[%swap3A_618], %add3A_617 {strides = array<i32>} : memref<256xf32, #tpu.memory_space<vmem>>, vector<16xf32>,
        %mul3A_620 = arith.constant 16 : i32
        %mul3A_621 = arith.muli %scan3A_71, %mul3A_620 : i32
        %add3A_622 = arith.constant 7 : i32
        %add3A_623 = arith.addi %mul3A_621, %add3A_622 : i32
        %slice3A_624 = vector.extract_strided_slice %get3A_80 {offsets = [7], sizes = [1], strides = [1]} : vector<16xi32> to vector<1xi32>
        %squeeze3A_625 = vector.extract %slice3A_624[0] : i32 from vector<1xi32>
        %slice3A_626 = vector.extract_strided_slice %get3A_84 {offsets = [7], sizes = [1], strides = [1]} : vector<16xi32> to vector<1xi32>
        %squeeze3A_627 = vector.extract %slice3A_626[0] : i32 from vector<1xi32>
        %add3A_628 = arith.constant 0 : i32
        %add3A_629 = arith.addi %squeeze3A_625, %add3A_628 : i32
        %get3A_630 = arith.constant 0 : i32
        %get3A_631 = arith.index_cast %get3A_630 : i32 to index
        %get3A_632 = arith.index_cast %add3A_623 : i32 to index
        %get3A_633 = arith.index_cast %add3A_629 : i32 to index
        %get3A_634 = tpu.vector_load %arg10[%get3A_631, %get3A_632, %get3A_633] {strides = array<i32>} : memref<2x64x128xf32, #tpu.memory_space<vmem>>, vector<16xf32>,
        %add3A_635 = arith.constant 0 : i32
        %add3A_636 = arith.addi %squeeze3A_627, %add3A_635 : i32
        %get3A_637 = arith.constant 1 : i32
        %get3A_638 = arith.index_cast %get3A_637 : i32 to index
        %get3A_639 = arith.index_cast %add3A_623 : i32 to index
        %get3A_640 = arith.index_cast %add3A_636 : i32 to index
        %get3A_641 = tpu.vector_load %arg10[%get3A_638, %get3A_639, %get3A_640] {strides = array<i32>} : memref<2x64x128xf32, #tpu.memory_space<vmem>>, vector<16xf32>,
        %sub3A_642 = arith.subf %get3A_634, %get3A_641 : vector<16xf32>
        %mul3A_643 = arith.mulf %sub3A_642, %sub3A_642 : vector<16xf32>
        %add3A_644 = arith.constant 16 : i32
        %add3A_645 = arith.addi %squeeze3A_625, %add3A_644 : i32
        %get3A_646 = arith.constant 0 : i32
        %get3A_647 = arith.index_cast %get3A_646 : i32 to index
        %get3A_648 = arith.index_cast %add3A_623 : i32 to index
        %get3A_649 = arith.index_cast %add3A_645 : i32 to index
        %get3A_650 = tpu.vector_load %arg10[%get3A_647, %get3A_648, %get3A_649] {strides = array<i32>} : memref<2x64x128xf32, #tpu.memory_space<vmem>>, vector<16xf32>,
        %add3A_651 = arith.constant 16 : i32
        %add3A_652 = arith.addi %squeeze3A_627, %add3A_651 : i32
        %get3A_653 = arith.constant 1 : i32
        %get3A_654 = arith.index_cast %get3A_653 : i32 to index
        %get3A_655 = arith.index_cast %add3A_623 : i32 to index
        %get3A_656 = arith.index_cast %add3A_652 : i32 to index
        %get3A_657 = tpu.vector_load %arg10[%get3A_654, %get3A_655, %get3A_656] {strides = array<i32>} : memref<2x64x128xf32, #tpu.memory_space<vmem>>, vector<16xf32>,
        %sub3A_658 = arith.subf %get3A_650, %get3A_657 : vector<16xf32>
        %mul3A_659 = arith.mulf %sub3A_658, %sub3A_658 : vector<16xf32>
        %add3A_660 = arith.addf %mul3A_643, %mul3A_659 : vector<16xf32>
        %add3A_661 = arith.constant 32 : i32
        %add3A_662 = arith.addi %squeeze3A_625, %add3A_661 : i32
        %get3A_663 = arith.constant 0 : i32
        %get3A_664 = arith.index_cast %get3A_663 : i32 to index
        %get3A_665 = arith.index_cast %add3A_623 : i32 to index
        %get3A_666 = arith.index_cast %add3A_662 : i32 to index
        %get3A_667 = tpu.vector_load %arg10[%get3A_664, %get3A_665, %get3A_666] {strides = array<i32>} : memref<2x64x128xf32, #tpu.memory_space<vmem>>, vector<16xf32>,
        %add3A_668 = arith.constant 32 : i32
        %add3A_669 = arith.addi %squeeze3A_627, %add3A_668 : i32
        %get3A_670 = arith.constant 1 : i32
        %get3A_671 = arith.index_cast %get3A_670 : i32 to index
        %get3A_672 = arith.index_cast %add3A_623 : i32 to index
        %get3A_673 = arith.index_cast %add3A_669 : i32 to index
        %get3A_674 = tpu.vector_load %arg10[%get3A_671, %get3A_672, %get3A_673] {strides = array<i32>} : memref<2x64x128xf32, #tpu.memory_space<vmem>>, vector<16xf32>,
        %sub3A_675 = arith.subf %get3A_667, %get3A_674 : vector<16xf32>
        %mul3A_676 = arith.mulf %sub3A_675, %sub3A_675 : vector<16xf32>
        %add3A_677 = arith.addf %add3A_660, %mul3A_676 : vector<16xf32>
        %add3A_678 = arith.constant 48 : i32
        %add3A_679 = arith.addi %squeeze3A_625, %add3A_678 : i32
        %get3A_680 = arith.constant 0 : i32
        %get3A_681 = arith.index_cast %get3A_680 : i32 to index
        %get3A_682 = arith.index_cast %add3A_623 : i32 to index
        %get3A_683 = arith.index_cast %add3A_679 : i32 to index
        %get3A_684 = tpu.vector_load %arg10[%get3A_681, %get3A_682, %get3A_683] {strides = array<i32>} : memref<2x64x128xf32, #tpu.memory_space<vmem>>, vector<16xf32>,
        %add3A_685 = arith.constant 48 : i32
        %add3A_686 = arith.addi %squeeze3A_627, %add3A_685 : i32
        %get3A_687 = arith.constant 1 : i32
        %get3A_688 = arith.index_cast %get3A_687 : i32 to index
        %get3A_689 = arith.index_cast %add3A_623 : i32 to index
        %get3A_690 = arith.index_cast %add3A_686 : i32 to index
        %get3A_691 = tpu.vector_load %arg10[%get3A_688, %get3A_689, %get3A_690] {strides = array<i32>} : memref<2x64x128xf32, #tpu.memory_space<vmem>>, vector<16xf32>,
        %sub3A_692 = arith.subf %get3A_684, %get3A_691 : vector<16xf32>
        %mul3A_693 = arith.mulf %sub3A_692, %sub3A_692 : vector<16xf32>
        %add3A_694 = arith.addf %add3A_677, %mul3A_693 : vector<16xf32>
        %swap3A_695 = arith.constant 112 : index
        %swap3A_696 = tpu.vector_load %arg11[%swap3A_695] {strides = array<i32>} : memref<256xf32, #tpu.memory_space<vmem>>, vector<16xf32>,
        tpu.vector_store %arg11[%swap3A_695], %add3A_694 {strides = array<i32>} : memref<256xf32, #tpu.memory_space<vmem>>, vector<16xf32>,
        %mul3A_697 = arith.constant 16 : i32
        %mul3A_698 = arith.muli %scan3A_71, %mul3A_697 : i32
        %add3A_699 = arith.constant 8 : i32
        %add3A_700 = arith.addi %mul3A_698, %add3A_699 : i32
        %slice3A_701 = vector.extract_strided_slice %get3A_80 {offsets = [8], sizes = [1], strides = [1]} : vector<16xi32> to vector<1xi32>
        %squeeze3A_702 = vector.extract %slice3A_701[0] : i32 from vector<1xi32>
        %slice3A_703 = vector.extract_strided_slice %get3A_84 {offsets = [8], sizes = [1], strides = [1]} : vector<16xi32> to vector<1xi32>
        %squeeze3A_704 = vector.extract %slice3A_703[0] : i32 from vector<1xi32>
        %add3A_705 = arith.constant 0 : i32
        %add3A_706 = arith.addi %squeeze3A_702, %add3A_705 : i32
        %get3A_707 = arith.constant 0 : i32
        %get3A_708 = arith.index_cast %get3A_707 : i32 to index
        %get3A_709 = arith.index_cast %add3A_700 : i32 to index
        %get3A_710 = arith.index_cast %add3A_706 : i32 to index
        %get3A_711 = tpu.vector_load %arg10[%get3A_708, %get3A_709, %get3A_710] {strides = array<i32>} : memref<2x64x128xf32, #tpu.memory_space<vmem>>, vector<16xf32>,
        %add3A_712 = arith.constant 0 : i32
        %add3A_713 = arith.addi %squeeze3A_704, %add3A_712 : i32
        %get3A_714 = arith.constant 1 : i32
        %get3A_715 = arith.index_cast %get3A_714 : i32 to index
        %get3A_716 = arith.index_cast %add3A_700 : i32 to index
        %get3A_717 = arith.index_cast %add3A_713 : i32 to index
        %get3A_718 = tpu.vector_load %arg10[%get3A_715, %get3A_716, %get3A_717] {strides = array<i32>} : memref<2x64x128xf32, #tpu.memory_space<vmem>>, vector<16xf32>,
        %sub3A_719 = arith.subf %get3A_711, %get3A_718 : vector<16xf32>
        %mul3A_720 = arith.mulf %sub3A_719, %sub3A_719 : vector<16xf32>
        %add3A_721 = arith.constant 16 : i32
        %add3A_722 = arith.addi %squeeze3A_702, %add3A_721 : i32
        %get3A_723 = arith.constant 0 : i32
        %get3A_724 = arith.index_cast %get3A_723 : i32 to index
        %get3A_725 = arith.index_cast %add3A_700 : i32 to index
        %get3A_726 = arith.index_cast %add3A_722 : i32 to index
        %get3A_727 = tpu.vector_load %arg10[%get3A_724, %get3A_725, %get3A_726] {strides = array<i32>} : memref<2x64x128xf32, #tpu.memory_space<vmem>>, vector<16xf32>,
        %add3A_728 = arith.constant 16 : i32
        %add3A_729 = arith.addi %squeeze3A_704, %add3A_728 : i32
        %get3A_730 = arith.constant 1 : i32
        %get3A_731 = arith.index_cast %get3A_730 : i32 to index
        %get3A_732 = arith.index_cast %add3A_700 : i32 to index
        %get3A_733 = arith.index_cast %add3A_729 : i32 to index
        %get3A_734 = tpu.vector_load %arg10[%get3A_731, %get3A_732, %get3A_733] {strides = array<i32>} : memref<2x64x128xf32, #tpu.memory_space<vmem>>, vector<16xf32>,
        %sub3A_735 = arith.subf %get3A_727, %get3A_734 : vector<16xf32>
        %mul3A_736 = arith.mulf %sub3A_735, %sub3A_735 : vector<16xf32>
        %add3A_737 = arith.addf %mul3A_720, %mul3A_736 : vector<16xf32>
        %add3A_738 = arith.constant 32 : i32
        %add3A_739 = arith.addi %squeeze3A_702, %add3A_738 : i32
        %get3A_740 = arith.constant 0 : i32
        %get3A_741 = arith.index_cast %get3A_740 : i32 to index
        %get3A_742 = arith.index_cast %add3A_700 : i32 to index
        %get3A_743 = arith.index_cast %add3A_739 : i32 to index
        %get3A_744 = tpu.vector_load %arg10[%get3A_741, %get3A_742, %get3A_743] {strides = array<i32>} : memref<2x64x128xf32, #tpu.memory_space<vmem>>, vector<16xf32>,
        %add3A_745 = arith.constant 32 : i32
        %add3A_746 = arith.addi %squeeze3A_704, %add3A_745 : i32
        %get3A_747 = arith.constant 1 : i32
        %get3A_748 = arith.index_cast %get3A_747 : i32 to index
        %get3A_749 = arith.index_cast %add3A_700 : i32 to index
        %get3A_750 = arith.index_cast %add3A_746 : i32 to index
        %get3A_751 = tpu.vector_load %arg10[%get3A_748, %get3A_749, %get3A_750] {strides = array<i32>} : memref<2x64x128xf32, #tpu.memory_space<vmem>>, vector<16xf32>,
        %sub3A_752 = arith.subf %get3A_744, %get3A_751 : vector<16xf32>
        %mul3A_753 = arith.mulf %sub3A_752, %sub3A_752 : vector<16xf32>
        %add3A_754 = arith.addf %add3A_737, %mul3A_753 : vector<16xf32>
        %add3A_755 = arith.constant 48 : i32
        %add3A_756 = arith.addi %squeeze3A_702, %add3A_755 : i32
        %get3A_757 = arith.constant 0 : i32
        %get3A_758 = arith.index_cast %get3A_757 : i32 to index
        %get3A_759 = arith.index_cast %add3A_700 : i32 to index
        %get3A_760 = arith.index_cast %add3A_756 : i32 to index
        %get3A_761 = tpu.vector_load %arg10[%get3A_758, %get3A_759, %get3A_760] {strides = array<i32>} : memref<2x64x128xf32, #tpu.memory_space<vmem>>, vector<16xf32>,
        %add3A_762 = arith.constant 48 : i32
        %add3A_763 = arith.addi %squeeze3A_704, %add3A_762 : i32
        %get3A_764 = arith.constant 1 : i32
        %get3A_765 = arith.index_cast %get3A_764 : i32 to index
        %get3A_766 = arith.index_cast %add3A_700 : i32 to index
        %get3A_767 = arith.index_cast %add3A_763 : i32 to index
        %get3A_768 = tpu.vector_load %arg10[%get3A_765, %get3A_766, %get3A_767] {strides = array<i32>} : memref<2x64x128xf32, #tpu.memory_space<vmem>>, vector<16xf32>,
        %sub3A_769 = arith.subf %get3A_761, %get3A_768 : vector<16xf32>
        %mul3A_770 = arith.mulf %sub3A_769, %sub3A_769 : vector<16xf32>
        %add3A_771 = arith.addf %add3A_754, %mul3A_770 : vector<16xf32>
        %swap3A_772 = arith.constant 128 : index
        %swap3A_773 = tpu.vector_load %arg11[%swap3A_772] {strides = array<i32>} : memref<256xf32, #tpu.memory_space<vmem>>, vector<16xf32>,
        tpu.vector_store %arg11[%swap3A_772], %add3A_771 {strides = array<i32>} : memref<256xf32, #tpu.memory_space<vmem>>, vector<16xf32>,
        %mul3A_774 = arith.constant 16 : i32
        %mul3A_775 = arith.muli %scan3A_71, %mul3A_774 : i32
        %add3A_776 = arith.constant 9 : i32
        %add3A_777 = arith.addi %mul3A_775, %add3A_776 : i32
        %slice3A_778 = vector.extract_strided_slice %get3A_80 {offsets = [9], sizes = [1], strides = [1]} : vector<16xi32> to vector<1xi32>
        %squeeze3A_779 = vector.extract %slice3A_778[0] : i32 from vector<1xi32>
        %slice3A_780 = vector.extract_strided_slice %get3A_84 {offsets = [9], sizes = [1], strides = [1]} : vector<16xi32> to vector<1xi32>
        %squeeze3A_781 = vector.extract %slice3A_780[0] : i32 from vector<1xi32>
        %add3A_782 = arith.constant 0 : i32
        %add3A_783 = arith.addi %squeeze3A_779, %add3A_782 : i32
        %get3A_784 = arith.constant 0 : i32
        %get3A_785 = arith.index_cast %get3A_784 : i32 to index
        %get3A_786 = arith.index_cast %add3A_777 : i32 to index
        %get3A_787 = arith.index_cast %add3A_783 : i32 to index
        %get3A_788 = tpu.vector_load %arg10[%get3A_785, %get3A_786, %get3A_787] {strides = array<i32>} : memref<2x64x128xf32, #tpu.memory_space<vmem>>, vector<16xf32>,
        %add3A_789 = arith.constant 0 : i32
        %add3A_790 = arith.addi %squeeze3A_781, %add3A_789 : i32
        %get3A_791 = arith.constant 1 : i32
        %get3A_792 = arith.index_cast %get3A_791 : i32 to index
        %get3A_793 = arith.index_cast %add3A_777 : i32 to index
        %get3A_794 = arith.index_cast %add3A_790 : i32 to index
        %get3A_795 = tpu.vector_load %arg10[%get3A_792, %get3A_793, %get3A_794] {strides = array<i32>} : memref<2x64x128xf32, #tpu.memory_space<vmem>>, vector<16xf32>,
        %sub3A_796 = arith.subf %get3A_788, %get3A_795 : vector<16xf32>
        %mul3A_797 = arith.mulf %sub3A_796, %sub3A_796 : vector<16xf32>
        %add3A_798 = arith.constant 16 : i32
        %add3A_799 = arith.addi %squeeze3A_779, %add3A_798 : i32
        %get3A_800 = arith.constant 0 : i32
        %get3A_801 = arith.index_cast %get3A_800 : i32 to index
        %get3A_802 = arith.index_cast %add3A_777 : i32 to index
        %get3A_803 = arith.index_cast %add3A_799 : i32 to index
        %get3A_804 = tpu.vector_load %arg10[%get3A_801, %get3A_802, %get3A_803] {strides = array<i32>} : memref<2x64x128xf32, #tpu.memory_space<vmem>>, vector<16xf32>,
        %add3A_805 = arith.constant 16 : i32
        %add3A_806 = arith.addi %squeeze3A_781, %add3A_805 : i32
        %get3A_807 = arith.constant 1 : i32
        %get3A_808 = arith.index_cast %get3A_807 : i32 to index
        %get3A_809 = arith.index_cast %add3A_777 : i32 to index
        %get3A_810 = arith.index_cast %add3A_806 : i32 to index
        %get3A_811 = tpu.vector_load %arg10[%get3A_808, %get3A_809, %get3A_810] {strides = array<i32>} : memref<2x64x128xf32, #tpu.memory_space<vmem>>, vector<16xf32>,
        %sub3A_812 = arith.subf %get3A_804, %get3A_811 : vector<16xf32>
        %mul3A_813 = arith.mulf %sub3A_812, %sub3A_812 : vector<16xf32>
        %add3A_814 = arith.addf %mul3A_797, %mul3A_813 : vector<16xf32>
        %add3A_815 = arith.constant 32 : i32
        %add3A_816 = arith.addi %squeeze3A_779, %add3A_815 : i32
        %get3A_817 = arith.constant 0 : i32
        %get3A_818 = arith.index_cast %get3A_817 : i32 to index
        %get3A_819 = arith.index_cast %add3A_777 : i32 to index
        %get3A_820 = arith.index_cast %add3A_816 : i32 to index
        %get3A_821 = tpu.vector_load %arg10[%get3A_818, %get3A_819, %get3A_820] {strides = array<i32>} : memref<2x64x128xf32, #tpu.memory_space<vmem>>, vector<16xf32>,
        %add3A_822 = arith.constant 32 : i32
        %add3A_823 = arith.addi %squeeze3A_781, %add3A_822 : i32
        %get3A_824 = arith.constant 1 : i32
        %get3A_825 = arith.index_cast %get3A_824 : i32 to index
        %get3A_826 = arith.index_cast %add3A_777 : i32 to index
        %get3A_827 = arith.index_cast %add3A_823 : i32 to index
        %get3A_828 = tpu.vector_load %arg10[%get3A_825, %get3A_826, %get3A_827] {strides = array<i32>} : memref<2x64x128xf32, #tpu.memory_space<vmem>>, vector<16xf32>,
        %sub3A_829 = arith.subf %get3A_821, %get3A_828 : vector<16xf32>
        %mul3A_830 = arith.mulf %sub3A_829, %sub3A_829 : vector<16xf32>
        %add3A_831 = arith.addf %add3A_814, %mul3A_830 : vector<16xf32>
        %add3A_832 = arith.constant 48 : i32
        %add3A_833 = arith.addi %squeeze3A_779, %add3A_832 : i32
        %get3A_834 = arith.constant 0 : i32
        %get3A_835 = arith.index_cast %get3A_834 : i32 to index
        %get3A_836 = arith.index_cast %add3A_777 : i32 to index
        %get3A_837 = arith.index_cast %add3A_833 : i32 to index
        %get3A_838 = tpu.vector_load %arg10[%get3A_835, %get3A_836, %get3A_837] {strides = array<i32>} : memref<2x64x128xf32, #tpu.memory_space<vmem>>, vector<16xf32>,
        %add3A_839 = arith.constant 48 : i32
        %add3A_840 = arith.addi %squeeze3A_781, %add3A_839 : i32
        %get3A_841 = arith.constant 1 : i32
        %get3A_842 = arith.index_cast %get3A_841 : i32 to index
        %get3A_843 = arith.index_cast %add3A_777 : i32 to index
        %get3A_844 = arith.index_cast %add3A_840 : i32 to index
        %get3A_845 = tpu.vector_load %arg10[%get3A_842, %get3A_843, %get3A_844] {strides = array<i32>} : memref<2x64x128xf32, #tpu.memory_space<vmem>>, vector<16xf32>,
        %sub3A_846 = arith.subf %get3A_838, %get3A_845 : vector<16xf32>
        %mul3A_847 = arith.mulf %sub3A_846, %sub3A_846 : vector<16xf32>
        %add3A_848 = arith.addf %add3A_831, %mul3A_847 : vector<16xf32>
        %swap3A_849 = arith.constant 144 : index
        %swap3A_850 = tpu.vector_load %arg11[%swap3A_849] {strides = array<i32>} : memref<256xf32, #tpu.memory_space<vmem>>, vector<16xf32>,
        tpu.vector_store %arg11[%swap3A_849], %add3A_848 {strides = array<i32>} : memref<256xf32, #tpu.memory_space<vmem>>, vector<16xf32>,
        %mul3A_851 = arith.constant 16 : i32
        %mul3A_852 = arith.muli %scan3A_71, %mul3A_851 : i32
        %add3A_853 = arith.constant 10 : i32
        %add3A_854 = arith.addi %mul3A_852, %add3A_853 : i32
        %slice3A_855 = vector.extract_strided_slice %get3A_80 {offsets = [10], sizes = [1], strides = [1]} : vector<16xi32> to vector<1xi32>
        %squeeze3A_856 = vector.extract %slice3A_855[0] : i32 from vector<1xi32>
        %slice3A_857 = vector.extract_strided_slice %get3A_84 {offsets = [10], sizes = [1], strides = [1]} : vector<16xi32> to vector<1xi32>
        %squeeze3A_858 = vector.extract %slice3A_857[0] : i32 from vector<1xi32>
        %add3A_859 = arith.constant 0 : i32
        %add3A_860 = arith.addi %squeeze3A_856, %add3A_859 : i32
        %get3A_861 = arith.constant 0 : i32
        %get3A_862 = arith.index_cast %get3A_861 : i32 to index
        %get3A_863 = arith.index_cast %add3A_854 : i32 to index
        %get3A_864 = arith.index_cast %add3A_860 : i32 to index
        %get3A_865 = tpu.vector_load %arg10[%get3A_862, %get3A_863, %get3A_864] {strides = array<i32>} : memref<2x64x128xf32, #tpu.memory_space<vmem>>, vector<16xf32>,
        %add3A_866 = arith.constant 0 : i32
        %add3A_867 = arith.addi %squeeze3A_858, %add3A_866 : i32
        %get3A_868 = arith.constant 1 : i32
        %get3A_869 = arith.index_cast %get3A_868 : i32 to index
        %get3A_870 = arith.index_cast %add3A_854 : i32 to index
        %get3A_871 = arith.index_cast %add3A_867 : i32 to index
        %get3A_872 = tpu.vector_load %arg10[%get3A_869, %get3A_870, %get3A_871] {strides = array<i32>} : memref<2x64x128xf32, #tpu.memory_space<vmem>>, vector<16xf32>,
        %sub3A_873 = arith.subf %get3A_865, %get3A_872 : vector<16xf32>
        %mul3A_874 = arith.mulf %sub3A_873, %sub3A_873 : vector<16xf32>
        %add3A_875 = arith.constant 16 : i32
        %add3A_876 = arith.addi %squeeze3A_856, %add3A_875 : i32
        %get3A_877 = arith.constant 0 : i32
        %get3A_878 = arith.index_cast %get3A_877 : i32 to index
        %get3A_879 = arith.index_cast %add3A_854 : i32 to index
        %get3A_880 = arith.index_cast %add3A_876 : i32 to index
        %get3A_881 = tpu.vector_load %arg10[%get3A_878, %get3A_879, %get3A_880] {strides = array<i32>} : memref<2x64x128xf32, #tpu.memory_space<vmem>>, vector<16xf32>,
        %add3A_882 = arith.constant 16 : i32
        %add3A_883 = arith.addi %squeeze3A_858, %add3A_882 : i32
        %get3A_884 = arith.constant 1 : i32
        %get3A_885 = arith.index_cast %get3A_884 : i32 to index
        %get3A_886 = arith.index_cast %add3A_854 : i32 to index
        %get3A_887 = arith.index_cast %add3A_883 : i32 to index
        %get3A_888 = tpu.vector_load %arg10[%get3A_885, %get3A_886, %get3A_887] {strides = array<i32>} : memref<2x64x128xf32, #tpu.memory_space<vmem>>, vector<16xf32>,
        %sub3A_889 = arith.subf %get3A_881, %get3A_888 : vector<16xf32>
        %mul3A_890 = arith.mulf %sub3A_889, %sub3A_889 : vector<16xf32>
        %add3A_891 = arith.addf %mul3A_874, %mul3A_890 : vector<16xf32>
        %add3A_892 = arith.constant 32 : i32
        %add3A_893 = arith.addi %squeeze3A_856, %add3A_892 : i32
        %get3A_894 = arith.constant 0 : i32
        %get3A_895 = arith.index_cast %get3A_894 : i32 to index
        %get3A_896 = arith.index_cast %add3A_854 : i32 to index
        %get3A_897 = arith.index_cast %add3A_893 : i32 to index
        %get3A_898 = tpu.vector_load %arg10[%get3A_895, %get3A_896, %get3A_897] {strides = array<i32>} : memref<2x64x128xf32, #tpu.memory_space<vmem>>, vector<16xf32>,
        %add3A_899 = arith.constant 32 : i32
        %add3A_900 = arith.addi %squeeze3A_858, %add3A_899 : i32
        %get3A_901 = arith.constant 1 : i32
        %get3A_902 = arith.index_cast %get3A_901 : i32 to index
        %get3A_903 = arith.index_cast %add3A_854 : i32 to index
        %get3A_904 = arith.index_cast %add3A_900 : i32 to index
        %get3A_905 = tpu.vector_load %arg10[%get3A_902, %get3A_903, %get3A_904] {strides = array<i32>} : memref<2x64x128xf32, #tpu.memory_space<vmem>>, vector<16xf32>,
        %sub3A_906 = arith.subf %get3A_898, %get3A_905 : vector<16xf32>
        %mul3A_907 = arith.mulf %sub3A_906, %sub3A_906 : vector<16xf32>
        %add3A_908 = arith.addf %add3A_891, %mul3A_907 : vector<16xf32>
        %add3A_909 = arith.constant 48 : i32
        %add3A_910 = arith.addi %squeeze3A_856, %add3A_909 : i32
        %get3A_911 = arith.constant 0 : i32
        %get3A_912 = arith.index_cast %get3A_911 : i32 to index
        %get3A_913 = arith.index_cast %add3A_854 : i32 to index
        %get3A_914 = arith.index_cast %add3A_910 : i32 to index
        %get3A_915 = tpu.vector_load %arg10[%get3A_912, %get3A_913, %get3A_914] {strides = array<i32>} : memref<2x64x128xf32, #tpu.memory_space<vmem>>, vector<16xf32>,
        %add3A_916 = arith.constant 48 : i32
        %add3A_917 = arith.addi %squeeze3A_858, %add3A_916 : i32
        %get3A_918 = arith.constant 1 : i32
        %get3A_919 = arith.index_cast %get3A_918 : i32 to index
        %get3A_920 = arith.index_cast %add3A_854 : i32 to index
        %get3A_921 = arith.index_cast %add3A_917 : i32 to index
        %get3A_922 = tpu.vector_load %arg10[%get3A_919, %get3A_920, %get3A_921] {strides = array<i32>} : memref<2x64x128xf32, #tpu.memory_space<vmem>>, vector<16xf32>,
        %sub3A_923 = arith.subf %get3A_915, %get3A_922 : vector<16xf32>
        %mul3A_924 = arith.mulf %sub3A_923, %sub3A_923 : vector<16xf32>
        %add3A_925 = arith.addf %add3A_908, %mul3A_924 : vector<16xf32>
        %swap3A_926 = arith.constant 160 : index
        %swap3A_927 = tpu.vector_load %arg11[%swap3A_926] {strides = array<i32>} : memref<256xf32, #tpu.memory_space<vmem>>, vector<16xf32>,
        tpu.vector_store %arg11[%swap3A_926], %add3A_925 {strides = array<i32>} : memref<256xf32, #tpu.memory_space<vmem>>, vector<16xf32>,
        %mul3A_928 = arith.constant 16 : i32
        %mul3A_929 = arith.muli %scan3A_71, %mul3A_928 : i32
        %add3A_930 = arith.constant 11 : i32
        %add3A_931 = arith.addi %mul3A_929, %add3A_930 : i32
        %slice3A_932 = vector.extract_strided_slice %get3A_80 {offsets = [11], sizes = [1], strides = [1]} : vector<16xi32> to vector<1xi32>
        %squeeze3A_933 = vector.extract %slice3A_932[0] : i32 from vector<1xi32>
        %slice3A_934 = vector.extract_strided_slice %get3A_84 {offsets = [11], sizes = [1], strides = [1]} : vector<16xi32> to vector<1xi32>
        %squeeze3A_935 = vector.extract %slice3A_934[0] : i32 from vector<1xi32>
        %add3A_936 = arith.constant 0 : i32
        %add3A_937 = arith.addi %squeeze3A_933, %add3A_936 : i32
        %get3A_938 = arith.constant 0 : i32
        %get3A_939 = arith.index_cast %get3A_938 : i32 to index
        %get3A_940 = arith.index_cast %add3A_931 : i32 to index
        %get3A_941 = arith.index_cast %add3A_937 : i32 to index
        %get3A_942 = tpu.vector_load %arg10[%get3A_939, %get3A_940, %get3A_941] {strides = array<i32>} : memref<2x64x128xf32, #tpu.memory_space<vmem>>, vector<16xf32>,
        %add3A_943 = arith.constant 0 : i32
        %add3A_944 = arith.addi %squeeze3A_935, %add3A_943 : i32
        %get3A_945 = arith.constant 1 : i32
        %get3A_946 = arith.index_cast %get3A_945 : i32 to index
        %get3A_947 = arith.index_cast %add3A_931 : i32 to index
        %get3A_948 = arith.index_cast %add3A_944 : i32 to index
        %get3A_949 = tpu.vector_load %arg10[%get3A_946, %get3A_947, %get3A_948] {strides = array<i32>} : memref<2x64x128xf32, #tpu.memory_space<vmem>>, vector<16xf32>,
        %sub3A_950 = arith.subf %get3A_942, %get3A_949 : vector<16xf32>
        %mul3A_951 = arith.mulf %sub3A_950, %sub3A_950 : vector<16xf32>
        %add3A_952 = arith.constant 16 : i32
        %add3A_953 = arith.addi %squeeze3A_933, %add3A_952 : i32
        %get3A_954 = arith.constant 0 : i32
        %get3A_955 = arith.index_cast %get3A_954 : i32 to index
        %get3A_956 = arith.index_cast %add3A_931 : i32 to index
        %get3A_957 = arith.index_cast %add3A_953 : i32 to index
        %get3A_958 = tpu.vector_load %arg10[%get3A_955, %get3A_956, %get3A_957] {strides = array<i32>} : memref<2x64x128xf32, #tpu.memory_space<vmem>>, vector<16xf32>,
        %add3A_959 = arith.constant 16 : i32
        %add3A_960 = arith.addi %squeeze3A_935, %add3A_959 : i32
        %get3A_961 = arith.constant 1 : i32
        %get3A_962 = arith.index_cast %get3A_961 : i32 to index
        %get3A_963 = arith.index_cast %add3A_931 : i32 to index
        %get3A_964 = arith.index_cast %add3A_960 : i32 to index
        %get3A_965 = tpu.vector_load %arg10[%get3A_962, %get3A_963, %get3A_964] {strides = array<i32>} : memref<2x64x128xf32, #tpu.memory_space<vmem>>, vector<16xf32>,
        %sub3A_966 = arith.subf %get3A_958, %get3A_965 : vector<16xf32>
        %mul3A_967 = arith.mulf %sub3A_966, %sub3A_966 : vector<16xf32>
        %add3A_968 = arith.addf %mul3A_951, %mul3A_967 : vector<16xf32>
        %add3A_969 = arith.constant 32 : i32
        %add3A_970 = arith.addi %squeeze3A_933, %add3A_969 : i32
        %get3A_971 = arith.constant 0 : i32
        %get3A_972 = arith.index_cast %get3A_971 : i32 to index
        %get3A_973 = arith.index_cast %add3A_931 : i32 to index
        %get3A_974 = arith.index_cast %add3A_970 : i32 to index
        %get3A_975 = tpu.vector_load %arg10[%get3A_972, %get3A_973, %get3A_974] {strides = array<i32>} : memref<2x64x128xf32, #tpu.memory_space<vmem>>, vector<16xf32>,
        %add3A_976 = arith.constant 32 : i32
        %add3A_977 = arith.addi %squeeze3A_935, %add3A_976 : i32
        %get3A_978 = arith.constant 1 : i32
        %get3A_979 = arith.index_cast %get3A_978 : i32 to index
        %get3A_980 = arith.index_cast %add3A_931 : i32 to index
        %get3A_981 = arith.index_cast %add3A_977 : i32 to index
        %get3A_982 = tpu.vector_load %arg10[%get3A_979, %get3A_980, %get3A_981] {strides = array<i32>} : memref<2x64x128xf32, #tpu.memory_space<vmem>>, vector<16xf32>,
        %sub3A_983 = arith.subf %get3A_975, %get3A_982 : vector<16xf32>
        %mul3A_984 = arith.mulf %sub3A_983, %sub3A_983 : vector<16xf32>
        %add3A_985 = arith.addf %add3A_968, %mul3A_984 : vector<16xf32>
        %add3A_986 = arith.constant 48 : i32
        %add3A_987 = arith.addi %squeeze3A_933, %add3A_986 : i32
        %get3A_988 = arith.constant 0 : i32
        %get3A_989 = arith.index_cast %get3A_988 : i32 to index
        %get3A_990 = arith.index_cast %add3A_931 : i32 to index
        %get3A_991 = arith.index_cast %add3A_987 : i32 to index
        %get3A_992 = tpu.vector_load %arg10[%get3A_989, %get3A_990, %get3A_991] {strides = array<i32>} : memref<2x64x128xf32, #tpu.memory_space<vmem>>, vector<16xf32>,
        %add3A_993 = arith.constant 48 : i32
        %add3A_994 = arith.addi %squeeze3A_935, %add3A_993 : i32
        %get3A_995 = arith.constant 1 : i32
        %get3A_996 = arith.index_cast %get3A_995 : i32 to index
        %get3A_997 = arith.index_cast %add3A_931 : i32 to index
        %get3A_998 = arith.index_cast %add3A_994 : i32 to index
        %get3A_999 = tpu.vector_load %arg10[%get3A_996, %get3A_997, %get3A_998] {strides = array<i32>} : memref<2x64x128xf32, #tpu.memory_space<vmem>>, vector<16xf32>,
        %sub3A_1000 = arith.subf %get3A_992, %get3A_999 : vector<16xf32>
        %mul3A_1001 = arith.mulf %sub3A_1000, %sub3A_1000 : vector<16xf32>
        %add3A_1002 = arith.addf %add3A_985, %mul3A_1001 : vector<16xf32>
        %swap3A_1003 = arith.constant 176 : index
        %swap3A_1004 = tpu.vector_load %arg11[%swap3A_1003] {strides = array<i32>} : memref<256xf32, #tpu.memory_space<vmem>>, vector<16xf32>,
        tpu.vector_store %arg11[%swap3A_1003], %add3A_1002 {strides = array<i32>} : memref<256xf32, #tpu.memory_space<vmem>>, vector<16xf32>,
        %mul3A_1005 = arith.constant 16 : i32
        %mul3A_1006 = arith.muli %scan3A_71, %mul3A_1005 : i32
        %add3A_1007 = arith.constant 12 : i32
        %add3A_1008 = arith.addi %mul3A_1006, %add3A_1007 : i32
        %slice3A_1009 = vector.extract_strided_slice %get3A_80 {offsets = [12], sizes = [1], strides = [1]} : vector<16xi32> to vector<1xi32>
        %squeeze3A_1010 = vector.extract %slice3A_1009[0] : i32 from vector<1xi32>
        %slice3A_1011 = vector.extract_strided_slice %get3A_84 {offsets = [12], sizes = [1], strides = [1]} : vector<16xi32> to vector<1xi32>
        %squeeze3A_1012 = vector.extract %slice3A_1011[0] : i32 from vector<1xi32>
        %add3A_1013 = arith.constant 0 : i32
        %add3A_1014 = arith.addi %squeeze3A_1010, %add3A_1013 : i32
        %get3A_1015 = arith.constant 0 : i32
        %get3A_1016 = arith.index_cast %get3A_1015 : i32 to index
        %get3A_1017 = arith.index_cast %add3A_1008 : i32 to index
        %get3A_1018 = arith.index_cast %add3A_1014 : i32 to index
        %get3A_1019 = tpu.vector_load %arg10[%get3A_1016, %get3A_1017, %get3A_1018] {strides = array<i32>} : memref<2x64x128xf32, #tpu.memory_space<vmem>>, vector<16xf32>,
        %add3A_1020 = arith.constant 0 : i32
        %add3A_1021 = arith.addi %squeeze3A_1012, %add3A_1020 : i32
        %get3A_1022 = arith.constant 1 : i32
        %get3A_1023 = arith.index_cast %get3A_1022 : i32 to index
        %get3A_1024 = arith.index_cast %add3A_1008 : i32 to index
        %get3A_1025 = arith.index_cast %add3A_1021 : i32 to index
        %get3A_1026 = tpu.vector_load %arg10[%get3A_1023, %get3A_1024, %get3A_1025] {strides = array<i32>} : memref<2x64x128xf32, #tpu.memory_space<vmem>>, vector<16xf32>,
        %sub3A_1027 = arith.subf %get3A_1019, %get3A_1026 : vector<16xf32>
        %mul3A_1028 = arith.mulf %sub3A_1027, %sub3A_1027 : vector<16xf32>
        %add3A_1029 = arith.constant 16 : i32
        %add3A_1030 = arith.addi %squeeze3A_1010, %add3A_1029 : i32
        %get3A_1031 = arith.constant 0 : i32
        %get3A_1032 = arith.index_cast %get3A_1031 : i32 to index
        %get3A_1033 = arith.index_cast %add3A_1008 : i32 to index
        %get3A_1034 = arith.index_cast %add3A_1030 : i32 to index
        %get3A_1035 = tpu.vector_load %arg10[%get3A_1032, %get3A_1033, %get3A_1034] {strides = array<i32>} : memref<2x64x128xf32, #tpu.memory_space<vmem>>, vector<16xf32>,
        %add3A_1036 = arith.constant 16 : i32
        %add3A_1037 = arith.addi %squeeze3A_1012, %add3A_1036 : i32
        %get3A_1038 = arith.constant 1 : i32
        %get3A_1039 = arith.index_cast %get3A_1038 : i32 to index
        %get3A_1040 = arith.index_cast %add3A_1008 : i32 to index
        %get3A_1041 = arith.index_cast %add3A_1037 : i32 to index
        %get3A_1042 = tpu.vector_load %arg10[%get3A_1039, %get3A_1040, %get3A_1041] {strides = array<i32>} : memref<2x64x128xf32, #tpu.memory_space<vmem>>, vector<16xf32>,
        %sub3A_1043 = arith.subf %get3A_1035, %get3A_1042 : vector<16xf32>
        %mul3A_1044 = arith.mulf %sub3A_1043, %sub3A_1043 : vector<16xf32>
        %add3A_1045 = arith.addf %mul3A_1028, %mul3A_1044 : vector<16xf32>
        %add3A_1046 = arith.constant 32 : i32
        %add3A_1047 = arith.addi %squeeze3A_1010, %add3A_1046 : i32
        %get3A_1048 = arith.constant 0 : i32
        %get3A_1049 = arith.index_cast %get3A_1048 : i32 to index
        %get3A_1050 = arith.index_cast %add3A_1008 : i32 to index
        %get3A_1051 = arith.index_cast %add3A_1047 : i32 to index
        %get3A_1052 = tpu.vector_load %arg10[%get3A_1049, %get3A_1050, %get3A_1051] {strides = array<i32>} : memref<2x64x128xf32, #tpu.memory_space<vmem>>, vector<16xf32>,
        %add3A_1053 = arith.constant 32 : i32
        %add3A_1054 = arith.addi %squeeze3A_1012, %add3A_1053 : i32
        %get3A_1055 = arith.constant 1 : i32
        %get3A_1056 = arith.index_cast %get3A_1055 : i32 to index
        %get3A_1057 = arith.index_cast %add3A_1008 : i32 to index
        %get3A_1058 = arith.index_cast %add3A_1054 : i32 to index
        %get3A_1059 = tpu.vector_load %arg10[%get3A_1056, %get3A_1057, %get3A_1058] {strides = array<i32>} : memref<2x64x128xf32, #tpu.memory_space<vmem>>, vector<16xf32>,
        %sub3A_1060 = arith.subf %get3A_1052, %get3A_1059 : vector<16xf32>
        %mul3A_1061 = arith.mulf %sub3A_1060, %sub3A_1060 : vector<16xf32>
        %add3A_1062 = arith.addf %add3A_1045, %mul3A_1061 : vector<16xf32>
        %add3A_1063 = arith.constant 48 : i32
        %add3A_1064 = arith.addi %squeeze3A_1010, %add3A_1063 : i32
        %get3A_1065 = arith.constant 0 : i32
        %get3A_1066 = arith.index_cast %get3A_1065 : i32 to index
        %get3A_1067 = arith.index_cast %add3A_1008 : i32 to index
        %get3A_1068 = arith.index_cast %add3A_1064 : i32 to index
        %get3A_1069 = tpu.vector_load %arg10[%get3A_1066, %get3A_1067, %get3A_1068] {strides = array<i32>} : memref<2x64x128xf32, #tpu.memory_space<vmem>>, vector<16xf32>,
        %add3A_1070 = arith.constant 48 : i32
        %add3A_1071 = arith.addi %squeeze3A_1012, %add3A_1070 : i32
        %get3A_1072 = arith.constant 1 : i32
        %get3A_1073 = arith.index_cast %get3A_1072 : i32 to index
        %get3A_1074 = arith.index_cast %add3A_1008 : i32 to index
        %get3A_1075 = arith.index_cast %add3A_1071 : i32 to index
        %get3A_1076 = tpu.vector_load %arg10[%get3A_1073, %get3A_1074, %get3A_1075] {strides = array<i32>} : memref<2x64x128xf32, #tpu.memory_space<vmem>>, vector<16xf32>,
        %sub3A_1077 = arith.subf %get3A_1069, %get3A_1076 : vector<16xf32>
        %mul3A_1078 = arith.mulf %sub3A_1077, %sub3A_1077 : vector<16xf32>
        %add3A_1079 = arith.addf %add3A_1062, %mul3A_1078 : vector<16xf32>
        %swap3A_1080 = arith.constant 192 : index
        %swap3A_1081 = tpu.vector_load %arg11[%swap3A_1080] {strides = array<i32>} : memref<256xf32, #tpu.memory_space<vmem>>, vector<16xf32>,
        tpu.vector_store %arg11[%swap3A_1080], %add3A_1079 {strides = array<i32>} : memref<256xf32, #tpu.memory_space<vmem>>, vector<16xf32>,
        %mul3A_1082 = arith.constant 16 : i32
        %mul3A_1083 = arith.muli %scan3A_71, %mul3A_1082 : i32
        %add3A_1084 = arith.constant 13 : i32
        %add3A_1085 = arith.addi %mul3A_1083, %add3A_1084 : i32
        %slice3A_1086 = vector.extract_strided_slice %get3A_80 {offsets = [13], sizes = [1], strides = [1]} : vector<16xi32> to vector<1xi32>
        %squeeze3A_1087 = vector.extract %slice3A_1086[0] : i32 from vector<1xi32>
        %slice3A_1088 = vector.extract_strided_slice %get3A_84 {offsets = [13], sizes = [1], strides = [1]} : vector<16xi32> to vector<1xi32>
        %squeeze3A_1089 = vector.extract %slice3A_1088[0] : i32 from vector<1xi32>
        %add3A_1090 = arith.constant 0 : i32
        %add3A_1091 = arith.addi %squeeze3A_1087, %add3A_1090 : i32
        %get3A_1092 = arith.constant 0 : i32
        %get3A_1093 = arith.index_cast %get3A_1092 : i32 to index
        %get3A_1094 = arith.index_cast %add3A_1085 : i32 to index
        %get3A_1095 = arith.index_cast %add3A_1091 : i32 to index
        %get3A_1096 = tpu.vector_load %arg10[%get3A_1093, %get3A_1094, %get3A_1095] {strides = array<i32>} : memref<2x64x128xf32, #tpu.memory_space<vmem>>, vector<16xf32>,
        %add3A_1097 = arith.constant 0 : i32
        %add3A_1098 = arith.addi %squeeze3A_1089, %add3A_1097 : i32
        %get3A_1099 = arith.constant 1 : i32
        %get3A_1100 = arith.index_cast %get3A_1099 : i32 to index
        %get3A_1101 = arith.index_cast %add3A_1085 : i32 to index
        %get3A_1102 = arith.index_cast %add3A_1098 : i32 to index
        %get3A_1103 = tpu.vector_load %arg10[%get3A_1100, %get3A_1101, %get3A_1102] {strides = array<i32>} : memref<2x64x128xf32, #tpu.memory_space<vmem>>, vector<16xf32>,
        %sub3A_1104 = arith.subf %get3A_1096, %get3A_1103 : vector<16xf32>
        %mul3A_1105 = arith.mulf %sub3A_1104, %sub3A_1104 : vector<16xf32>
        %add3A_1106 = arith.constant 16 : i32
        %add3A_1107 = arith.addi %squeeze3A_1087, %add3A_1106 : i32
        %get3A_1108 = arith.constant 0 : i32
        %get3A_1109 = arith.index_cast %get3A_1108 : i32 to index
        %get3A_1110 = arith.index_cast %add3A_1085 : i32 to index
        %get3A_1111 = arith.index_cast %add3A_1107 : i32 to index
        %get3A_1112 = tpu.vector_load %arg10[%get3A_1109, %get3A_1110, %get3A_1111] {strides = array<i32>} : memref<2x64x128xf32, #tpu.memory_space<vmem>>, vector<16xf32>,
        %add3A_1113 = arith.constant 16 : i32
        %add3A_1114 = arith.addi %squeeze3A_1089, %add3A_1113 : i32
        %get3A_1115 = arith.constant 1 : i32
        %get3A_1116 = arith.index_cast %get3A_1115 : i32 to index
        %get3A_1117 = arith.index_cast %add3A_1085 : i32 to index
        %get3A_1118 = arith.index_cast %add3A_1114 : i32 to index
        %get3A_1119 = tpu.vector_load %arg10[%get3A_1116, %get3A_1117, %get3A_1118] {strides = array<i32>} : memref<2x64x128xf32, #tpu.memory_space<vmem>>, vector<16xf32>,
        %sub3A_1120 = arith.subf %get3A_1112, %get3A_1119 : vector<16xf32>
        %mul3A_1121 = arith.mulf %sub3A_1120, %sub3A_1120 : vector<16xf32>
        %add3A_1122 = arith.addf %mul3A_1105, %mul3A_1121 : vector<16xf32>
        %add3A_1123 = arith.constant 32 : i32
        %add3A_1124 = arith.addi %squeeze3A_1087, %add3A_1123 : i32
        %get3A_1125 = arith.constant 0 : i32
        %get3A_1126 = arith.index_cast %get3A_1125 : i32 to index
        %get3A_1127 = arith.index_cast %add3A_1085 : i32 to index
        %get3A_1128 = arith.index_cast %add3A_1124 : i32 to index
        %get3A_1129 = tpu.vector_load %arg10[%get3A_1126, %get3A_1127, %get3A_1128] {strides = array<i32>} : memref<2x64x128xf32, #tpu.memory_space<vmem>>, vector<16xf32>,
        %add3A_1130 = arith.constant 32 : i32
        %add3A_1131 = arith.addi %squeeze3A_1089, %add3A_1130 : i32
        %get3A_1132 = arith.constant 1 : i32
        %get3A_1133 = arith.index_cast %get3A_1132 : i32 to index
        %get3A_1134 = arith.index_cast %add3A_1085 : i32 to index
        %get3A_1135 = arith.index_cast %add3A_1131 : i32 to index
        %get3A_1136 = tpu.vector_load %arg10[%get3A_1133, %get3A_1134, %get3A_1135] {strides = array<i32>} : memref<2x64x128xf32, #tpu.memory_space<vmem>>, vector<16xf32>,
        %sub3A_1137 = arith.subf %get3A_1129, %get3A_1136 : vector<16xf32>
        %mul3A_1138 = arith.mulf %sub3A_1137, %sub3A_1137 : vector<16xf32>
        %add3A_1139 = arith.addf %add3A_1122, %mul3A_1138 : vector<16xf32>
        %add3A_1140 = arith.constant 48 : i32
        %add3A_1141 = arith.addi %squeeze3A_1087, %add3A_1140 : i32
        %get3A_1142 = arith.constant 0 : i32
        %get3A_1143 = arith.index_cast %get3A_1142 : i32 to index
        %get3A_1144 = arith.index_cast %add3A_1085 : i32 to index
        %get3A_1145 = arith.index_cast %add3A_1141 : i32 to index
        %get3A_1146 = tpu.vector_load %arg10[%get3A_1143, %get3A_1144, %get3A_1145] {strides = array<i32>} : memref<2x64x128xf32, #tpu.memory_space<vmem>>, vector<16xf32>,
        %add3A_1147 = arith.constant 48 : i32
        %add3A_1148 = arith.addi %squeeze3A_1089, %add3A_1147 : i32
        %get3A_1149 = arith.constant 1 : i32
        %get3A_1150 = arith.index_cast %get3A_1149 : i32 to index
        %get3A_1151 = arith.index_cast %add3A_1085 : i32 to index
        %get3A_1152 = arith.index_cast %add3A_1148 : i32 to index
        %get3A_1153 = tpu.vector_load %arg10[%get3A_1150, %get3A_1151, %get3A_1152] {strides = array<i32>} : memref<2x64x128xf32, #tpu.memory_space<vmem>>, vector<16xf32>,
        %sub3A_1154 = arith.subf %get3A_1146, %get3A_1153 : vector<16xf32>
        %mul3A_1155 = arith.mulf %sub3A_1154, %sub3A_1154 : vector<16xf32>
        %add3A_1156 = arith.addf %add3A_1139, %mul3A_1155 : vector<16xf32>
        %swap3A_1157 = arith.constant 208 : index
        %swap3A_1158 = tpu.vector_load %arg11[%swap3A_1157] {strides = array<i32>} : memref<256xf32, #tpu.memory_space<vmem>>, vector<16xf32>,
        tpu.vector_store %arg11[%swap3A_1157], %add3A_1156 {strides = array<i32>} : memref<256xf32, #tpu.memory_space<vmem>>, vector<16xf32>,
        %mul3A_1159 = arith.constant 16 : i32
        %mul3A_1160 = arith.muli %scan3A_71, %mul3A_1159 : i32
        %add3A_1161 = arith.constant 14 : i32
        %add3A_1162 = arith.addi %mul3A_1160, %add3A_1161 : i32
        %slice3A_1163 = vector.extract_strided_slice %get3A_80 {offsets = [14], sizes = [1], strides = [1]} : vector<16xi32> to vector<1xi32>
        %squeeze3A_1164 = vector.extract %slice3A_1163[0] : i32 from vector<1xi32>
        %slice3A_1165 = vector.extract_strided_slice %get3A_84 {offsets = [14], sizes = [1], strides = [1]} : vector<16xi32> to vector<1xi32>
        %squeeze3A_1166 = vector.extract %slice3A_1165[0] : i32 from vector<1xi32>
        %add3A_1167 = arith.constant 0 : i32
        %add3A_1168 = arith.addi %squeeze3A_1164, %add3A_1167 : i32
        %get3A_1169 = arith.constant 0 : i32
        %get3A_1170 = arith.index_cast %get3A_1169 : i32 to index
        %get3A_1171 = arith.index_cast %add3A_1162 : i32 to index
        %get3A_1172 = arith.index_cast %add3A_1168 : i32 to index
        %get3A_1173 = tpu.vector_load %arg10[%get3A_1170, %get3A_1171, %get3A_1172] {strides = array<i32>} : memref<2x64x128xf32, #tpu.memory_space<vmem>>, vector<16xf32>,
        %add3A_1174 = arith.constant 0 : i32
        %add3A_1175 = arith.addi %squeeze3A_1166, %add3A_1174 : i32
        %get3A_1176 = arith.constant 1 : i32
        %get3A_1177 = arith.index_cast %get3A_1176 : i32 to index
        %get3A_1178 = arith.index_cast %add3A_1162 : i32 to index
        %get3A_1179 = arith.index_cast %add3A_1175 : i32 to index
        %get3A_1180 = tpu.vector_load %arg10[%get3A_1177, %get3A_1178, %get3A_1179] {strides = array<i32>} : memref<2x64x128xf32, #tpu.memory_space<vmem>>, vector<16xf32>,
        %sub3A_1181 = arith.subf %get3A_1173, %get3A_1180 : vector<16xf32>
        %mul3A_1182 = arith.mulf %sub3A_1181, %sub3A_1181 : vector<16xf32>
        %add3A_1183 = arith.constant 16 : i32
        %add3A_1184 = arith.addi %squeeze3A_1164, %add3A_1183 : i32
        %get3A_1185 = arith.constant 0 : i32
        %get3A_1186 = arith.index_cast %get3A_1185 : i32 to index
        %get3A_1187 = arith.index_cast %add3A_1162 : i32 to index
        %get3A_1188 = arith.index_cast %add3A_1184 : i32 to index
        %get3A_1189 = tpu.vector_load %arg10[%get3A_1186, %get3A_1187, %get3A_1188] {strides = array<i32>} : memref<2x64x128xf32, #tpu.memory_space<vmem>>, vector<16xf32>,
        %add3A_1190 = arith.constant 16 : i32
        %add3A_1191 = arith.addi %squeeze3A_1166, %add3A_1190 : i32
        %get3A_1192 = arith.constant 1 : i32
        %get3A_1193 = arith.index_cast %get3A_1192 : i32 to index
        %get3A_1194 = arith.index_cast %add3A_1162 : i32 to index
        %get3A_1195 = arith.index_cast %add3A_1191 : i32 to index
        %get3A_1196 = tpu.vector_load %arg10[%get3A_1193, %get3A_1194, %get3A_1195] {strides = array<i32>} : memref<2x64x128xf32, #tpu.memory_space<vmem>>, vector<16xf32>,
        %sub3A_1197 = arith.subf %get3A_1189, %get3A_1196 : vector<16xf32>
        %mul3A_1198 = arith.mulf %sub3A_1197, %sub3A_1197 : vector<16xf32>
        %add3A_1199 = arith.addf %mul3A_1182, %mul3A_1198 : vector<16xf32>
        %add3A_1200 = arith.constant 32 : i32
        %add3A_1201 = arith.addi %squeeze3A_1164, %add3A_1200 : i32
        %get3A_1202 = arith.constant 0 : i32
        %get3A_1203 = arith.index_cast %get3A_1202 : i32 to index
        %get3A_1204 = arith.index_cast %add3A_1162 : i32 to index
        %get3A_1205 = arith.index_cast %add3A_1201 : i32 to index
        %get3A_1206 = tpu.vector_load %arg10[%get3A_1203, %get3A_1204, %get3A_1205] {strides = array<i32>} : memref<2x64x128xf32, #tpu.memory_space<vmem>>, vector<16xf32>,
        %add3A_1207 = arith.constant 32 : i32
        %add3A_1208 = arith.addi %squeeze3A_1166, %add3A_1207 : i32
        %get3A_1209 = arith.constant 1 : i32
        %get3A_1210 = arith.index_cast %get3A_1209 : i32 to index
        %get3A_1211 = arith.index_cast %add3A_1162 : i32 to index
        %get3A_1212 = arith.index_cast %add3A_1208 : i32 to index
        %get3A_1213 = tpu.vector_load %arg10[%get3A_1210, %get3A_1211, %get3A_1212] {strides = array<i32>} : memref<2x64x128xf32, #tpu.memory_space<vmem>>, vector<16xf32>,
        %sub3A_1214 = arith.subf %get3A_1206, %get3A_1213 : vector<16xf32>
        %mul3A_1215 = arith.mulf %sub3A_1214, %sub3A_1214 : vector<16xf32>
        %add3A_1216 = arith.addf %add3A_1199, %mul3A_1215 : vector<16xf32>
        %add3A_1217 = arith.constant 48 : i32
        %add3A_1218 = arith.addi %squeeze3A_1164, %add3A_1217 : i32
        %get3A_1219 = arith.constant 0 : i32
        %get3A_1220 = arith.index_cast %get3A_1219 : i32 to index
        %get3A_1221 = arith.index_cast %add3A_1162 : i32 to index
        %get3A_1222 = arith.index_cast %add3A_1218 : i32 to index
        %get3A_1223 = tpu.vector_load %arg10[%get3A_1220, %get3A_1221, %get3A_1222] {strides = array<i32>} : memref<2x64x128xf32, #tpu.memory_space<vmem>>, vector<16xf32>,
        %add3A_1224 = arith.constant 48 : i32
        %add3A_1225 = arith.addi %squeeze3A_1166, %add3A_1224 : i32
        %get3A_1226 = arith.constant 1 : i32
        %get3A_1227 = arith.index_cast %get3A_1226 : i32 to index
        %get3A_1228 = arith.index_cast %add3A_1162 : i32 to index
        %get3A_1229 = arith.index_cast %add3A_1225 : i32 to index
        %get3A_1230 = tpu.vector_load %arg10[%get3A_1227, %get3A_1228, %get3A_1229] {strides = array<i32>} : memref<2x64x128xf32, #tpu.memory_space<vmem>>, vector<16xf32>,
        %sub3A_1231 = arith.subf %get3A_1223, %get3A_1230 : vector<16xf32>
        %mul3A_1232 = arith.mulf %sub3A_1231, %sub3A_1231 : vector<16xf32>
        %add3A_1233 = arith.addf %add3A_1216, %mul3A_1232 : vector<16xf32>
        %swap3A_1234 = arith.constant 224 : index
        %swap3A_1235 = tpu.vector_load %arg11[%swap3A_1234] {strides = array<i32>} : memref<256xf32, #tpu.memory_space<vmem>>, vector<16xf32>,
        tpu.vector_store %arg11[%swap3A_1234], %add3A_1233 {strides = array<i32>} : memref<256xf32, #tpu.memory_space<vmem>>, vector<16xf32>,
        %mul3A_1236 = arith.constant 16 : i32
        %mul3A_1237 = arith.muli %scan3A_71, %mul3A_1236 : i32
        %add3A_1238 = arith.constant 15 : i32
        %add3A_1239 = arith.addi %mul3A_1237, %add3A_1238 : i32
        %slice3A_1240 = vector.extract_strided_slice %get3A_80 {offsets = [15], sizes = [1], strides = [1]} : vector<16xi32> to vector<1xi32>
        %squeeze3A_1241 = vector.extract %slice3A_1240[0] : i32 from vector<1xi32>
        %slice3A_1242 = vector.extract_strided_slice %get3A_84 {offsets = [15], sizes = [1], strides = [1]} : vector<16xi32> to vector<1xi32>
        %squeeze3A_1243 = vector.extract %slice3A_1242[0] : i32 from vector<1xi32>
        %add3A_1244 = arith.constant 0 : i32
        %add3A_1245 = arith.addi %squeeze3A_1241, %add3A_1244 : i32
        %get3A_1246 = arith.constant 0 : i32
        %get3A_1247 = arith.index_cast %get3A_1246 : i32 to index
        %get3A_1248 = arith.index_cast %add3A_1239 : i32 to index
        %get3A_1249 = arith.index_cast %add3A_1245 : i32 to index
        %get3A_1250 = tpu.vector_load %arg10[%get3A_1247, %get3A_1248, %get3A_1249] {strides = array<i32>} : memref<2x64x128xf32, #tpu.memory_space<vmem>>, vector<16xf32>,
        %add3A_1251 = arith.constant 0 : i32
        %add3A_1252 = arith.addi %squeeze3A_1243, %add3A_1251 : i32
        %get3A_1253 = arith.constant 1 : i32
        %get3A_1254 = arith.index_cast %get3A_1253 : i32 to index
        %get3A_1255 = arith.index_cast %add3A_1239 : i32 to index
        %get3A_1256 = arith.index_cast %add3A_1252 : i32 to index
        %get3A_1257 = tpu.vector_load %arg10[%get3A_1254, %get3A_1255, %get3A_1256] {strides = array<i32>} : memref<2x64x128xf32, #tpu.memory_space<vmem>>, vector<16xf32>,
        %sub3A_1258 = arith.subf %get3A_1250, %get3A_1257 : vector<16xf32>
        %mul3A_1259 = arith.mulf %sub3A_1258, %sub3A_1258 : vector<16xf32>
        %add3A_1260 = arith.constant 16 : i32
        %add3A_1261 = arith.addi %squeeze3A_1241, %add3A_1260 : i32
        %get3A_1262 = arith.constant 0 : i32
        %get3A_1263 = arith.index_cast %get3A_1262 : i32 to index
        %get3A_1264 = arith.index_cast %add3A_1239 : i32 to index
        %get3A_1265 = arith.index_cast %add3A_1261 : i32 to index
        %get3A_1266 = tpu.vector_load %arg10[%get3A_1263, %get3A_1264, %get3A_1265] {strides = array<i32>} : memref<2x64x128xf32, #tpu.memory_space<vmem>>, vector<16xf32>,
        %add3A_1267 = arith.constant 16 : i32
        %add3A_1268 = arith.addi %squeeze3A_1243, %add3A_1267 : i32
        %get3A_1269 = arith.constant 1 : i32
        %get3A_1270 = arith.index_cast %get3A_1269 : i32 to index
        %get3A_1271 = arith.index_cast %add3A_1239 : i32 to index
        %get3A_1272 = arith.index_cast %add3A_1268 : i32 to index
        %get3A_1273 = tpu.vector_load %arg10[%get3A_1270, %get3A_1271, %get3A_1272] {strides = array<i32>} : memref<2x64x128xf32, #tpu.memory_space<vmem>>, vector<16xf32>,
        %sub3A_1274 = arith.subf %get3A_1266, %get3A_1273 : vector<16xf32>
        %mul3A_1275 = arith.mulf %sub3A_1274, %sub3A_1274 : vector<16xf32>
        %add3A_1276 = arith.addf %mul3A_1259, %mul3A_1275 : vector<16xf32>
        %add3A_1277 = arith.constant 32 : i32
        %add3A_1278 = arith.addi %squeeze3A_1241, %add3A_1277 : i32
        %get3A_1279 = arith.constant 0 : i32
        %get3A_1280 = arith.index_cast %get3A_1279 : i32 to index
        %get3A_1281 = arith.index_cast %add3A_1239 : i32 to index
        %get3A_1282 = arith.index_cast %add3A_1278 : i32 to index
        %get3A_1283 = tpu.vector_load %arg10[%get3A_1280, %get3A_1281, %get3A_1282] {strides = array<i32>} : memref<2x64x128xf32, #tpu.memory_space<vmem>>, vector<16xf32>,
        %add3A_1284 = arith.constant 32 : i32
        %add3A_1285 = arith.addi %squeeze3A_1243, %add3A_1284 : i32
        %get3A_1286 = arith.constant 1 : i32
        %get3A_1287 = arith.index_cast %get3A_1286 : i32 to index
        %get3A_1288 = arith.index_cast %add3A_1239 : i32 to index
        %get3A_1289 = arith.index_cast %add3A_1285 : i32 to index
        %get3A_1290 = tpu.vector_load %arg10[%get3A_1287, %get3A_1288, %get3A_1289] {strides = array<i32>} : memref<2x64x128xf32, #tpu.memory_space<vmem>>, vector<16xf32>,
        %sub3A_1291 = arith.subf %get3A_1283, %get3A_1290 : vector<16xf32>
        %mul3A_1292 = arith.mulf %sub3A_1291, %sub3A_1291 : vector<16xf32>
        %add3A_1293 = arith.addf %add3A_1276, %mul3A_1292 : vector<16xf32>
        %add3A_1294 = arith.constant 48 : i32
        %add3A_1295 = arith.addi %squeeze3A_1241, %add3A_1294 : i32
        %get3A_1296 = arith.constant 0 : i32
        %get3A_1297 = arith.index_cast %get3A_1296 : i32 to index
        %get3A_1298 = arith.index_cast %add3A_1239 : i32 to index
        %get3A_1299 = arith.index_cast %add3A_1295 : i32 to index
        %get3A_1300 = tpu.vector_load %arg10[%get3A_1297, %get3A_1298, %get3A_1299] {strides = array<i32>} : memref<2x64x128xf32, #tpu.memory_space<vmem>>, vector<16xf32>,
        %add3A_1301 = arith.constant 48 : i32
        %add3A_1302 = arith.addi %squeeze3A_1243, %add3A_1301 : i32
        %get3A_1303 = arith.constant 1 : i32
        %get3A_1304 = arith.index_cast %get3A_1303 : i32 to index
        %get3A_1305 = arith.index_cast %add3A_1239 : i32 to index
        %get3A_1306 = arith.index_cast %add3A_1302 : i32 to index
        %get3A_1307 = tpu.vector_load %arg10[%get3A_1304, %get3A_1305, %get3A_1306] {strides = array<i32>} : memref<2x64x128xf32, #tpu.memory_space<vmem>>, vector<16xf32>,
        %sub3A_1308 = arith.subf %get3A_1300, %get3A_1307 : vector<16xf32>
        %mul3A_1309 = arith.mulf %sub3A_1308, %sub3A_1308 : vector<16xf32>
        %add3A_1310 = arith.addf %add3A_1293, %mul3A_1309 : vector<16xf32>
        %swap3A_1311 = arith.constant 240 : index
        %swap3A_1312 = tpu.vector_load %arg11[%swap3A_1311] {strides = array<i32>} : memref<256xf32, #tpu.memory_space<vmem>>, vector<16xf32>,
        tpu.vector_store %arg11[%swap3A_1311], %add3A_1310 {strides = array<i32>} : memref<256xf32, #tpu.memory_space<vmem>>, vector<16xf32>,
        %mul3A_1313 = arith.constant 16 : i32
        %mul3A_1314 = vector.broadcast %mul3A_1313 : i32 to vector<16xi32>
        %mul3A_1315 = arith.muli %iota3A, %mul3A_1314 : vector<16xi32>
        %gather3A = tpu.vector_load_idx %arg11[%mul3A_1315] : memref<256xf32, #tpu.memory_space<vmem>>[vector<16xi32>], vector<16xf32>,
        %mul3A_1316 = arith.constant 16 : i32
        %mul3A_1317 = vector.broadcast %mul3A_1316 : i32 to vector<16xi32>
        %mul3A_1318 = arith.muli %iota3A, %mul3A_1317 : vector<16xi32>
        %add3A_1319 = arith.constant 1 : i32
        %add3A_1320 = vector.broadcast %add3A_1319 : i32 to vector<16xi32>
        %add3A_1321 = arith.addi %mul3A_1318, %add3A_1320 : vector<16xi32>
        %gather3A_1322 = tpu.vector_load_idx %arg11[%add3A_1321] : memref<256xf32, #tpu.memory_space<vmem>>[vector<16xi32>], vector<16xf32>,
        %add3A_1323 = arith.addf %gather3A, %gather3A_1322 : vector<16xf32>
        %mul3A_1324 = arith.constant 16 : i32
        %mul3A_1325 = vector.broadcast %mul3A_1324 : i32 to vector<16xi32>
        %mul3A_1326 = arith.muli %iota3A, %mul3A_1325 : vector<16xi32>
        %add3A_1327 = arith.constant 2 : i32
        %add3A_1328 = vector.broadcast %add3A_1327 : i32 to vector<16xi32>
        %add3A_1329 = arith.addi %mul3A_1326, %add3A_1328 : vector<16xi32>
        %gather3A_1330 = tpu.vector_load_idx %arg11[%add3A_1329] : memref<256xf32, #tpu.memory_space<vmem>>[vector<16xi32>], vector<16xf32>,
        %add3A_1331 = arith.addf %add3A_1323, %gather3A_1330 : vector<16xf32>
        %mul3A_1332 = arith.constant 16 : i32
        %mul3A_1333 = vector.broadcast %mul3A_1332 : i32 to vector<16xi32>
        %mul3A_1334 = arith.muli %iota3A, %mul3A_1333 : vector<16xi32>
        %add3A_1335 = arith.constant 3 : i32
        %add3A_1336 = vector.broadcast %add3A_1335 : i32 to vector<16xi32>
        %add3A_1337 = arith.addi %mul3A_1334, %add3A_1336 : vector<16xi32>
        %gather3A_1338 = tpu.vector_load_idx %arg11[%add3A_1337] : memref<256xf32, #tpu.memory_space<vmem>>[vector<16xi32>], vector<16xf32>,
        %add3A_1339 = arith.addf %add3A_1331, %gather3A_1338 : vector<16xf32>
        %mul3A_1340 = arith.constant 16 : i32
        %mul3A_1341 = vector.broadcast %mul3A_1340 : i32 to vector<16xi32>
        %mul3A_1342 = arith.muli %iota3A, %mul3A_1341 : vector<16xi32>
        %add3A_1343 = arith.constant 4 : i32
        %add3A_1344 = vector.broadcast %add3A_1343 : i32 to vector<16xi32>
        %add3A_1345 = arith.addi %mul3A_1342, %add3A_1344 : vector<16xi32>
        %gather3A_1346 = tpu.vector_load_idx %arg11[%add3A_1345] : memref<256xf32, #tpu.memory_space<vmem>>[vector<16xi32>], vector<16xf32>,
        %add3A_1347 = arith.addf %add3A_1339, %gather3A_1346 : vector<16xf32>
        %mul3A_1348 = arith.constant 16 : i32
        %mul3A_1349 = vector.broadcast %mul3A_1348 : i32 to vector<16xi32>
        %mul3A_1350 = arith.muli %iota3A, %mul3A_1349 : vector<16xi32>
        %add3A_1351 = arith.constant 5 : i32
        %add3A_1352 = vector.broadcast %add3A_1351 : i32 to vector<16xi32>
        %add3A_1353 = arith.addi %mul3A_1350, %add3A_1352 : vector<16xi32>
        %gather3A_1354 = tpu.vector_load_idx %arg11[%add3A_1353] : memref<256xf32, #tpu.memory_space<vmem>>[vector<16xi32>], vector<16xf32>,
        %add3A_1355 = arith.addf %add3A_1347, %gather3A_1354 : vector<16xf32>
        %mul3A_1356 = arith.constant 16 : i32
        %mul3A_1357 = vector.broadcast %mul3A_1356 : i32 to vector<16xi32>
        %mul3A_1358 = arith.muli %iota3A, %mul3A_1357 : vector<16xi32>
        %add3A_1359 = arith.constant 6 : i32
        %add3A_1360 = vector.broadcast %add3A_1359 : i32 to vector<16xi32>
        %add3A_1361 = arith.addi %mul3A_1358, %add3A_1360 : vector<16xi32>
        %gather3A_1362 = tpu.vector_load_idx %arg11[%add3A_1361] : memref<256xf32, #tpu.memory_space<vmem>>[vector<16xi32>], vector<16xf32>,
        %add3A_1363 = arith.addf %add3A_1355, %gather3A_1362 : vector<16xf32>
        %mul3A_1364 = arith.constant 16 : i32
        %mul3A_1365 = vector.broadcast %mul3A_1364 : i32 to vector<16xi32>
        %mul3A_1366 = arith.muli %iota3A, %mul3A_1365 : vector<16xi32>
        %add3A_1367 = arith.constant 7 : i32
        %add3A_1368 = vector.broadcast %add3A_1367 : i32 to vector<16xi32>
        %add3A_1369 = arith.addi %mul3A_1366, %add3A_1368 : vector<16xi32>
        %gather3A_1370 = tpu.vector_load_idx %arg11[%add3A_1369] : memref<256xf32, #tpu.memory_space<vmem>>[vector<16xi32>], vector<16xf32>,
        %add3A_1371 = arith.addf %add3A_1363, %gather3A_1370 : vector<16xf32>
        %mul3A_1372 = arith.constant 16 : i32
        %mul3A_1373 = vector.broadcast %mul3A_1372 : i32 to vector<16xi32>
        %mul3A_1374 = arith.muli %iota3A, %mul3A_1373 : vector<16xi32>
        %add3A_1375 = arith.constant 8 : i32
        %add3A_1376 = vector.broadcast %add3A_1375 : i32 to vector<16xi32>
        %add3A_1377 = arith.addi %mul3A_1374, %add3A_1376 : vector<16xi32>
        %gather3A_1378 = tpu.vector_load_idx %arg11[%add3A_1377] : memref<256xf32, #tpu.memory_space<vmem>>[vector<16xi32>], vector<16xf32>,
        %add3A_1379 = arith.addf %add3A_1371, %gather3A_1378 : vector<16xf32>
        %mul3A_1380 = arith.constant 16 : i32
        %mul3A_1381 = vector.broadcast %mul3A_1380 : i32 to vector<16xi32>
        %mul3A_1382 = arith.muli %iota3A, %mul3A_1381 : vector<16xi32>
        %add3A_1383 = arith.constant 9 : i32
        %add3A_1384 = vector.broadcast %add3A_1383 : i32 to vector<16xi32>
        %add3A_1385 = arith.addi %mul3A_1382, %add3A_1384 : vector<16xi32>
        %gather3A_1386 = tpu.vector_load_idx %arg11[%add3A_1385] : memref<256xf32, #tpu.memory_space<vmem>>[vector<16xi32>], vector<16xf32>,
        %add3A_1387 = arith.addf %add3A_1379, %gather3A_1386 : vector<16xf32>
        %mul3A_1388 = arith.constant 16 : i32
        %mul3A_1389 = vector.broadcast %mul3A_1388 : i32 to vector<16xi32>
        %mul3A_1390 = arith.muli %iota3A, %mul3A_1389 : vector<16xi32>
        %add3A_1391 = arith.constant 10 : i32
        %add3A_1392 = vector.broadcast %add3A_1391 : i32 to vector<16xi32>
        %add3A_1393 = arith.addi %mul3A_1390, %add3A_1392 : vector<16xi32>
        %gather3A_1394 = tpu.vector_load_idx %arg11[%add3A_1393] : memref<256xf32, #tpu.memory_space<vmem>>[vector<16xi32>], vector<16xf32>,
        %add3A_1395 = arith.addf %add3A_1387, %gather3A_1394 : vector<16xf32>
        %mul3A_1396 = arith.constant 16 : i32
        %mul3A_1397 = vector.broadcast %mul3A_1396 : i32 to vector<16xi32>
        %mul3A_1398 = arith.muli %iota3A, %mul3A_1397 : vector<16xi32>
        %add3A_1399 = arith.constant 11 : i32
        %add3A_1400 = vector.broadcast %add3A_1399 : i32 to vector<16xi32>
        %add3A_1401 = arith.addi %mul3A_1398, %add3A_1400 : vector<16xi32>
        %gather3A_1402 = tpu.vector_load_idx %arg11[%add3A_1401] : memref<256xf32, #tpu.memory_space<vmem>>[vector<16xi32>], vector<16xf32>,
        %add3A_1403 = arith.addf %add3A_1395, %gather3A_1402 : vector<16xf32>
        %mul3A_1404 = arith.constant 16 : i32
        %mul3A_1405 = vector.broadcast %mul3A_1404 : i32 to vector<16xi32>
        %mul3A_1406 = arith.muli %iota3A, %mul3A_1405 : vector<16xi32>
        %add3A_1407 = arith.constant 12 : i32
        %add3A_1408 = vector.broadcast %add3A_1407 : i32 to vector<16xi32>
        %add3A_1409 = arith.addi %mul3A_1406, %add3A_1408 : vector<16xi32>
        %gather3A_1410 = tpu.vector_load_idx %arg11[%add3A_1409] : memref<256xf32, #tpu.memory_space<vmem>>[vector<16xi32>], vector<16xf32>,
        %add3A_1411 = arith.addf %add3A_1403, %gather3A_1410 : vector<16xf32>
        %mul3A_1412 = arith.constant 16 : i32
        %mul3A_1413 = vector.broadcast %mul3A_1412 : i32 to vector<16xi32>
        %mul3A_1414 = arith.muli %iota3A, %mul3A_1413 : vector<16xi32>
        %add3A_1415 = arith.constant 13 : i32
        %add3A_1416 = vector.broadcast %add3A_1415 : i32 to vector<16xi32>
        %add3A_1417 = arith.addi %mul3A_1414, %add3A_1416 : vector<16xi32>
        %gather3A_1418 = tpu.vector_load_idx %arg11[%add3A_1417] : memref<256xf32, #tpu.memory_space<vmem>>[vector<16xi32>], vector<16xf32>,
        %add3A_1419 = arith.addf %add3A_1411, %gather3A_1418 : vector<16xf32>
        %mul3A_1420 = arith.constant 16 : i32
        %mul3A_1421 = vector.broadcast %mul3A_1420 : i32 to vector<16xi32>
        %mul3A_1422 = arith.muli %iota3A, %mul3A_1421 : vector<16xi32>
        %add3A_1423 = arith.constant 14 : i32
        %add3A_1424 = vector.broadcast %add3A_1423 : i32 to vector<16xi32>
        %add3A_1425 = arith.addi %mul3A_1422, %add3A_1424 : vector<16xi32>
        %gather3A_1426 = tpu.vector_load_idx %arg11[%add3A_1425] : memref<256xf32, #tpu.memory_space<vmem>>[vector<16xi32>], vector<16xf32>,
        %add3A_1427 = arith.addf %add3A_1419, %gather3A_1426 : vector<16xf32>
        %mul3A_1428 = arith.constant 16 : i32
        %mul3A_1429 = vector.broadcast %mul3A_1428 : i32 to vector<16xi32>
        %mul3A_1430 = arith.muli %iota3A, %mul3A_1429 : vector<16xi32>
        %add3A_1431 = arith.constant 15 : i32
        %add3A_1432 = vector.broadcast %add3A_1431 : i32 to vector<16xi32>
        %add3A_1433 = arith.addi %mul3A_1430, %add3A_1432 : vector<16xi32>
        %gather3A_1434 = tpu.vector_load_idx %arg11[%add3A_1433] : memref<256xf32, #tpu.memory_space<vmem>>[vector<16xi32>], vector<16xf32>,
        %add3A_1435 = arith.addf %add3A_1427, %gather3A_1434 : vector<16xf32>
        %mul3A_1436 = arith.mulf %get3A_5, %add3A_1435 : vector<16xf32>
        %sub3A_1437 = arith.subf %get3A_3, %mul3A_1436 : vector<16xf32>
        %abs3A = math.absf %sub3A_1437 : vector<16xf32>
        %neg3A = arith.constant 0.000000e+00 : f32
        %neg3A_1438 = vector.broadcast %neg3A : f32 to vector<16xf32>
        %neg3A_1439 = arith.subf %neg3A_1438, %abs3A : vector<16xf32>
        %exp3A = math.exp %neg3A_1439 : vector<16xf32>
        %add3A_1440 = arith.constant 1.000000e+00 : f32
        %add3A_1441 = vector.broadcast %add3A_1440 : f32 to vector<16xf32>
        %add3A_1442 = arith.addf %add3A_1441, %exp3A : vector<16xf32>
        %div3A = arith.constant 1.000000e+00 : f32
        %div3A_1443 = vector.broadcast %div3A : f32 to vector<16xf32>
        %div3A_1444 = arith.divf %div3A_1443, %add3A_1442 : vector<16xf32>
        %ge3A = arith.constant 0.000000e+00 : f32
        %ge3A_1445 = vector.broadcast %ge3A : f32 to vector<16xf32>
        %ge3A_1446 = arith.cmpf oge, %sub3A_1437, %ge3A_1445 : vector<16xf32>
        %mul3A_1447 = arith.mulf %exp3A, %div3A_1444 : vector<16xf32>
        %select_n3A = arith.select %ge3A_1446, %div3A_1444, %mul3A_1447 : vector<16xi1>, vector<16xf32>
        %swap3A_1448 = arith.index_cast %add3A_76 : i32 to index
        %swap3A_1449 = tpu.vector_load %arg12[%swap3A_1448] {strides = array<i32>} : memref<512xf32, #tpu.memory_space<vmem>>, vector<16xf32>,
        tpu.vector_store %arg12[%swap3A_1448], %select_n3A {strides = array<i32>} : memref<512xf32, #tpu.memory_space<vmem>>, vector<16xf32>,
      }
      %scan3A_70 = arith.constant 4 : i32
    }
    %scan3A_17 = arith.constant 8 : i32
    "tpu.region"() ({
      %run_scoped3A_18 = tpu.sem_alloc : memref<!tpu.dma_semaphore, #tpu.memory_space<semaphore_mem>>
      %dma_start3A = tpu.memref_slice %arg6[%mul3A_2] : memref<16384xf32, #tpu.memory_space<hbm>> -> memref<512xf32, #tpu.memory_space<hbm>>
      %dma_start3A_19 = tpu.memref_slice %arg6[%mul3A_2] : memref<16384xf32, #tpu.memory_space<hbm>> -> memref<512xf32, #tpu.memory_space<hbm>>
      tpu.enqueue_dma source(%arg12 : memref<512xf32, #tpu.memory_space<vmem>>) target(%dma_start3A_19 : memref<512xf32, #tpu.memory_space<hbm>>) target_semaphore(%run_scoped3A_18 : memref<!tpu.dma_semaphore, #tpu.memory_space<semaphore_mem>>)
      %dma_wait3A = tpu.memref_slice %arg6[%mul3A_2] : memref<16384xf32, #tpu.memory_space<hbm>> -> memref<512xf32, #tpu.memory_space<hbm>>
      %dma_wait3A_20 = tpu.memref_slice %arg6[%mul3A_2] : memref<16384xf32, #tpu.memory_space<hbm>> -> memref<512xf32, #tpu.memory_space<hbm>>
      tpu.wait_dma2 semaphore(%run_scoped3A_18 : memref<!tpu.dma_semaphore, #tpu.memory_space<semaphore_mem>>) src(%arg12 : memref<512xf32, #tpu.memory_space<vmem>>) dst(%dma_wait3A_20 : memref<512xf32, #tpu.memory_space<hbm>>)
      tpu.yield
    }) : () -> ()
    return
  }
}

module attributes {stable_mosaic.version = 14 : i64} {
  func.func @_mix_body(%arg0: i32, %arg1: memref<4xf32, #tpu.memory_space<smem>>, %arg2: memref<4x2000x64xf32, #tpu.memory_space<vmem>>, %arg3: memref<4x2000x64xf32, #tpu.memory_space<vmem>>, %arg4: memref<2000x128xf32, #tpu.memory_space<vmem>>) attributes {dimension_semantics = [#tpu.dimension_semantics<arbitrary>], iteration_bounds = array<i64: 25>, scalar_prefetch = 0 : i64, scratch_operands = 0 : i64, tpu.core_type = #tpu.core_type<tc>, window_params = [{transform_indices = @transform_0, window_bounds = array<i64: 4>}, {transform_indices = @transform_1, window_bounds = array<i64: 4, 2000, 64>}, {transform_indices = @transform_2, window_bounds = array<i64: 4, 2000, 64>}, {transform_indices = @transform_3, window_bounds = array<i64: 2000, 128>}]} {
    %get3A = arith.constant 0 : index
    %get3A_0 = arith.constant 0 : index
    %get3A_1 = arith.constant 0 : index
    %get3A_2 = vector.load %arg2[%get3A, %get3A_0, %get3A_1] : memref<4x2000x64xf32, #tpu.memory_space<vmem>>, vector<4x2000x64xf32>
    %get3A_3 = arith.constant 0 : index
    %get3A_4 = arith.constant 0 : index
    %get3A_5 = arith.constant 0 : index
    %get3A_6 = vector.load %arg3[%get3A_3, %get3A_4, %get3A_5] : memref<4x2000x64xf32, #tpu.memory_space<vmem>>, vector<4x2000x64xf32>
    %get3A_7 = arith.constant 0 : index
    %get3A_8 = memref.load %arg1[%get3A_7] : memref<4xf32, #tpu.memory_space<smem>>
    %slice3A = vector.extract_strided_slice %get3A_2 {offsets = [0, 0, 0], sizes = [1, 2000, 64], strides = [1, 1, 1]} : vector<4x2000x64xf32> to vector<1x2000x64xf32>
    %squeeze3A = vector.shape_cast %slice3A : vector<1x2000x64xf32> to vector<2000x64xf32>
    %mul3A = vector.broadcast %get3A_8 : f32 to vector<2000x64xf32>
    %mul3A_9 = arith.mulf %mul3A, %squeeze3A : vector<2000x64xf32>
    %get3A_10 = arith.constant 1 : index
    %get3A_11 = memref.load %arg1[%get3A_10] : memref<4xf32, #tpu.memory_space<smem>>
    %slice3A_12 = vector.extract_strided_slice %get3A_2 {offsets = [1, 0, 0], sizes = [1, 2000, 64], strides = [1, 1, 1]} : vector<4x2000x64xf32> to vector<1x2000x64xf32>
    %squeeze3A_13 = vector.shape_cast %slice3A_12 : vector<1x2000x64xf32> to vector<2000x64xf32>
    %mul3A_14 = vector.broadcast %get3A_11 : f32 to vector<2000x64xf32>
    %mul3A_15 = arith.mulf %mul3A_14, %squeeze3A_13 : vector<2000x64xf32>
    %add3A = arith.addf %mul3A_9, %mul3A_15 : vector<2000x64xf32>
    %get3A_16 = arith.constant 2 : index
    %get3A_17 = memref.load %arg1[%get3A_16] : memref<4xf32, #tpu.memory_space<smem>>
    %slice3A_18 = vector.extract_strided_slice %get3A_2 {offsets = [2, 0, 0], sizes = [1, 2000, 64], strides = [1, 1, 1]} : vector<4x2000x64xf32> to vector<1x2000x64xf32>
    %squeeze3A_19 = vector.shape_cast %slice3A_18 : vector<1x2000x64xf32> to vector<2000x64xf32>
    %mul3A_20 = vector.broadcast %get3A_17 : f32 to vector<2000x64xf32>
    %mul3A_21 = arith.mulf %mul3A_20, %squeeze3A_19 : vector<2000x64xf32>
    %add3A_22 = arith.addf %add3A, %mul3A_21 : vector<2000x64xf32>
    %get3A_23 = arith.constant 3 : index
    %get3A_24 = memref.load %arg1[%get3A_23] : memref<4xf32, #tpu.memory_space<smem>>
    %slice3A_25 = vector.extract_strided_slice %get3A_2 {offsets = [3, 0, 0], sizes = [1, 2000, 64], strides = [1, 1, 1]} : vector<4x2000x64xf32> to vector<1x2000x64xf32>
    %squeeze3A_26 = vector.shape_cast %slice3A_25 : vector<1x2000x64xf32> to vector<2000x64xf32>
    %mul3A_27 = vector.broadcast %get3A_24 : f32 to vector<2000x64xf32>
    %mul3A_28 = arith.mulf %mul3A_27, %squeeze3A_26 : vector<2000x64xf32>
    %add3A_29 = arith.addf %add3A_22, %mul3A_28 : vector<2000x64xf32>
    %get3A_30 = arith.constant 0 : index
    %get3A_31 = memref.load %arg1[%get3A_30] : memref<4xf32, #tpu.memory_space<smem>>
    %slice3A_32 = vector.extract_strided_slice %get3A_6 {offsets = [0, 0, 0], sizes = [1, 2000, 64], strides = [1, 1, 1]} : vector<4x2000x64xf32> to vector<1x2000x64xf32>
    %squeeze3A_33 = vector.shape_cast %slice3A_32 : vector<1x2000x64xf32> to vector<2000x64xf32>
    %mul3A_34 = vector.broadcast %get3A_31 : f32 to vector<2000x64xf32>
    %mul3A_35 = arith.mulf %mul3A_34, %squeeze3A_33 : vector<2000x64xf32>
    %get3A_36 = arith.constant 1 : index
    %get3A_37 = memref.load %arg1[%get3A_36] : memref<4xf32, #tpu.memory_space<smem>>
    %slice3A_38 = vector.extract_strided_slice %get3A_6 {offsets = [1, 0, 0], sizes = [1, 2000, 64], strides = [1, 1, 1]} : vector<4x2000x64xf32> to vector<1x2000x64xf32>
    %squeeze3A_39 = vector.shape_cast %slice3A_38 : vector<1x2000x64xf32> to vector<2000x64xf32>
    %mul3A_40 = vector.broadcast %get3A_37 : f32 to vector<2000x64xf32>
    %mul3A_41 = arith.mulf %mul3A_40, %squeeze3A_39 : vector<2000x64xf32>
    %add3A_42 = arith.addf %mul3A_35, %mul3A_41 : vector<2000x64xf32>
    %get3A_43 = arith.constant 2 : index
    %get3A_44 = memref.load %arg1[%get3A_43] : memref<4xf32, #tpu.memory_space<smem>>
    %slice3A_45 = vector.extract_strided_slice %get3A_6 {offsets = [2, 0, 0], sizes = [1, 2000, 64], strides = [1, 1, 1]} : vector<4x2000x64xf32> to vector<1x2000x64xf32>
    %squeeze3A_46 = vector.shape_cast %slice3A_45 : vector<1x2000x64xf32> to vector<2000x64xf32>
    %mul3A_47 = vector.broadcast %get3A_44 : f32 to vector<2000x64xf32>
    %mul3A_48 = arith.mulf %mul3A_47, %squeeze3A_46 : vector<2000x64xf32>
    %add3A_49 = arith.addf %add3A_42, %mul3A_48 : vector<2000x64xf32>
    %get3A_50 = arith.constant 3 : index
    %get3A_51 = memref.load %arg1[%get3A_50] : memref<4xf32, #tpu.memory_space<smem>>
    %slice3A_52 = vector.extract_strided_slice %get3A_6 {offsets = [3, 0, 0], sizes = [1, 2000, 64], strides = [1, 1, 1]} : vector<4x2000x64xf32> to vector<1x2000x64xf32>
    %squeeze3A_53 = vector.shape_cast %slice3A_52 : vector<1x2000x64xf32> to vector<2000x64xf32>
    %mul3A_54 = vector.broadcast %get3A_51 : f32 to vector<2000x64xf32>
    %mul3A_55 = arith.mulf %mul3A_54, %squeeze3A_53 : vector<2000x64xf32>
    %add3A_56 = arith.addf %add3A_49, %mul3A_55 : vector<2000x64xf32>
    %concatenate3A = tpu.concatenate %add3A_29, %add3A_56 in 1 : vector<2000x64xf32>, vector<2000x64xf32> -> vector<2000x128xf32>
    %swap3A = arith.constant 0 : index
    %swap3A_57 = arith.constant 0 : index
    %swap3A_58 = vector.load %arg4[%swap3A, %swap3A_57] : memref<2000x128xf32, #tpu.memory_space<vmem>>, vector<2000x128xf32>
    tpu.vector_store %arg4[%swap3A, %swap3A_57], %concatenate3A {strides = array<i32>} : memref<2000x128xf32, #tpu.memory_space<vmem>>, vector<2000x128xf32>,
    return
  }
  func.func @transform_0(%arg0: i32) -> i32 {
    %c0_i32 = arith.constant 0 : i32
    %c0_i32_0 = arith.constant 0 : i32
    return %c0_i32 : i32
  }
  func.func @transform_1(%arg0: i32) -> (i32, i32, i32) {
    %c0_i32 = arith.constant 0 : i32
    %c0_i32_0 = arith.constant 0 : i32
    %c0_i32_1 = arith.constant 0 : i32
    return %c0_i32, %arg0, %c0_i32_0 : i32, i32, i32
  }
  func.func @transform_2(%arg0: i32) -> (i32, i32, i32) {
    %add3A = arith.constant 25 : i32
    %add3A_0 = arith.addi %arg0, %add3A : i32
    %c0_i32 = arith.constant 0 : i32
    %c0_i32_1 = arith.constant 0 : i32
    %c0_i32_2 = arith.constant 0 : i32
    return %c0_i32, %add3A_0, %c0_i32_1 : i32, i32, i32
  }
  func.func @transform_3(%arg0: i32) -> (i32, i32) {
    %c0_i32 = arith.constant 0 : i32
    %c0_i32_0 = arith.constant 0 : i32
    return %arg0, %c0_i32 : i32, i32
  }
}

</mosaic_0001>

<sc_bundles>
// kernel: kernel.4.cloned.1.call-start
scs
__scs_entry_jumppad:
0x0: {  	(pc) =	sbr.rel $0x88, $3  }
0x1: {  	(tag) =	ssettag $0x0;
	lr =	simm.s32 $0x1  }
0x2: {  	[smem:$0x3F9B] =	sst lr;
	_ =	strace $0xD0000000  }
0x3: {  	_ = 	snop  }
0x4: {  	_ = 	snop  }
0x5: {  	_ = 	snop  }
0x6: {  	_ = 	snop  }
0x7: {  	_ = 	snop  }
__scs_overlays_trampoline_lowered:
0x8: {  	[smem:$0x3FAA] =	sst s0  }
0x9: {  	[smem:$0x3FAB] =	sst s1  }
0xa: {  	[smem:$0x3FAC] =	sst s2  }
0xb: {  	[smem:$0x3FAD] =	sst s3  }
0xc: {  	[smem:$0x3FAE] =	sst s4  }
0xd: {  	[smem:$0x3FAF] =	sst s5  }
0xe: {  	[smem:$0x3FB0] =	sst s6  }
0xf: {  	[smem:$0x3FB1] =	sst s7  }
0x10: {  	[smem:$0x3FB2] =	sst s8  }
0x11: {  	[smem:$0x3FB3] =	sst s9;
	s0 =	simm.s32 @!p0 $0x0  }
0x12: {  	s1 =	sld [smem:$0x3F99];
	s0 =	simm.s32 @p0 $0x1  }
0x13: {  	[smem:$0x3FB4] =	sst s0;
	s0 =	simm.s32 @!p1 $0x0  }
0x14: {  	s2 =	sld [smem:$0x3F98];
	s0 =	simm.s32 @p1 $0x1  }
0x15: {  	[smem:$0x3FB5] =	sst s0;
	s0 =	simm.s32 @!p2 $0x0  }
0x16: {  	s3 =	sld [smem:$0x3FDB];
	s0 =	simm.s32 @p2 $0x1  }
0x17: {  	s4 =	simm.s32 $0x1BF5;
	[smem:$0x3FB7] =	sst s0  }
0x18: {  	s0 =	sld [smem:$0x3F9A];
	_ =	swait.ge [sflag:s4], $0x0  }
0x19: {  	s7 =	sld [smem:$0x3F9B]  }
0x1a: {  	s8 =	sadd.s32 $0xFFFFE003, lr  }
0x1b: {  	s9 =	sadd.s32 $0xFFFFFEF7, lr;
	s5 =	simm.s32 $0xFFFFFFFF;
	p2 =	slt.u32 s8, $0xFFFFF086  }
0x1c: {  	p1 =	slt.u32 s9, $0xF7A;
	s5 =	simm.s32 @!p2 $0x0  }
0x1d: {  	s5 =	simm.s32 @p1 $0x1;
	p0 =	seq.s32 s7, s2  }
0x1e: {  	s7 =	smul.u32 @!p0 $0xF7A, s2;
	p2 =	seq.s32 @!p0 s5, $0x0  }
0x1f: {  	s9 =	smul.u32 $0xF7A, s1;
	s8 =	simm.s32 @!p0 $0x1BF5;
	p2 =	por !p2, p0  }
0x20: {  	[sflag:s8] =	ssyncset.s32 @!p0 $0xFFFFF086;
	s6 =	sadd.s32 @!p0 s3, s7;
	s7 =	simm.s32 @!p0 $0x108  }
0x21: {  	s3 =	sadd.s32 s3, s9;
	s6 =	sadd.s32 @!p0 $0x88, s6;
	s7 =	simm.s32 @p2 $0x1082  }
0x22: {  	[simem:s7], [sflag:s8] =	dma.local @!p0 [hbm:s6], $0xF7A  }
0x23: {  	s9 =	sor.u32 $0xD0000000, s2;
	s6 =	simm.s32 $0x108;
	_ =	swait.ge @!p0 [sflag:s8], $0x0  }
0x24: {  	s3 =	sadd.s32 $0x88, s3;
	s6 =	simm.s32 @!p1 $0x1082;
	[sflag:s4] =	ssyncset.s32 $0xFFFFF086  }
0x25: {  	[simem:s6], [sflag:s4] =	dma.local [hbm:s3], $0xF7A  }
0x26: {  	[smem:$0x3F9B] =	sst s1;
	(tag) =	ssettag s2;
	_ =	strace s9  }
0x27: {  	s1 =	sld [smem:$0x3FAB]  }
0x28: {  	s2 =	sld [smem:$0x3FAC]  }
0x29: {  	s4 =	sld [smem:$0x3FAE]  }
0x2a: {  	p0 =	seq.s32 s5, $0x0;
	s5 =	sld [smem:$0x3FAF]  }
0x2b: {  	s6 =	sld [smem:$0x3FB0]  }
0x2c: {  	s7 =	sld [smem:$0x3FB1]  }
0x2d: {  	s3 =	simm.s32 $0x108;
	s8 =	sld [smem:$0x3FB2]  }
0x2e: {  	s3 =	simm.s32 @!p0 $0x1082;
	s9 =	sld [smem:$0x3FB3]  }
0x2f: {  	lr =	sadd.s32 s0, s3;
	s0 =	sld [smem:$0x3FAA]  }
0x30: {  	s3 =	sld [smem:$0x3FAD]  }
0x31: {  	[smem:$0x3FB6] =	sst s10  }
0x32: {  	s10 =	sld [smem:$0x3FB4];
	_ =	sdelay $0x3  }
0x33: {  	p0 =	seq.s32 s10, $0x1;
	s10 =	sld [smem:$0x3FB6];
	_ =	sdelay $0x3  }
0x34: {  	[smem:$0x3FB6] =	sst s10  }
0x35: {  	s10 =	sld [smem:$0x3FB5];
	_ =	sdelay $0x3  }
0x36: {  	p1 =	seq.s32 s10, $0x1;
	s10 =	sld [smem:$0x3FB6];
	_ =	sdelay $0x3  }
0x37: {  	[smem:$0x3FB6] =	sst s10  }
0x38: {  	s10 =	sld [smem:$0x3FB7]  }
0x39: {  	_ = 	snop;
	(pc) =	sbr.ind lr, $3  }
0x3a: {  	_ = 	snop  }
0x3b: {  	_ = 	snop  }
0x3c: {  	p2 =	seq.s32 s10, $0x1;
	s10 =	sld [smem:$0x3FB6]  }
0x3d: {  	_ =	shalt  }
0x3e: {  	_ =	shalt  }
0x3f: {  	_ =	shalt  }
0x40: {  	_ =	shalt  }
0x41: {  	_ =	shalt  }
0x42: {  	_ =	shalt  }
0x43: {  	_ =	shalt  }
0x44: {  	_ =	shalt  }
0x45: {  	_ =	shalt  }
0x46: {  	_ =	shalt  }
0x47: {  	_ =	shalt  }
0x48: {  	_ =	shalt  }
0x49: {  	_ =	shalt  }
0x4a: {  	_ =	shalt  }
0x4b: {  	_ =	shalt  }
0x4c: {  	_ =	shalt  }
0x4d: {  	_ =	shalt  }
0x4e: {  	_ =	shalt  }
0x4f: {  	_ =	shalt  }
0x50: {  	_ =	shalt  }
0x51: {  	_ =	shalt  }
0x52: {  	_ =	shalt  }
0x53: {  	_ =	shalt  }
0x54: {  	_ =	shalt  }
0x55: {  	_ =	shalt  }
0x56: {  	_ =	shalt  }
0x57: {  	_ =	shalt  }
0x58: {  	_ =	shalt  }
0x59: {  	_ =	shalt  }
0x5a: {  	_ =	shalt  }
0x5b: {  	_ =	shalt  }
0x5c: {  	_ =	shalt  }
0x5d: {  	_ =	shalt  }
0x5e: {  	_ =	shalt  }
0x5f: {  	_ =	shalt  }
0x60: {  	_ =	shalt  }
0x61: {  	_ =	shalt  }
0x62: {  	_ =	shalt  }
0x63: {  	_ =	shalt  }
0x64: {  	_ =	shalt  }
0x65: {  	_ =	shalt  }
0x66: {  	_ =	shalt  }
0x67: {  	_ =	shalt  }
0x68: {  	_ =	shalt  }
0x69: {  	_ =	shalt  }
0x6a: {  	_ =	shalt  }
0x6b: {  	_ =	shalt  }
0x6c: {  	_ =	shalt  }
0x6d: {  	_ =	shalt  }
0x6e: {  	_ =	shalt  }
0x6f: {  	_ =	shalt  }
0x70: {  	_ =	shalt  }
0x71: {  	_ =	shalt  }
0x72: {  	_ =	shalt  }
0x73: {  	_ =	shalt  }
0x74: {  	_ =	shalt  }
0x75: {  	_ =	shalt  }
0x76: {  	_ =	shalt  }
0x77: {  	_ =	shalt  }
0x78: {  	_ =	shalt  }
0x79: {  	_ =	shalt  }
0x7a: {  	_ =	shalt  }
0x7b: {  	_ =	shalt  }
0x7c: {  	_ =	shalt  }
0x7d: {  	_ =	shalt  }
0x7e: {  	_ =	shalt  }
0x7f: {  	_ =	shalt  }
0x80: {  	_ =	shalt  }
0x81: {  	_ =	shalt  }
0x82: {  	_ =	shalt  }
0x83: {  	_ =	shalt  }
0x84: {  	_ =	shalt  }
0x85: {  	_ =	shalt  }
0x86: {  	_ =	shalt  }
0x87: {  	_ =	shalt  }
.Lfunc_end0:
.L_simem_size_0:
called_computation_lowered:
.L_overlay_start_0:
0x88: {  	s2 =	sld [smem:$0x3FD9]  }
0x89: {  	s3 =	sld [smem:$0x3FFE];
	_ =	sdelay $0x1  }
0x8a: {  	s1 =	srdreg.scid  }
0x8b: {  	s0 =	sand.u32 $0x1, s1  }
0x8c: {  	s17 =	sshll.u32 s0, $0xA;
	s2 =	sadd.s32 s3, s2  }
0x8d: {  	s2 =	sadd.s32 s2, s17  }
0x8e: {  	[smem:$0x3FC2] =	sst s2  }
0x8f: {  	_ = 	snop  }
0x90: {  	s2 =	sld [smem:$0x3FC5]  }
0x91: {  	s18 =	sld [smem:$0x3FC4]  }
0x92: {  	s4 =	sld [smem:$0x3FD0];
	(tm) =	ssettm $0x1  }
0x93: {  	s5 =	sld [smem:$0x3FFB];
	_ =	sdelay $0x3  }
0x94: {  	_ =	strace s5  }
0x95: {  	s5 =	sld [smem:$0x3FFC];
	_ =	sdelay $0x3  }
0x96: {  	_ =	strace s5  }
0x97: {  	s5 =	sld [smem:$0x3FFD];
	_ =	sdelay $0x3  }
0x98: {  	_ =	strace s5  }
0x99: {  	_ =	strace $0x8FFFFFFF  }
0x9a: {  	s19 =	sld [smem:$0x3FDB];
	_ =	sdelay $0x1  }
0x9b: {  	s6 =	simm.s32 $_scs_section_size  }
0x9c: {  	s7 =	simm.s32 $_size__tile_overlayer_lowered;
	s8 =	simm.s32 $_tile_overlayer_lowered  }
0x9d: {  	s22 =	simm.s32 $0x1BFF;
	s21 =	sshll.u32 s8, $0x1;
	s5 =	sadd.s32 s6, s19  }
0x9e: {  	s9 =	simm.s32 $0x0;
	s20 =	sshll.u32 s7, $0x1;
	s7 =	sadd.s32 s21, s5  }
0x9f: {  	[timem:s9], [sflag:s22] =	dma.local [hbm:s7], s20  }
0xa0: {  	_ =	swait.ge [sflag:s22], s20  }
0xa1: {  	s6 =	ssub.s32 $0x0, s20;
	[sflag:s22] =	ssyncset.done $0x0  }
0xa2: {  	[sflag:s22] =	ssyncadd.s32 s6;
	_ =	sdelay $0x1  }
0xa3: {  	s23 =	simm.s32 $0x1B8B  }
0xa4: {  	_ =	swait.ge [sflag:s23], $0x1  }
0xa5: {  	[sflag:s23] =	ssyncset.done $0x0  }
0xa6: {  	s25 =	simm.s32 $0x1B8E;
	s24 =	sld [smem:$0x3FFE];
	[sflag:s23] =	ssyncadd.s32 $0xFFFFFFFF  }
0xa7: {  	s26 =	simm.s32 $execute0_lowered;
	[smem:$0x3FD2] =	sst s25  }
0xa8: {  	s7 =	sshll.u32 s26, $0x1;
	_ =	strace $0x80000046;
	[dreg:$0x1] =	wrdreg $0xFFFFFFFF  }
0xa9: {  	s28 =	simm.s32 $_size_execute0_lowered;
	s5 =	sadd.s32 s5, s7;
	[dreg:$0x0] =	wrdreg $0x0  }
0xaa: {  	s7 =	sshll.u32 s28, $0x1;
	[dreg:$0x2] =	wrdreg s5  }
0xab: {  	[dreg:$0x3] =	wrdreg s7  }
0xac: {  	[dreg:$0x4] =	wrdreg $0xC0  }
0xad: {  	_ =	task [dreg:s9], $0x5FFFF  }
0xae: {  	[dreg:$0x1] =	wrdreg $0xFFFFFFFF  }
0xaf: {  	[dreg:$0x0] =	wrdreg $0x60  }
0xb0: {  	[dreg:$0x2] =	wrdreg s24  }
0xb1: {  	[dreg:$0x3] =	wrdreg s2  }
0xb2: {  	[dreg:$0x4] =	wrdreg s18  }
0xb3: {  	[dreg:$0x5] =	wrdreg s4  }
0xb4: {  	[dreg:$0x6] =	wrdreg $0x9  }
0xb5: {  	_ =	task.clear_ibuf [dreg:s9], $0x7FFFF;
	_ =	strace $0x90000046  }
0xb6: {  	s29 =	simm.s32 $0x9;
	_ =	strace $0x80000048  }
0xb7: {  	_ =	swait.ge [sflag:s29], $0x1  }
0xb8: {  	[sflag:s29] =	ssyncadd.s32 $0xFFFFFFFF  }
0xb9: {  	_ =	strace $0x90000048  }
0xba: {  	_ =	sfence  }
0xbb: {  	s30 =	sld [smem:$0x0];
	_ =	sdelay $0x2  }
0xbc: {  	s31 =	sshll.u32 s1, $0xD;
	s1 =	sshrl.u32 s1, $0x2  }
0xbd: {  	s3 =	sand.u32 $0x4000, s31;
	s1 =	sadd.s32 s1, s30  }
0xbe: {  	s0 =	sor.u32 s3, s0;
	s1 =	sshll.u32 s1, $0x11  }
0xbf: {  	s0 =	sor.u32 s1, s0  }
0xc0: {  	s0 =	sadd.s32 $0x8F2B, s0  }
0xc1: {  	[sflag:s0] =	ssyncadd.remote.s32 $0x1  }
0xc2: {  	_ =	sfence.sel $0xFFFF  }
0xc3: {  	[dreg:$0x0] =	wrdreg $0xFFFFFFFF;
	(pc) =	sbr.abs _section_cstart, $3  }
0xc4: {  	[dreg:$0x1] =	wrdreg $0xFFFFFFFF  }
0xc5: {  	_ =	task.clear_ibuf [dreg:s9], $0x2FFFF;
	_ =	strace $0x9FFFFFFF  }
0xc6: {  	(tm) =	ssettm $0x7FFFFFFF  }
0xc7: {  	_ =	shalt  }
tec
execute0_lowered:
.L_overlay_start_1:
0x0: {  	(tag) =	ssettag $0x1  }
0x1: {  	s6 =	rddreg [dreg:$0x0]  }
0x2: {  	s0 =	rddreg [dreg:$0x1]  }
0x3: {  	s1 =	rddreg [dreg:$0x2]  }
0x4: {  	s2 =	rddreg [dreg:$0x3];
	s3 =	srdreg.scid  }
0x5: {  	s7 =	simm.s32 $0x0;
	s5 =	stileid.u32;
	s3 =	sand.u32 $0x1, s3  }
0x6: {  	s5 =	sshll.u32 s5, $0x7;
	s4 =	ssub.s32 $0x2, s3;
	s3 =	sshll.u32 s3, $0x6  }
0x7: {  	[smem:$0x7FF] =	sst s7;
	s6 =	sadd.s32 $0x61A800, s6;
	s3 =	sor.u32 s3, s5  }
0x8: {  	_ =	strace $0x80000047;
	[dreg:$0x5] =	wrdreg s6;
	s2 =	sadd.s32 s2, s3  }
0x9: {  	s23 =	sshrl.u32 s4, $0x1;
	s0 =	sadd.s32 s0, s3;
	[dreg:$0x8] =	wrdreg s2  }
0xa: {  	s4 =	ssub.s32 s4, s23;
	s1 =	sadd.s32 s1, s3;
	[dreg:$0x6] =	wrdreg s0  }
0xb: {  	v0 =	vlaneseq.u32;
	s24 =	smax.u32 s4, $0x1;
	[dreg:$0x7] =	wrdreg s1  }
0xc: {  	v0 =	vmul.u32 $0x10, v0;
	s25 =	sadd.s32 $0x10, s0;
	[dreg:$0x9] =	wrdreg s24  }
0xd: {  	v1 =	vimm.s32 $0x0;
	s26 =	sadd.s32 $0x20, s0;
	[dreg:$0xa] =	wrdreg s25  }
0xe: {  	v2 =	vor.u32 $0x1, v0;
	v3 =	vor.u32 $0x2, v0;
	v4 =	vor.u32 $0x3, v0;
	s0 =	sadd.s32 $0x30, s0;
	[dreg:$0xb] =	wrdreg s26  }
0xf: {  	v5 =	vor.u32 $0x4, v0;
	v6 =	vor.u32 $0x5, v0;
	v7 =	vor.u32 $0x6, v0;
	s28 =	sadd.s32 $0x10, s1;
	[dreg:$0xc] =	wrdreg s0  }
0x10: {  	v8 =	vor.u32 $0x7, v0;
	v9 =	vor.u32 $0x8, v0;
	v10 =	vor.u32 $0x9, v0;
	s30 =	sadd.s32 $0x20, s1;
	[dreg:$0xd] =	wrdreg s28  }
0x11: {  	s29 =	simm.s32 $0x4880;
	v11 =	vor.u32 $0xA, v0;
	v12 =	vor.u32 $0xB, v0;
	v13 =	vor.u32 $0xC, v0;
	s31 =	sadd.s32 $0x30, s1;
	[dreg:$0xe] =	wrdreg s30  }
0x12: {  	v14 =	vor.u32 $0xD, v0;
	v15 =	vor.u32 $0xE, v0;
	v16 =	vor.u32 $0xF, v0;
	s2 =	simm.s32 $0x2;
	s1 =	simm.s32 $0x0;
	[dreg:$0xf] =	wrdreg s31  }
.LBB2_1:
0x13: {  	[dreg:$0x10] =	wrdreg s1  }
0x14: {  	s0 =	rddreg [dreg:$0x0]  }
0x15: {  	[tilespmem:s7], [sflag:$0x2] =	stream.linear.gather [hbm4b:s0+s7], $0x80, $0x38;
	[tilespmem:$0x4B80] =	vst v63  }
0x16: {  	_ =	swait.ge [sflag:s2], $0x80  }
0x17: {  	[sflag:s2] =	ssyncset.done $0x0  }
0x18: {  	[sflag:s2] =	ssyncadd.s32 $0xFFFFFF80  }
0x19: {  	s12 =	simm.s32 $0x80;
	s11 =	rddreg [dreg:$0x6];
	v17 =	vld [tilespmem:$0x0]  }
0x1a: {  	v18 =	vld [tilespmem:$0x10];
	[tilespmem:s12], [sflag:$0x2] =	stream.linear.gather [hbm4b:s11+s7], $0x80, $0x38  }
0x1b: {  	s14 =	simm.s32 $0x180;
	s13 =	rddreg [dreg:$0xa]  }
0x1c: {  	[tilespmem:s14], [sflag:$0x2] =	stream.linear.gather [hbm4b:s13+s7], $0x80, $0x38;
	[tilespmem:$0x4B80] =	vst v63  }
0x1d: {  	s16 =	simm.s32 $0x280;
	s15 =	rddreg [dreg:$0xb]  }
0x1e: {  	[tilespmem:s16], [sflag:$0x2] =	stream.linear.gather [hbm4b:s15+s7], $0x80, $0x38;
	[tilespmem:$0x4B80] =	vst v63  }
0x1f: {  	s18 =	simm.s32 $0x380;
	s17 =	rddreg [dreg:$0xc]  }
0x20: {  	[tilespmem:s18], [sflag:$0x2] =	stream.linear.gather [hbm4b:s17+s7], $0x80, $0x38;
	[tilespmem:$0x4B80] =	vst v63  }
0x21: {  	_ =	swait.ge [sflag:s2], $0x200  }
0x22: {  	[sflag:s2] =	ssyncset.done $0x0  }
0x23: {  	s20 =	simm.s32 $0x100;
	s19 =	rddreg [dreg:$0x7];
	[sflag:s2] =	ssyncadd.s32 $0xFFFFFE00  }
0x24: {  	[tilespmem:s20], [sflag:$0x2] =	stream.linear.gather [hbm4b:s19+s7], $0x80, $0x38;
	[tilespmem:$0x4B80] =	vst v63  }
0x25: {  	s22 =	simm.s32 $0x200;
	s21 =	rddreg [dreg:$0xd]  }
0x26: {  	[tilespmem:s22], [sflag:$0x2] =	stream.linear.gather [hbm4b:s21+s7], $0x80, $0x38;
	[tilespmem:$0x4B80] =	vst v63  }
0x27: {  	s24 =	simm.s32 $0x300;
	s23 =	rddreg [dreg:$0xe]  }
0x28: {  	[tilespmem:s24], [sflag:$0x2] =	stream.linear.gather [hbm4b:s23+s7], $0x80, $0x38;
	[tilespmem:$0x4B80] =	vst v63  }
0x29: {  	s26 =	simm.s32 $0x400;
	s25 =	rddreg [dreg:$0xf]  }
0x2a: {  	[tilespmem:s26], [sflag:$0x2] =	stream.linear.gather [hbm4b:s25+s7], $0x80, $0x38;
	[tilespmem:$0x4B80] =	vst v63  }
0x2b: {  	_ =	swait.ge [sflag:s2], $0x200  }
0x2c: {  	s28 =	sand.u32 $0x70, s7;
	s30 =	sand.u32 $0x300, s7;
	[sflag:s2] =	ssyncset.done $0x0  }
0x2d: {  	s0 =	sor.u32 s28, s30;
	[sflag:s2] =	ssyncadd.s32 $0xFFFFFE00  }
0x2e: {  	v19 =	vld [tilespmem:s0+$0x80]  }
0x2f: {  	v20 =	vld [tilespmem:s0+$0x100];
	_ =	sdelay $0x3  }
0x30: {  	vm0 =	vgt.s32 v19, $0xC34F  }
0x31: {  	s31 =	simm.s32 $0x10;
	s1 =	simm.s32 $0x20;
	vm15 =	vgt.s32 v20, $0xC34F;
	v21 =	vsel vm0, $0x40, v1;
	v22 =	vsel vm0, $0xFFFF3CB0, v1  }
0x32: {  	s3 =	sand.u32 $0x300, s1;
	s2 =	sand.u32 $0x70, s31;
	[tilespmem:s0+$0x480] =	vst v21;
	v21 =	vadd.s32 v19, v22;
	v22 =	vsel vm15, $0xFFFF3CB0, v1  }
0x33: {  	s3 =	sor.u32 s2, s3;
	s2 =	simm.s32 $0x20;
	v19 =	vsel vm15, $0x40, v1;
	[tilespmem:s0+$0x80] =	vst v21;
	v20 =	vadd.s32 v20, v22  }
.LBB2_2:
0x34: {  	p0 =	sne.s32 s2, $0x1F0;
	v21 =	vld [tilespmem:s3+$0x80];
	[tilespmem:s0+$0x100] =	vst v20  }
0x35: {  	v20 =	vld [tilespmem:s3+$0x100];
	[tilespmem:s0+$0x500] =	vst v19;
	s0 =	smov.u32 s3;
	_ =	sdelay $0x2  }
.Ltmp0:
0x36: {  	(pc) =	sbr.rel @p0 .LBB2_2-.Ltmp0, $4  }
0x37: {  	vm0 =	vgt.s32 v21, $0xC34F  }
0x38: {  	s1 =	sadd.s32 $0x20, s1;
	v19 =	vsel vm0, $0x40, v1;
	v22 =	vsel vm0, $0xFFFF3CB0, v1;
	vm0 =	vgt.s32 v20, $0xC34F  }
0x39: {  	s3 =	sand.u32 $0x70, s2;
	s4 =	sand.u32 $0x300, s1;
	[tilespmem:s0+$0x480] =	vst v19;
	v21 =	vadd.s32 v21, v22;
	v19 =	vsel vm0, $0x40, v1;
	v22 =	vsel vm0, $0xFFFF3CB0, v1  }
0x3a: {  	s2 =	sadd.s32 $0x10, s2;
	s3 =	sor.u32 s3, s4;
	[tilespmem:s0+$0x80] =	vst v21;
	v20 =	vadd.s32 v20, v22  }
0x3b: {  	v21 =	vld [tilespmem:s3+$0x80];
	[tilespmem:s0+$0x100] =	vst v20  }
0x3c: {  	v20 =	vld [tilespmem:s3+$0x100];
	_ =	sdelay $0x3  }
0x3d: {  	vm0 =	vgt.s32 v21, $0xC34F  }
0x3e: {  	[tilespmem:s0+$0x500] =	vst v19;
	v19 =	vsel vm0, $0x40, v1;
	v22 =	vsel vm0, $0xFFFF3CB0, v1;
	vm15 =	vgt.s32 v20, $0xC34F  }
0x3f: {  	[tilespmem:s3+$0x480] =	vst v19;
	v19 =	vadd.s32 v21, v22;
	v63 =	vsel vm15, $0xFFFF3CB0, v1  }
0x40: {  	[tilespmem:s3+$0x80] =	vst v19;
	v19 =	vadd.s32 v20, v63  }
0x41: {  	s6 =	simm.s32 $0x4980;
	v20 =	vsel vm15, $0x40, v1;
	[tilespmem:s3+$0x100] =	vst v19  }
0x42: {  	s7 =	simm.s32 $0x0;
	s8 =	simm.s32 $0x0;
	s1 =	simm.s32 $0x0;
	[tilespmem:s3+$0x500] =	vst v20  }
.LBB2_4:
0x43: {  	s0 =	sshll.u32 s1, $0x6;
	[dreg:$0x14] =	wrdreg s1;
	s25 =	sshll.u32 s1, $0x7  }
0x44: {  	s3 =	rddreg [dreg:$0x5];
	s0 =	sand.u32 $0x40, s0;
	s2 =	sand.u32 $0x300, s25  }
0x45: {  	s4 =	simm.s32 $0x40;
	s2 =	sor.u32 s0, s2;
	s0 =	sor.u32 s0, s25  }
0x46: {  	s5 =	simm.s32 $0x880;
	s2 =	sor.u32 $0x80, s2;
	s0 =	sor.u32 $0x80, s0  }
0x47: {  	[tilespmem:s5], [sflag:$0x1] =	stream.indirect.gather [hbm4b:s3+s4], $0x80, s2, s4, $0xb8;
	[tilespmem:$0x4B80] =	vst v63  }
0x48: {  	s26 =	simm.s32 $0x2880;
	s28 =	simm.s32 $0x1;
	s0 =	sadd.s32 $0x80, s0  }
0x49: {  	[tilespmem:s26], [sflag:$0x1] =	stream.indirect.gather [hbm4b:s3+s4], $0x80, s0, s4, $0xb8;
	[tilespmem:$0x4B80] =	vst v63  }
0x4a: {  	s30 =	sshll.u32 s8, $0x2;
	s31 =	sand.u32 $0x7, s7;
	_ =	swait.ge [sflag:s28], $0x2000  }
0x4b: {  	s1 =	sshll.u32 s31, $0x6;
	[dreg:$0x13] =	wrdreg s8;
	[sflag:s28] =	ssyncset.done $0x0  }
0x4c: {  	s0 =	sand.u32 $0xFFFFFC00, s30;
	[dreg:$0x12] =	wrdreg s7;
	[sflag:s28] =	ssyncadd.s32 $0xFFFFE000  }
0x4d: {  	s0 =	sor.u32 s1, s0;
	_ =	swait.ge [sflag:s28], $0x2000  }
0x4e: {  	s17 =	simm.s32 $0x0;
	s0 =	sshrl.u32 s0, $0x2;
	[sflag:s28] =	ssyncset.done $0x0  }
0x4f: {  	s14 =	sadd.s32 $0x500, s0;
	[dreg:$0x11] =	wrdreg s6;
	[sflag:s28] =	ssyncadd.s32 $0xFFFFE000  }
.LBB2_5:
0x50: {  	v20 =	vld [tilespmem:s14+$0xFFFFFF80]  }
0x51: {  	v19 =	vld [tilespmem:s14+$0x0];
	_ =	sdelay $0x3  }
0x52: {  	(v2sf) =	vpush v20, $0x0  }
0x53: {  	(v2sf) =	vpush v19, $0x0;
	_ =	sdelay $0xd  }
0x54: {  	[dreg:$0x15] =	wrdreg s6;
	s19 =	sshra.s32 s17, $0x2;
	s1 =	spop (v2sf)  }
0x55: {  	s2 =	sand.u32 $0x7F, s1;
	s3 =	sshll.u32 s1, $0x2;
	s21 =	spop (v2sf)  }
0x56: {  	s4 =	sadd.s32 $0x10, s1;
	s8 =	sadd.s32 $0x20, s1;
	s1 =	sadd.s32 $0x30, s1  }
0x57: {  	s3 =	sand.u32 $0xFFFFFE00, s3;
	s2 =	sshll.u32 s2, $0x2;
	s22 =	sshll.u32 s21, $0x2  }
0x58: {  	s23 =	sand.u32 $0x7F, s21;
	s7 =	sand.u32 $0x7F, s4;
	s4 =	sshll.u32 s4, $0x2  }
0x59: {  	s26 =	sadd.s32 $0x10, s21;
	s9 =	sand.u32 $0x7F, s8;
	s8 =	sshll.u32 s8, $0x2  }
0x5a: {  	(v2sf) =	vpush v20, $0x1;
	s11 =	sadd.s32 $0x20, s21;
	s16 =	sand.u32 $0x7F, s1;
	s1 =	sshll.u32 s1, $0x2  }
0x5b: {  	(v2sf) =	vpush v19, $0x1;
	s6 =	sadd.s32 $0x30, s21;
	s2 =	sor.u32 s2, s3;
	s3 =	sshll.u32 s23, $0x2  }
0x5c: {  	s24 =	sand.u32 $0xFFFFFE00, s4;
	s25 =	sshll.u32 s7, $0x2;
	s30 =	sshll.u32 s26, $0x2  }
0x5d: {  	(v2sf) =	vpush v20, $0x2;
	s7 =	sand.u32 $0x7F, s26;
	s31 =	sand.u32 $0xFFFFFE00, s8;
	s0 =	sshll.u32 s9, $0x2  }
0x5e: {  	s12 =	sshll.u32 s11, $0x2;
	s15 =	sand.u32 $0x7F, s11;
	s1 =	sand.u32 $0xFFFFFE00, s1  }
0x5f: {  	s18 =	sshll.u32 s16, $0x2;
	s20 =	sand.u32 $0x7F, s6;
	s6 =	sshll.u32 s6, $0x2  }
0x60: {  	s2 =	sshra.s32 s2, $0x2;
	s4 =	sor.u32 s25, s24;
	s7 =	sshll.u32 s7, $0x2  }
0x61: {  	s10 =	sor.u32 s0, s31;
	s1 =	sor.u32 s18, s1;
	s5 =	sadd.s32 s19, s2  }
0x62: {  	s2 =	sand.u32 $0xFFFFFE00, s22;
	s28 =	sshra.s32 s4, $0x2;
	s4 =	sand.u32 $0xFFFFFE00, s30  }
0x63: {  	s2 =	sor.u32 s3, s2;
	s4 =	sor.u32 s7, s4;
	s7 =	sshra.s32 s10, $0x2  }
0x64: {  	s6 =	sand.u32 $0xFFFFFE00, s6;
	s2 =	sshra.s32 s2, $0x2;
	s13 =	sadd.s32 s19, s7  }
0x65: {  	s7 =	sshll.u32 s15, $0x2;
	s3 =	sadd.s32 s19, s2;
	s2 =	sand.u32 $0xFFFFFE00, s12  }
0x66: {  	s1 =	sshra.s32 s1, $0x2;
	s22 =	sadd.s32 s19, s28;
	s2 =	sor.u32 s7, s2  }
0x67: {  	s9 =	sshra.s32 s4, $0x2;
	s7 =	sshll.u32 s20, $0x2;
	s2 =	sshra.s32 s2, $0x2  }
0x68: {  	s26 =	sadd.s32 s19, s9;
	s21 =	sor.u32 s7, s6;
	s16 =	sadd.s32 s19, s2  }
0x69: {  	s2 =	sadd.s32 s19, s1;
	s1 =	sshra.s32 s21, $0x2;
	s4 =	spop (v2sf)  }
0x6a: {  	s10 =	sadd.s32 s19, s1;
	(v2sf) =	vpush v19, $0x2;
	s8 =	spop (v2sf);
	s23 =	sshll.u32 s4, $0x2  }
0x6b: {  	s24 =	sand.u32 $0x7F, s4;
	s30 =	sadd.s32 $0x10, s4;
	s21 =	sadd.s32 $0x20, s4  }
0x6c: {  	s4 =	sadd.s32 $0x30, s4;
	s7 =	spop (v2sf);
	s6 =	sand.u32 $0xFFFFFE00, s23  }
0x6d: {  	s1 =	sshll.u32 s24, $0x2;
	s25 =	sand.u32 $0x7F, s8;
	s11 =	sshll.u32 s8, $0x2  }
0x6e: {  	s0 =	sand.u32 $0x7F, s30;
	s12 =	sadd.s32 $0x10, s8;
	s24 =	sand.u32 $0x7F, s21  }
0x6f: {  	s1 =	sor.u32 s1, s6;
	s28 =	sand.u32 $0xFFFFFE00, s11;
	s9 =	sshll.u32 s25, $0x2  }
0x70: {  	v57 =	vld [tilespmem:s10+$0x2880];
	s15 =	sand.u32 $0x7F, s12;
	s12 =	sshll.u32 s12, $0x2;
	s10 =	sadd.s32 $0x30, s7  }
0x71: {  	v21 =	vld [tilespmem:s5+$0x880];
	s1 =	sshra.s32 s1, $0x2;
	s6 =	sor.u32 s9, s28;
	s9 =	sshll.u32 s30, $0x2  }
0x72: {  	v23 =	vld [tilespmem:s22+$0x880];
	(v2sf) =	vpush v20, $0x3;
	s12 =	sand.u32 $0xFFFFFE00, s12;
	s15 =	sshll.u32 s15, $0x2;
	s30 =	sshll.u32 s4, $0x2  }
0x73: {  	v22 =	vld [tilespmem:s3+$0x2880];
	s4 =	sand.u32 $0x7F, s4;
	s11 =	sadd.s32 s19, s1;
	s31 =	sshra.s32 s6, $0x2  }
0x74: {  	v24 =	vld [tilespmem:s26+$0x2880];
	(v2sf) =	vpush v19, $0x3;
	s9 =	sand.u32 $0xFFFFFE00, s9;
	s6 =	sshll.u32 s0, $0x2;
	s20 =	sor.u32 s15, s12  }
0x75: {  	v25 =	vld [tilespmem:s13+$0x880];
	s12 =	sshll.u32 s21, $0x2;
	s15 =	sshll.u32 s24, $0x2;
	s4 =	sshll.u32 s4, $0x2  }
0x76: {  	v26 =	vld [tilespmem:s16+$0x2880];
	s23 =	sadd.s32 s19, s31;
	s18 =	sor.u32 s6, s9;
	s6 =	sshra.s32 s20, $0x2  }
0x77: {  	s12 =	sand.u32 $0xFFFFFE00, s12;
	s1 =	sshra.s32 s18, $0x2;
	s6 =	sadd.s32 s19, s6  }
0x78: {  	v27 =	vld [tilespmem:s2+$0x880];
	v21 =	vsub.f32 v21, v22;
	s18 =	sadd.s32 $0x20, s8;
	s12 =	sor.u32 s15, s12;
	s8 =	sadd.s32 $0x30, s8  }
0x79: {  	v23 =	vsub.f32 v23, v24;
	s9 =	sadd.s32 s19, s1;
	s20 =	sand.u32 $0x7F, s18;
	s28 =	spop (v2sf);
	(v2sf) =	vpush v20, $0x4  }
0x7a: {  	s18 =	sshll.u32 s18, $0x2;
	s12 =	sshra.s32 s12, $0x2;
	s0 =	sand.u32 $0x7F, s8  }
0x7b: {  	v21 =	vmul.f32 v21, v21;
	v23 =	vmul.f32 v23, v23;
	v58 =	vsub.f32 v25, v26;
	s8 =	sshll.u32 s8, $0x2;
	s18 =	sand.u32 $0xFFFFFE00, s18;
	s20 =	sshll.u32 s20, $0x2  }
0x7c: {  	s8 =	sand.u32 $0xFFFFFE00, s8;
	s25 =	sor.u32 s20, s18;
	s18 =	sshll.u32 s7, $0x2  }
0x7d: {  	v21 =	vadd.f32 v23, v21;
	v22 =	vsub.f32 v27, v57;
	v59 =	vmul.f32 v58, v58;
	s15 =	sshra.s32 s25, $0x2;
	s25 =	sadd.s32 s19, s12;
	s12 =	sand.u32 $0xFFFFFE00, s30  }
0x7e: {  	s31 =	sadd.s32 s19, s15;
	s4 =	sor.u32 s4, s12;
	s15 =	sshll.u32 s0, $0x2  }
0x7f: {  	v22 =	vmul.f32 v22, v22;
	v21 =	vadd.f32 v59, v21;
	s20 =	sand.u32 $0x7F, s7;
	s4 =	sshra.s32 s4, $0x2;
	s12 =	sor.u32 s15, s8  }
0x80: {  	s15 =	sand.u32 $0xFFFFFE00, s18;
	s4 =	sadd.s32 s19, s4;
	s12 =	sshra.s32 s12, $0x2  }
0x81: {  	v21 =	vadd.f32 v22, v21;
	s24 =	sadd.s32 s19, s12;
	s12 =	sshll.u32 s20, $0x2;
	s1 =	spop (v2sf)  }
0x82: {  	s30 =	sand.u32 $0x7F, s28;
	s0 =	sshll.u32 s28, $0x2;
	s12 =	sor.u32 s12, s15  }
0x83: {  	[tilespmem:$0x4880] =	vst v21;
	s21 =	spop (v2sf);
	s20 =	sand.u32 $0xFFFFFE00, s0;
	s18 =	sshll.u32 s30, $0x2  }
0x84: {  	v60 =	vld [tilespmem:s23+$0x2900];
	s12 =	sshra.s32 s12, $0x2;
	s30 =	sadd.s32 $0x10, s7;
	s23 =	sadd.s32 $0x10, s1  }
0x85: {  	s18 =	sor.u32 s18, s20;
	s0 =	sand.u32 $0x7F, s30;
	s30 =	sshll.u32 s30, $0x2  }
0x86: {  	v63 =	vld [tilespmem:s25+$0x900];
	(v2sf) =	vpush v19, $0x4;
	s20 =	sadd.s32 s19, s12;
	s12 =	sadd.s32 $0x10, s28;
	s25 =	sadd.s32 $0x20, s21  }
0x87: {  	(v2sf) =	vpush v20, $0x5;
	s18 =	sshra.s32 s18, $0x2;
	s30 =	sand.u32 $0xFFFFFE00, s30;
	s0 =	sshll.u32 s0, $0x2  }
0x88: {  	s5 =	sand.u32 $0x7F, s12;
	s3 =	sshll.u32 s12, $0x2;
	s8 =	spop (v2sf);
	(v2sf) =	vpush v19, $0x5  }
0x89: {  	v21 =	vld [tilespmem:s11+$0x900];
	s12 =	sadd.s32 $0x20, s7;
	s18 =	sadd.s32 s19, s18;
	s0 =	sor.u32 s0, s30  }
0x8a: {  	v61 =	vld [tilespmem:s9+$0x900];
	s3 =	sand.u32 $0xFFFFFE00, s3;
	s13 =	sand.u32 $0x7F, s12;
	s0 =	sshra.s32 s0, $0x2  }
0x8b: {  	v62 =	vld [tilespmem:s6+$0x2900];
	s22 =	sadd.s32 s19, s0;
	s0 =	sshll.u32 s5, $0x2;
	s5 =	sshll.u32 s12, $0x2  }
0x8c: {  	s26 =	sshll.u32 s13, $0x2;
	s0 =	sor.u32 s0, s3;
	s16 =	sand.u32 $0xFFFFFE00, s5  }
0x8d: {  	v30 =	vld [tilespmem:s31+$0x2900];
	s0 =	sshra.s32 s0, $0x2;
	s12 =	sor.u32 s26, s16;
	s16 =	sadd.s32 $0x20, s28  }
0x8e: {  	v31 =	vld [tilespmem:s4+$0x900];
	s3 =	sadd.s32 s19, s0;
	s26 =	sand.u32 $0x7F, s16;
	s2 =	sshll.u32 s16, $0x2  }
0x8f: {  	v33 =	vld [tilespmem:s24+$0x2900];
	s0 =	sshra.s32 s12, $0x2;
	s12 =	sand.u32 $0x7F, s10;
	s16 =	sadd.s32 $0x30, s28  }
0x90: {  	v21 =	vsub.f32 v21, v60;
	v32 =	vsub.f32 v61, v62;
	s2 =	sand.u32 $0xFFFFFE00, s2;
	s5 =	sshll.u32 s26, $0x2;
	s26 =	sadd.s32 s19, s0  }
0x91: {  	s28 =	sand.u32 $0x7F, s16;
	s7 =	sshll.u32 s16, $0x2;
	s16 =	sshll.u32 s1, $0x2  }
0x92: {  	v21 =	vmul.f32 v21, v21;
	v22 =	vmul.f32 v32, v32;
	v34 =	vsub.f32 v63, v30;
	s5 =	sor.u32 s5, s2;
	s2 =	sshll.u32 s10, $0x2;
	s7 =	sand.u32 $0xFFFFFE00, s7  }
0x93: {  	s0 =	sshra.s32 s5, $0x2;
	s2 =	sand.u32 $0xFFFFFE00, s2;
	s5 =	sshll.u32 s12, $0x2  }
0x94: {  	v21 =	vadd.f32 v22, v21;
	v35 =	vmul.f32 v34, v34;
	v23 =	vsub.f32 v31, v33;
	s12 =	sand.u32 $0x7F, s1;
	s2 =	sor.u32 s5, s2;
	s5 =	sshll.u32 s28, $0x2  }
0x95: {  	s10 =	sadd.s32 s19, s0;
	s28 =	sand.u32 $0xFFFFFE00, s16;
	s15 =	spop (v2sf)  }
0x96: {  	v21 =	vadd.f32 v35, v21;
	v36 =	vmul.f32 v23, v23;
	s2 =	sshra.s32 s2, $0x2;
	s7 =	sor.u32 s5, s7;
	(v2sf) =	vpush v20, $0x6;
	s30 =	spop (v2sf)  }
0x97: {  	s5 =	sshll.u32 s12, $0x2;
	s12 =	sand.u32 $0x7F, s21;
	s13 =	spop (v2sf);
	(v2sf) =	vpush v19, $0x6  }
0x98: {  	v21 =	vadd.f32 v36, v21;
	s2 =	sadd.s32 s19, s2;
	s0 =	sshra.s32 s7, $0x2;
	s5 =	sor.u32 s5, s28  }
0x99: {  	s28 =	sshll.u32 s21, $0x2;
	s12 =	sshll.u32 s12, $0x2;
	s16 =	sadd.s32 s19, s0  }
0x9a: {  	[tilespmem:$0x4890] =	vst v21;
	s11 =	sand.u32 $0xFFFFFE00, s28;
	s5 =	sshra.s32 s5, $0x2;
	s28 =	sshll.u32 s23, $0x2  }
0x9b: {  	v21 =	vld [tilespmem:s20+$0x980];
	s0 =	sor.u32 s12, s11;
	s5 =	sadd.s32 s19, s5;
	s12 =	sand.u32 $0x7F, s23  }
0x9c: {  	v37 =	vld [tilespmem:s18+$0x2980];
	s9 =	sand.u32 $0xFFFFFE00, s28;
	s23 =	sadd.s32 $0x10, s21;
	s0 =	sshra.s32 s0, $0x2  }
0x9d: {  	v43 =	vld [tilespmem:s16+$0x2980];
	s16 =	sadd.s32 $0x20, s15;
	s28 =	sand.u32 $0x7F, s23;
	s6 =	sadd.s32 s19, s0  }
0x9e: {  	v38 =	vld [tilespmem:s22+$0x980];
	s0 =	sshll.u32 s12, $0x2;
	s12 =	sshll.u32 s23, $0x2;
	s31 =	sshll.u32 s28, $0x2  }
0x9f: {  	v39 =	vld [tilespmem:s3+$0x2980];
	s23 =	sadd.s32 $0x20, s1;
	s28 =	sand.u32 $0x7F, s25;
	s1 =	sadd.s32 $0x30, s1  }
0xa0: {  	v40 =	vld [tilespmem:s26+$0x980];
	s0 =	sor.u32 s0, s9;
	s12 =	sand.u32 $0xFFFFFE00, s12;
	s24 =	sand.u32 $0x7F, s23  }
0xa1: {  	v41 =	vld [tilespmem:s10+$0x2980];
	s4 =	sshll.u32 s23, $0x2;
	s23 =	sshll.u32 s25, $0x2;
	s0 =	sshra.s32 s0, $0x2  }
0xa2: {  	s12 =	sor.u32 s31, s12;
	s4 =	sand.u32 $0xFFFFFE00, s4;
	s23 =	sand.u32 $0xFFFFFE00, s23  }
0xa3: {  	v42 =	vld [tilespmem:s2+$0x980];
	v21 =	vsub.f32 v21, v37;
	s9 =	sadd.s32 s19, s0;
	s0 =	sshra.s32 s12, $0x2;
	s12 =	sshll.u32 s24, $0x2  }
0xa4: {  	v23 =	vsub.f32 v38, v39;
	s4 =	sor.u32 s12, s4;
	s12 =	sshll.u32 s28, $0x2;
	s25 =	sadd.s32 s19, s0  }
0xa5: {  	v21 =	vmul.f32 v21, v21;
	s4 =	sshra.s32 s4, $0x2;
	s31 =	sor.u32 s12, s23;
	s7 =	spop (v2sf);
	(v2sf) =	vpush v20, $0x7  }
0xa6: {  	v23 =	vmul.f32 v23, v23;
	v44 =	vsub.f32 v40, v41;
	s12 =	sadd.s32 $0x30, s21;
	s24 =	sadd.s32 s19, s4;
	s11 =	spop (v2sf);
	(v2sf) =	vpush v19, $0x7  }
0xa7: {  	s0 =	sshra.s32 s31, $0x2;
	s4 =	sand.u32 $0x7F, s1;
	s1 =	sshll.u32 s1, $0x2  }
0xa8: {  	v21 =	vadd.f32 v23, v21;
	v45 =	vmul.f32 v44, v44;
	v22 =	vsub.f32 v42, v43;
	s21 =	sand.u32 $0x7F, s12;
	s31 =	sand.u32 $0x7F, s8;
	s28 =	sadd.s32 s19, s0  }
0xa9: {  	s1 =	sand.u32 $0xFFFFFE00, s1;
	s0 =	sshll.u32 s4, $0x2;
	s4 =	sshll.u32 s12, $0x2  }
0xaa: {  	v21 =	vadd.f32 v45, v21;
	v22 =	vmul.f32 v22, v22;
	s0 =	sor.u32 s0, s1;
	s1 =	sshll.u32 s21, $0x2;
	s21 =	sshll.u32 s8, $0x2  }
0xab: {  	s31 =	sshll.u32 s31, $0x2;
	s4 =	sand.u32 $0xFFFFFE00, s4;
	s12 =	sand.u32 $0xFFFFFE00, s21  }
0xac: {  	v21 =	vadd.f32 v22, v21;
	s0 =	sshra.s32 s0, $0x2;
	s4 =	sor.u32 s1, s4;
	s20 =	sor.u32 s31, s12  }
0xad: {  	s12 =	sand.u32 $0x7F, s15;
	s31 =	sshll.u32 s15, $0x2;
	s4 =	sshra.s32 s4, $0x2  }
0xae: {  	[tilespmem:$0x48A0] =	vst v21;
	s21 =	sand.u32 $0xFFFFFE00, s31;
	s31 =	sshll.u32 s12, $0x2;
	s12 =	sadd.s32 s19, s0  }
0xaf: {  	v47 =	vld [tilespmem:s9+$0xA00];
	s22 =	sadd.s32 s19, s4;
	s20 =	sshra.s32 s20, $0x2;
	s9 =	sshll.u32 s13, $0x2  }
0xb0: {  	v48 =	vld [tilespmem:s25+$0x2A00];
	s25 =	sadd.s32 $0x10, s13;
	s18 =	sor.u32 s31, s21;
	s21 =	sadd.s32 $0x10, s8  }
0xb1: {  	s31 =	sadd.s32 $0x10, s15;
	s15 =	sadd.s32 $0x30, s15;
	s0 =	sshra.s32 s18, $0x2  }
0xb2: {  	s18 =	sadd.s32 s19, s20;
	s26 =	sshll.u32 s21, $0x2;
	s4 =	sand.u32 $0x7F, s21  }
0xb3: {  	s20 =	sand.u32 $0x7F, s31;
	s10 =	sshll.u32 s31, $0x2;
	s31 =	sadd.s32 $0x20, s8  }
0xb4: {  	s8 =	sadd.s32 $0x30, s8;
	s3 =	sadd.s32 s19, s0;
	s23 =	spop (v2sf);
	(v2sf) =	vpush v20, $0x8  }
0xb5: {  	s0 =	sand.u32 $0xFFFFFE00, s26;
	s4 =	sshll.u32 s4, $0x2;
	s1 =	spop (v2sf);
	(v2sf) =	vpush v19, $0x8  }
0xb6: {  	v21 =	vld [tilespmem:s5+$0xA00];
	s21 =	sand.u32 $0xFFFFFE00, s10;
	s0 =	sor.u32 s4, s0;
	s4 =	sshll.u32 s20, $0x2  }
0xb7: {  	v46 =	vld [tilespmem:s6+$0x2A00];
	s10 =	sand.u32 $0x7F, s31;
	s0 =	sshra.s32 s0, $0x2;
	s2 =	sor.u32 s4, s21  }
0xb8: {  	v49 =	vld [tilespmem:s24+$0xA00];
	s20 =	sadd.s32 s19, s0;
	s26 =	sshra.s32 s2, $0x2;
	s2 =	sshll.u32 s31, $0x2  }
0xb9: {  	v50 =	vld [tilespmem:s28+$0x2A00];
	s0 =	sshll.u32 s10, $0x2;
	s10 =	sshll.u32 s16, $0x2;
	s4 =	sadd.s32 s19, s26  }
0xba: {  	v51 =	vld [tilespmem:s12+$0xA00];
	s2 =	sand.u32 $0xFFFFFE00, s2;
	s26 =	sand.u32 $0x7F, s16;
	s10 =	sand.u32 $0xFFFFFE00, s10  }
0xbb: {  	v28 =	vld [tilespmem:s22+$0x2A00];
	s16 =	sand.u32 $0x7F, s8;
	s8 =	sshll.u32 s8, $0x2;
	s0 =	sor.u32 s0, s2  }
0xbc: {  	v21 =	vsub.f32 v21, v46;
	v52 =	vsub.f32 v47, v48;
	s31 =	sshll.u32 s26, $0x2;
	s8 =	sand.u32 $0xFFFFFE00, s8;
	s26 =	sand.u32 $0x7F, s15  }
0xbd: {  	s15 =	sshll.u32 s15, $0x2;
	s0 =	sshra.s32 s0, $0x2;
	s10 =	sor.u32 s31, s10  }
0xbe: {  	v53 =	vsub.f32 v49, v50;
	v21 =	vmul.f32 v21, v21;
	v22 =	vmul.f32 v52, v52;
	s2 =	sadd.s32 s19, s0;
	s0 =	sshra.s32 s10, $0x2;
	s10 =	sshll.u32 s16, $0x2  }
0xbf: {  	s15 =	sand.u32 $0xFFFFFE00, s15;
	s31 =	sshll.u32 s26, $0x2;
	s8 =	sor.u32 s10, s8  }
0xc0: {  	v54 =	vmul.f32 v53, v53;
	v55 =	vsub.f32 v51, v28;
	v21 =	vadd.f32 v22, v21;
	s16 =	sshll.u32 s30, $0x2;
	s26 =	sadd.s32 s19, s0;
	s8 =	sshra.s32 s8, $0x2  }
0xc1: {  	s10 =	sadd.s32 s19, s8;
	s8 =	sor.u32 s31, s15;
	s15 =	sand.u32 $0x7F, s30  }
0xc2: {  	v56 =	vmul.f32 v55, v55;
	v21 =	vadd.f32 v54, v21;
	s6 =	sand.u32 $0xFFFFFE00, s16;
	s0 =	sshra.s32 s8, $0x2;
	s5 =	sshll.u32 s15, $0x2  }
0xc3: {  	s8 =	sand.u32 $0x7F, s13;
	s31 =	sadd.s32 s19, s0;
	s21 =	spop (v2sf)  }
0xc4: {  	v21 =	vadd.f32 v56, v21;
	s0 =	sor.u32 s5, s6;
	s5 =	sshll.u32 s8, $0x2;
	s8 =	spop (v2sf);
	(v2sf) =	vpush v20, $0x9  }
0xc5: {  	s28 =	sand.u32 $0x7F, s25;
	s12 =	sshll.u32 s25, $0x2;
	s15 =	sadd.s32 $0x10, s30  }
0xc6: {  	s12 =	sand.u32 $0xFFFFFE00, s12;
	[tilespmem:$0x48B0] =	vst v21;
	s6 =	sand.u32 $0xFFFFFE00, s9;
	s24 =	sshll.u32 s15, $0x2  }
0xc7: {  	s9 =	sand.u32 $0x7F, s15;
	s15 =	sshll.u32 s28, $0x2;
	v58 =	vld [tilespmem:s20+$0xA80];
	s20 =	sand.u32 $0x7F, s7  }
0xc8: {  	v61 =	vld [tilespmem:s26+$0x2A80];
	s26 =	sadd.s32 $0x10, s7;
	s0 =	sshra.s32 s0, $0x2;
	s6 =	sor.u32 s5, s6  }
0xc9: {  	v62 =	vld [tilespmem:s10+$0xA80];
	s9 =	sshll.u32 s9, $0x2;
	s12 =	sor.u32 s15, s12;
	s10 =	sshll.u32 s26, $0x2  }
0xca: {  	s5 =	sadd.s32 s19, s0;
	s16 =	sshra.s32 s6, $0x2;
	s6 =	sand.u32 $0xFFFFFE00, s24  }
0xcb: {  	s0 =	sshra.s32 s12, $0x2;
	s24 =	sadd.s32 $0x20, s13;
	s13 =	sadd.s32 $0x30, s13  }
0xcc: {  	s10 =	sand.u32 $0xFFFFFE00, s10;
	s6 =	sor.u32 s9, s6;
	s9 =	sadd.s32 s19, s16  }
0xcd: {  	s16 =	sadd.s32 $0x20, s30;
	s25 =	sand.u32 $0x7F, s24;
	s15 =	sadd.s32 s19, s0  }
0xce: {  	s30 =	sadd.s32 $0x30, s30;
	s6 =	sshra.s32 s6, $0x2;
	s12 =	sshll.u32 s16, $0x2  }
0xcf: {  	s22 =	sand.u32 $0x7F, s16;
	s16 =	sshll.u32 s24, $0x2;
	s12 =	sand.u32 $0xFFFFFE00, s12  }
0xd0: {  	v21 =	vld [tilespmem:s18+$0xA80];
	s28 =	sshll.u32 s22, $0x2;
	s16 =	sand.u32 $0xFFFFFE00, s16;
	s22 =	sshll.u32 s25, $0x2  }
0xd1: {  	v57 =	vld [tilespmem:s3+$0x2A80];
	s24 =	sshll.u32 s7, $0x2;
	s25 =	sor.u32 s28, s12;
	s28 =	sor.u32 s22, s16  }
0xd2: {  	v59 =	vld [tilespmem:s4+$0x2A80];
	s0 =	sshra.s32 s25, $0x2;
	s12 =	sshra.s32 s28, $0x2;
	s25 =	sand.u32 $0x7F, s30  }
0xd3: {  	s16 =	sadd.s32 s19, s12;
	s12 =	sshll.u32 s30, $0x2;
	s30 =	spop (v2sf);
	(v2sf) =	vpush v19, $0x9  }
0xd4: {  	v60 =	vld [tilespmem:s2+$0xA80];
	s6 =	sadd.s32 s19, s6;
	s28 =	sshll.u32 s13, $0x2;
	s13 =	sand.u32 $0x7F, s13  }
0xd5: {  	s22 =	sadd.s32 s19, s0;
	s18 =	sand.u32 $0xFFFFFE00, s28;
	s3 =	sshll.u32 s13, $0x2  }
0xd6: {  	v63 =	vld [tilespmem:s31+$0x2A80];
	s28 =	sshll.u32 s20, $0x2;
	s0 =	sand.u32 $0xFFFFFE00, s12;
	s12 =	sshll.u32 s25, $0x2  }
0xd7: {  	v21 =	vsub.f32 v21, v57;
	v24 =	vsub.f32 v58, v59;
	s3 =	sor.u32 s3, s18;
	s25 =	sand.u32 $0xFFFFFE00, s24;
	s24 =	sand.u32 $0x7F, s11  }
0xd8: {  	s0 =	sor.u32 s12, s0;
	s13 =	sshra.s32 s3, $0x2;
	s18 =	sor.u32 s28, s25  }
0xd9: {  	v29 =	vsub.f32 v60, v61;
	v21 =	vmul.f32 v21, v21;
	v22 =	vmul.f32 v24, v24;
	s25 =	sshll.u32 s11, $0x2;
	s28 =	sand.u32 $0x7F, s26;
	s31 =	sshll.u32 s24, $0x2  }
0xda: {  	s0 =	sshra.s32 s0, $0x2;
	s4 =	sadd.s32 s19, s13;
	s20 =	sshra.s32 s18, $0x2  }
0xdb: {  	v31 =	vsub.f32 v62, v63;
	v30 =	vmul.f32 v29, v29;
	v21 =	vadd.f32 v22, v21;
	s3 =	sand.u32 $0xFFFFFE00, s25;
	s13 =	sshll.u32 s28, $0x2;
	s25 =	sadd.s32 $0x10, s11  }
0xdc: {  	s28 =	sadd.s32 $0x20, s7;
	s7 =	sadd.s32 $0x30, s7;
	s12 =	sadd.s32 s19, s0  }
0xdd: {  	v32 =	vmul.f32 v31, v31;
	v21 =	vadd.f32 v30, v21;
	s2 =	sadd.s32 s19, s20;
	s20 =	sor.u32 s31, s3;
	s24 =	sor.u32 s13, s10  }
0xde: {  	s26 =	sshll.u32 s25, $0x2;
	s13 =	sand.u32 $0x7F, s25;
	s31 =	sand.u32 $0x7F, s28  }
0xdf: {  	s18 =	sshll.u32 s28, $0x2;
	s0 =	sshra.s32 s20, $0x2;
	s3 =	sshra.s32 s24, $0x2;
	v21 =	vadd.f32 v32, v21  }
0xe0: {  	s13 =	sshll.u32 s13, $0x2;
	s18 =	sand.u32 $0xFFFFFE00, s18;
	s24 =	sshll.u32 s31, $0x2  }
0xe1: {  	s31 =	sand.u32 $0x7F, s7;
	s10 =	sadd.s32 s19, s0;
	s0 =	sand.u32 $0xFFFFFE00, s26;
	[tilespmem:$0x48C0] =	vst v21  }
0xe2: {  	s7 =	sshll.u32 s7, $0x2;
	s0 =	sor.u32 s13, s0;
	v21 =	vld [tilespmem:s5+$0xB00];
	s13 =	spop (v2sf);
	(v2sf) =	vpush v20, $0xA  }
0xe3: {  	s3 =	sadd.s32 s19, s3;
	s18 =	sor.u32 s24, s18;
	s26 =	sadd.s32 $0x20, s11;
	v33 =	vld [tilespmem:s9+$0x2B00]  }
0xe4: {  	s7 =	sand.u32 $0xFFFFFE00, s7;
	s25 =	sshra.s32 s18, $0x2;
	s28 =	sand.u32 $0x7F, s26;
	v34 =	vld [tilespmem:s6+$0xB00]  }
0xe5: {  	s24 =	sshll.u32 s26, $0x2;
	s26 =	sshll.u32 s1, $0x2;
	s0 =	sshra.s32 s0, $0x2;
	v35 =	vld [tilespmem:s15+$0x2B00]  }
0xe6: {  	s18 =	sadd.s32 s19, s25;
	s24 =	sand.u32 $0xFFFFFE00, s24;
	s5 =	sshll.u32 s31, $0x2;
	v36 =	vld [tilespmem:s22+$0xB00]  }
0xe7: {  	s6 =	sadd.s32 $0x30, s11;
	v37 =	vld [tilespmem:s16+$0x2B00];
	s16 =	sand.u32 $0x7F, s23;
	s22 =	sshll.u32 s23, $0x2  }
0xe8: {  	v38 =	vld [tilespmem:s12+$0xB00];
	s25 =	sand.u32 $0x7F, s1;
	s31 =	sand.u32 $0xFFFFFE00, s26;
	s12 =	sadd.s32 $0x10, s1  }
0xe9: {  	v39 =	vld [tilespmem:s4+$0x2B00];
	s20 =	sadd.s32 s19, s0;
	s0 =	sshll.u32 s28, $0x2;
	s5 =	sor.u32 s5, s7  }
0xea: {  	s7 =	sand.u32 $0x7F, s6;
	s28 =	sshll.u32 s16, $0x2;
	s0 =	sor.u32 s0, s24;
	v21 =	vsub.f32 v21, v33;
	v40 =	vsub.f32 v34, v35  }
0xeb: {  	s15 =	sshll.u32 s7, $0x2;
	s7 =	sshll.u32 s25, $0x2;
	s0 =	sshra.s32 s0, $0x2  }
0xec: {  	s24 =	sadd.s32 s19, s0;
	s0 =	sshra.s32 s5, $0x2;
	s5 =	sshll.u32 s6, $0x2;
	v41 =	vsub.f32 v36, v37;
	v21 =	vmul.f32 v21, v21;
	v22 =	vmul.f32 v40, v40  }
0xed: {  	s6 =	sand.u32 $0xFFFFFE00, s22;
	s22 =	sadd.s32 $0x20, s23;
	s11 =	sadd.s32 s19, s0  }
0xee: {  	s9 =	sand.u32 $0xFFFFFE00, s5;
	s4 =	sor.u32 s28, s6;
	s5 =	sor.u32 s7, s31;
	v43 =	vsub.f32 v38, v39;
	v42 =	vmul.f32 v41, v41;
	v21 =	vadd.f32 v22, v21  }
0xef: {  	s7 =	sadd.s32 $0x10, s23;
	s25 =	sand.u32 $0x7F, s22;
	s0 =	sor.u32 s15, s9  }
0xf0: {  	s4 =	sshra.s32 s4, $0x2;
	s9 =	sand.u32 $0x7F, s7;
	s0 =	sshra.s32 s0, $0x2;
	v44 =	vmul.f32 v43, v43;
	v21 =	vadd.f32 v42, v21  }
0xf1: {  	s16 =	sadd.s32 s19, s0;
	s0 =	sshll.u32 s7, $0x2;
	s7 =	spop (v2sf);
	(v2sf) =	vpush v19, $0xA  }
0xf2: {  	s6 =	sshra.s32 s5, $0x2;
	s15 =	sand.u32 $0x7F, s12;
	s26 =	sshll.u32 s25, $0x2;
	v21 =	vadd.f32 v44, v21  }
0xf3: {  	s5 =	sadd.s32 s19, s4;
	s4 =	sadd.s32 s19, s6;
	s6 =	sshll.u32 s9, $0x2  }
0xf4: {  	s9 =	sshll.u32 s12, $0x2;
	s12 =	sshll.u32 s22, $0x2;
	s22 =	sadd.s32 $0x20, s1;
	[tilespmem:$0x48D0] =	vst v21  }
0xf5: {  	s1 =	sadd.s32 $0x30, s1;
	s9 =	sand.u32 $0xFFFFFE00, s9;
	s12 =	sand.u32 $0xFFFFFE00, s12;
	v21 =	vld [tilespmem:s2+$0xB80]  }
0xf6: {  	s25 =	sand.u32 $0x7F, s22;
	s0 =	sand.u32 $0xFFFFFE00, s0;
	s31 =	sor.u32 s26, s12;
	v45 =	vld [tilespmem:s10+$0x2B80]  }
0xf7: {  	s26 =	sshll.u32 s22, $0x2;
	s0 =	sor.u32 s6, s0;
	s6 =	sshll.u32 s15, $0x2;
	v46 =	vld [tilespmem:s3+$0xB80]  }
0xf8: {  	s15 =	sshra.s32 s31, $0x2;
	s6 =	sor.u32 s6, s9;
	s0 =	sshra.s32 s0, $0x2;
	v47 =	vld [tilespmem:s20+$0x2B80]  }
0xf9: {  	s9 =	sadd.s32 s19, s0;
	s28 =	sshra.s32 s6, $0x2;
	s6 =	sadd.s32 s19, s15;
	v48 =	vld [tilespmem:s18+$0xB80]  }
0xfa: {  	s0 =	sshll.u32 s25, $0x2;
	s12 =	sadd.s32 s19, s28;
	s28 =	sadd.s32 $0x30, s23;
	v49 =	vld [tilespmem:s24+$0x2B80]  }
0xfb: {  	s23 =	sand.u32 $0x7F, s1;
	s1 =	sshll.u32 s1, $0x2;
	s31 =	sand.u32 $0x7F, s28;
	v50 =	vld [tilespmem:s11+$0xB80]  }
0xfc: {  	s15 =	sshll.u32 s28, $0x2;
	s25 =	sshll.u32 s23, $0x2;
	s28 =	sand.u32 $0x7F, s21;
	v51 =	vld [tilespmem:s16+$0x2B80]  }
0xfd: {  	s23 =	sadd.s32 $0x10, s21;
	s2 =	sand.u32 $0xFFFFFE00, s26;
	s10 =	sand.u32 $0xFFFFFE00, s15;
	v21 =	vsub.f32 v21, v45;
	v52 =	vsub.f32 v46, v47  }
0xfe: {  	s24 =	sand.u32 $0xFFFFFE00, s1;
	s26 =	sshll.u32 s21, $0x2;
	s18 =	sshll.u32 s8, $0x2  }
0xff: {  	s0 =	sor.u32 s0, s2;
	s2 =	sshll.u32 s31, $0x2;
	s1 =	sand.u32 $0xFFFFFE00, s26;
	v53 =	vsub.f32 v48, v49;
	v21 =	vmul.f32 v21, v21;
	v22 =	vmul.f32 v52, v52  }
0x100: {  	s31 =	sand.u32 $0x7F, s8;
	s20 =	sand.u32 $0xFFFFFE00, s18;
	s11 =	spop (v2sf);
	(v2sf) =	vpush v20, $0xB  }
0x101: {  	s0 =	sshra.s32 s0, $0x2;
	s22 =	sor.u32 s2, s10;
	s2 =	sshll.u32 s28, $0x2;
	v55 =	vsub.f32 v50, v51;
	v54 =	vmul.f32 v53, v53;
	v21 =	vadd.f32 v22, v21  }
0x102: {  	s10 =	sshll.u32 s31, $0x2;
	s3 =	sadd.s32 s19, s0;
	s0 =	sshra.s32 s22, $0x2  }
0x103: {  	s1 =	sor.u32 s2, s1;
	s10 =	sor.u32 s10, s20;
	s15 =	sadd.s32 s19, s0;
	v56 =	vmul.f32 v55, v55;
	v21 =	vadd.f32 v54, v21  }
0x104: {  	s0 =	sor.u32 s25, s24;
	s1 =	sshra.s32 s1, $0x2;
	s22 =	sshra.s32 s10, $0x2  }
0x105: {  	s24 =	sand.u32 $0x7F, s23;
	s10 =	sshll.u32 s23, $0x2;
	s25 =	sadd.s32 $0x10, s8;
	v21 =	vadd.f32 v56, v21  }
0x106: {  	s23 =	sadd.s32 $0x20, s21;
	s0 =	sshra.s32 s0, $0x2;
	s2 =	sadd.s32 s19, s1  }
0x107: {  	s26 =	sand.u32 $0xFFFFFE00, s10;
	s28 =	sand.u32 $0x7F, s25;
	s18 =	sshll.u32 s25, $0x2;
	[tilespmem:$0x48E0] =	vst v21  }
0x108: {  	s16 =	sshll.u32 s24, $0x2;
	s10 =	sadd.s32 s19, s22;
	s24 =	sshll.u32 s23, $0x2;
	v21 =	vld [tilespmem:s5+$0xC00]  }
0x109: {  	s25 =	sand.u32 $0x7F, s23;
	s0 =	sadd.s32 s19, s0;
	s18 =	sand.u32 $0xFFFFFE00, s18;
	v57 =	vld [tilespmem:s4+$0x2C00]  }
0x10a: {  	s31 =	sshll.u32 s28, $0x2;
	s20 =	sor.u32 s16, s26;
	s26 =	sadd.s32 $0x20, s8;
	v58 =	vld [tilespmem:s9+$0xC00]  }
0x10b: {  	s28 =	sshll.u32 s25, $0x2;
	s8 =	sadd.s32 $0x30, s8;
	s22 =	sor.u32 s31, s18;
	v59 =	vld [tilespmem:s12+$0x2C00]  }
0x10c: {  	s1 =	sshra.s32 s20, $0x2;
	s31 =	sand.u32 $0x7F, s26;
	s20 =	sshll.u32 s26, $0x2;
	v60 =	vld [tilespmem:s6+$0xC00]  }
0x10d: {  	s16 =	sshra.s32 s22, $0x2;
	s18 =	sadd.s32 s19, s1;
	s1 =	sand.u32 $0xFFFFFE00, s24;
	v61 =	vld [tilespmem:s3+$0x2C00]  }
0x10e: {  	s22 =	sand.u32 $0xFFFFFE00, s20;
	s24 =	sadd.s32 $0x30, s21;
	s1 =	sor.u32 s28, s1;
	v62 =	vld [tilespmem:s15+$0xC00]  }
0x10f: {  	s16 =	sadd.s32 s19, s16;
	s23 =	sshra.s32 s1, $0x2;
	v63 =	vld [tilespmem:s0+$0x2C00];
	s1 =	spop (v2sf);
	(v2sf) =	vpush v19, $0xB  }
0x110: {  	s25 =	sand.u32 $0x7F, s24;
	s28 =	sand.u32 $0x7F, s8;
	s5 =	sshll.u32 s31, $0x2;
	v21 =	vsub.f32 v21, v57;
	v31 =	vsub.f32 v58, v59  }
0x111: {  	s4 =	sadd.s32 s19, s23;
	s6 =	sshll.u32 s24, $0x2;
	s3 =	sshll.u32 s25, $0x2  }
0x112: {  	s31 =	sshll.u32 s8, $0x2;
	s9 =	sshll.u32 s30, $0x2;
	s12 =	sand.u32 $0x7F, s30;
	v32 =	vsub.f32 v60, v61;
	v21 =	vmul.f32 v21, v21;
	v22 =	vmul.f32 v31, v31  }
0x113: {  	s5 =	sor.u32 s5, s22;
	s6 =	sand.u32 $0xFFFFFE00, s6;
	s22 =	sadd.s32 $0x10, s30  }
0x114: {  	s5 =	sshra.s32 s5, $0x2;
	s26 =	sor.u32 s3, s6;
	s6 =	sand.u32 $0xFFFFFE00, s31;
	v34 =	vsub.f32 v62, v63;
	v33 =	vmul.f32 v32, v32;
	v21 =	vadd.f32 v22, v21  }
0x115: {  	s3 =	sshll.u32 s28, $0x2;
	s23 =	sand.u32 $0x7F, s22;
	s28 =	sadd.s32 $0x20, s30  }
0x116: {  	s0 =	sshra.s32 s26, $0x2;
	s6 =	sor.u32 s3, s6;
	s3 =	sand.u32 $0xFFFFFE00, s9;
	v35 =	vmul.f32 v34, v34;
	v21 =	vadd.f32 v33, v21  }
0x117: {  	s8 =	sadd.s32 s19, s0;
	s0 =	sshra.s32 s6, $0x2;
	s6 =	sshll.u32 s12, $0x2  }
0x118: {  	s30 =	sadd.s32 $0x30, s30;
	s5 =	sadd.s32 s19, s5;
	s3 =	sor.u32 s6, s3;
	v21 =	vadd.f32 v35, v21  }
0x119: {  	s31 =	sand.u32 $0x7F, s28;
	s12 =	sshll.u32 s23, $0x2;
	s3 =	sshra.s32 s3, $0x2  }
0x11a: {  	s0 =	sadd.s32 s19, s0;
	s3 =	sadd.s32 s19, s3;
	s20 =	sshll.u32 s13, $0x2;
	[tilespmem:$0x48F0] =	vst v21  }
0x11b: {  	s15 =	sand.u32 $0x7F, s13;
	s24 =	sadd.s32 $0x10, s13;
	s21 =	sand.u32 $0xFFFFFE00, s20;
	v21 =	vld [tilespmem:s2+$0xC80]  }
0x11c: {  	s9 =	sshll.u32 s15, $0x2;
	s25 =	sshll.u32 s24, $0x2;
	s26 =	sand.u32 $0x7F, s24;
	v36 =	vld [tilespmem:s10+$0x2C80]  }
0x11d: {  	s24 =	sadd.s32 $0x20, s13;
	s13 =	sadd.s32 $0x30, s13;
	s6 =	sor.u32 s9, s21;
	v37 =	vld [tilespmem:s18+$0xC80]  }
0x11e: {  	s9 =	sshll.u32 s22, $0x2;
	s20 =	sand.u32 $0xFFFFFE00, s25;
	v38 =	vld [tilespmem:s16+$0x2C80];
	s15 =	spop (v2sf);
	(v2sf) =	vpush v20, $0xC  }
0x11f: {  	s22 =	sshll.u32 s28, $0x2;
	s25 =	sand.u32 $0x7F, s24;
	s9 =	sand.u32 $0xFFFFFE00, s9;
	v39 =	vld [tilespmem:s4+$0xC80]  }
0x120: {  	s6 =	sshra.s32 s6, $0x2;
	s23 =	sand.u32 $0xFFFFFE00, s22;
	s9 =	sor.u32 s12, s9;
	v40 =	vld [tilespmem:s5+$0x2C80]  }
0x121: {  	s12 =	sshll.u32 s26, $0x2;
	s26 =	sshll.u32 s24, $0x2;
	s6 =	sadd.s32 s19, s6;
	v41 =	vld [tilespmem:s8+$0xC80]  }
0x122: {  	s16 =	sshll.u32 s13, $0x2;
	v42 =	vld [tilespmem:s0+$0x2C80];
	s2 =	sor.u32 s12, s20;
	s12 =	sshll.u32 s31, $0x2  }
0x123: {  	s28 =	sand.u32 $0xFFFFFE00, s26;
	s4 =	sshra.s32 s9, $0x2;
	s31 =	sand.u32 $0x7F, s30;
	v21 =	vsub.f32 v21, v36;
	v43 =	vsub.f32 v37, v38  }
0x124: {  	s20 =	sand.u32 $0x7F, s13;
	s21 =	sand.u32 $0xFFFFFE00, s16;
	s10 =	sor.u32 s12, s23  }
0x125: {  	s12 =	sshll.u32 s25, $0x2;
	s5 =	sshll.u32 s31, $0x2;
	s4 =	sadd.s32 s19, s4;
	v44 =	vsub.f32 v39, v40;
	v21 =	vmul.f32 v21, v21;
	v22 =	vmul.f32 v43, v43  }
0x126: {  	s2 =	sshra.s32 s2, $0x2;
	s9 =	sor.u32 s12, s28;
	s12 =	sshll.u32 s30, $0x2  }
0x127: {  	s31 =	sadd.s32 s19, s2;
	s12 =	sand.u32 $0xFFFFFE00, s12;
	s9 =	sshra.s32 s9, $0x2;
	v46 =	vsub.f32 v41, v42;
	v45 =	vmul.f32 v44, v44;
	v21 =	vadd.f32 v22, v21  }
0x128: {  	s18 =	sor.u32 s5, s12;
	s5 =	sshll.u32 s20, $0x2;
	s20 =	sshra.s32 s10, $0x2  }
0x129: {  	s9 =	sadd.s32 s19, s9;
	v47 =	vmul.f32 v46, v46;
	s22 =	sand.u32 $0x7F, s7;
	s28 =	sadd.s32 $0x10, s7;
	v21 =	vadd.f32 v45, v21  }
0x12a: {  	s30 =	sand.u32 $0x7F, s28;
	s25 =	sand.u32 $0x7F, s11;
	s26 =	sshll.u32 s11, $0x2  }
0x12b: {  	s16 =	sshll.u32 s28, $0x2;
	v21 =	vadd.f32 v47, v21;
	s13 =	sand.u32 $0xFFFFFE00, s26;
	s8 =	sshll.u32 s25, $0x2  }
0x12c: {  	s16 =	sand.u32 $0xFFFFFE00, s16;
	s13 =	sor.u32 s8, s13;
	s8 =	sshll.u32 s30, $0x2  }
0x12d: {  	s23 =	sshll.u32 s7, $0x2;
	[tilespmem:$0x4900] =	vst v21;
	s16 =	sor.u32 s8, s16;
	s8 =	spop (v2sf);
	(v2sf) =	vpush v19, $0xC  }
0x12e: {  	s5 =	sor.u32 s5, s21;
	s24 =	sand.u32 $0xFFFFFE00, s23;
	s12 =	sshll.u32 s22, $0x2;
	v21 =	vld [tilespmem:s3+$0xD00]  }
0x12f: {  	s10 =	sadd.s32 s19, s20;
	s0 =	sshra.s32 s18, $0x2;
	s12 =	sor.u32 s12, s24;
	v48 =	vld [tilespmem:s6+$0x2D00]  }
0x130: {  	s0 =	sadd.s32 s19, s0;
	s21 =	sshra.s32 s5, $0x2;
	s22 =	sshra.s32 s12, $0x2;
	v49 =	vld [tilespmem:s4+$0xD00]  }
0x131: {  	s12 =	sadd.s32 s19, s21;
	v50 =	vld [tilespmem:s31+$0x2D00];
	s21 =	sadd.s32 $0x20, s11;
	s25 =	sadd.s32 $0x10, s11  }
0x132: {  	s5 =	sadd.s32 s19, s22;
	v52 =	vld [tilespmem:s9+$0x2D00];
	s9 =	sshll.u32 s21, $0x2;
	s26 =	sand.u32 $0x7F, s25  }
0x133: {  	v51 =	vld [tilespmem:s10+$0xD00];
	s30 =	sadd.s32 $0x20, s7;
	s9 =	sand.u32 $0xFFFFFE00, s9;
	s7 =	sadd.s32 $0x30, s7  }
0x134: {  	v53 =	vld [tilespmem:s0+$0xD00];
	s23 =	sshra.s32 s13, $0x2;
	s13 =	sshll.u32 s25, $0x2;
	s6 =	sshll.u32 s26, $0x2  }
0x135: {  	v54 =	vld [tilespmem:s12+$0x2D00];
	s31 =	sand.u32 $0x7F, s30;
	s25 =	sadd.s32 $0x30, s11;
	s2 =	sadd.s32 s19, s23  }
0x136: {  	v21 =	vsub.f32 v21, v48;
	v23 =	vsub.f32 v49, v50;
	s24 =	sshra.s32 s16, $0x2;
	s28 =	sand.u32 $0xFFFFFE00, s13;
	s13 =	sshll.u32 s30, $0x2  }
0x137: {  	s18 =	sshll.u32 s31, $0x2;
	s23 =	sand.u32 $0x7F, s21;
	s26 =	sand.u32 $0x7F, s25  }
0x138: {  	v55 =	vsub.f32 v51, v52;
	v21 =	vmul.f32 v21, v21;
	v23 =	vmul.f32 v23, v23;
	s10 =	sshll.u32 s25, $0x2;
	s3 =	sadd.s32 s19, s24;
	s4 =	sor.u32 s6, s28  }
0x139: {  	s16 =	sand.u32 $0xFFFFFE00, s13;
	s24 =	sshll.u32 s7, $0x2;
	s7 =	sand.u32 $0x7F, s7  }
0x13a: {  	v22 =	vsub.f32 v53, v54;
	v56 =	vmul.f32 v55, v55;
	v21 =	vadd.f32 v23, v21;
	s10 =	sand.u32 $0xFFFFFE00, s10;
	s4 =	sshra.s32 s4, $0x2;
	s20 =	sor.u32 s18, s16  }
0x13b: {  	s7 =	sshll.u32 s7, $0x2;
	s6 =	sadd.s32 s19, s4;
	s4 =	sshll.u32 s23, $0x2  }
0x13c: {  	v22 =	vmul.f32 v22, v22;
	v21 =	vadd.f32 v56, v21;
	s22 =	sshra.s32 s20, $0x2;
	s4 =	sor.u32 s4, s9;
	s11 =	spop (v2sf);
	(v2sf) =	vpush v20, $0xD  }
0x13d: {  	s0 =	sadd.s32 s19, s22;
	s9 =	sand.u32 $0xFFFFFE00, s24;
	s4 =	sshra.s32 s4, $0x2  }
0x13e: {  	v21 =	vadd.f32 v22, v21;
	s7 =	sor.u32 s7, s9;
	s9 =	sshll.u32 s26, $0x2;
	s12 =	sadd.s32 s19, s4  }
0x13f: {  	s28 =	sor.u32 s9, s10;
	s30 =	sand.u32 $0x7F, s1;
	s31 =	sshll.u32 s1, $0x2  }
0x140: {  	[tilespmem:$0x4910] =	vst v21;
	s4 =	sshra.s32 s28, $0x2;
	s16 =	sand.u32 $0xFFFFFE00, s31;
	s9 =	sshll.u32 s30, $0x2  }
0x141: {  	v21 =	vld [tilespmem:s5+$0xD80];
	s13 =	sadd.s32 s19, s4;
	s21 =	sadd.s32 $0x10, s1;
	s4 =	sor.u32 s9, s16  }
0x142: {  	v57 =	vld [tilespmem:s2+$0x2D80];
	s7 =	sshra.s32 s7, $0x2;
	s22 =	sand.u32 $0x7F, s21;
	s4 =	sshra.s32 s4, $0x2  }
0x143: {  	v58 =	vld [tilespmem:s3+$0xD80];
	s7 =	sadd.s32 s19, s7;
	s26 =	sshll.u32 s22, $0x2;
	s4 =	sadd.s32 s19, s4  }
0x144: {  	v59 =	vld [tilespmem:s6+$0x2D80];
	s18 =	sand.u32 $0x7F, s15;
	s20 =	sshll.u32 s15, $0x2;
	s23 =	sadd.s32 $0x10, s15  }
0x145: {  	v61 =	vld [tilespmem:s12+$0x2D80];
	s12 =	sadd.s32 $0x20, s15;
	s10 =	sand.u32 $0xFFFFFE00, s20;
	s9 =	sshll.u32 s18, $0x2  }
0x146: {  	v63 =	vld [tilespmem:s13+$0x2D80];
	s25 =	sand.u32 $0x7F, s23;
	s16 =	sshll.u32 s23, $0x2;
	s13 =	sand.u32 $0x7F, s12  }
0x147: {  	v60 =	vld [tilespmem:s0+$0xD80];
	s18 =	sadd.s32 $0x30, s15;
	s9 =	sor.u32 s9, s10;
	s10 =	sshll.u32 s21, $0x2  }
0x148: {  	s28 =	sand.u32 $0xFFFFFE00, s16;
	s20 =	sand.u32 $0x7F, s18;
	s24 =	sand.u32 $0xFFFFFE00, s10  }
0x149: {  	v62 =	vld [tilespmem:s7+$0xD80];
	s10 =	sshll.u32 s25, $0x2;
	s30 =	sshra.s32 s9, $0x2;
	s9 =	sadd.s32 $0x20, s1  }
0x14a: {  	v21 =	vsub.f32 v21, v57;
	v32 =	vsub.f32 v58, v59;
	s1 =	sadd.s32 $0x30, s1;
	s3 =	sor.u32 s26, s24;
	s5 =	sor.u32 s10, s28  }
0x14b: {  	s31 =	sadd.s32 s19, s30;
	s10 =	sand.u32 $0x7F, s9;
	s7 =	spop (v2sf);
	(v2sf) =	vpush v19, $0xD  }
0x14c: {  	v21 =	vmul.f32 v21, v21;
	v22 =	vmul.f32 v32, v32;
	v33 =	vsub.f32 v60, v61;
	s0 =	sshll.u32 s9, $0x2;
	s9 =	sshll.u32 s12, $0x2;
	s16 =	sand.u32 $0x7F, s1  }
0x14d: {  	s1 =	sshll.u32 s1, $0x2;
	s6 =	sshra.s32 s3, $0x2;
	s5 =	sshra.s32 s5, $0x2  }
0x14e: {  	v21 =	vadd.f32 v22, v21;
	v34 =	vmul.f32 v33, v33;
	v35 =	vsub.f32 v62, v63;
	s0 =	sand.u32 $0xFFFFFE00, s0;
	s9 =	sand.u32 $0xFFFFFE00, s9;
	s1 =	sand.u32 $0xFFFFFE00, s1  }
0x14f: {  	s3 =	sadd.s32 s19, s6;
	s5 =	sadd.s32 s19, s5;
	s6 =	sshll.u32 s10, $0x2  }
0x150: {  	v21 =	vadd.f32 v34, v21;
	v36 =	vmul.f32 v35, v35;
	s10 =	sshll.u32 s18, $0x2;
	s0 =	sor.u32 s6, s0;
	s6 =	sshll.u32 s13, $0x2  }
0x151: {  	s0 =	sshra.s32 s0, $0x2;
	s6 =	sor.u32 s6, s9;
	s9 =	sshll.u32 s16, $0x2  }
0x152: {  	v21 =	vadd.f32 v36, v21;
	s10 =	sand.u32 $0xFFFFFE00, s10;
	s0 =	sadd.s32 s19, s0;
	s1 =	sor.u32 s9, s1  }
0x153: {  	s9 =	sshll.u32 s20, $0x2;
	s21 =	sand.u32 $0x7F, s8;
	s22 =	sshll.u32 s8, $0x2  }
0x154: {  	[tilespmem:$0x4920] =	vst v21;
	s9 =	sor.u32 s9, s10;
	s12 =	sand.u32 $0xFFFFFE00, s22;
	s10 =	sshll.u32 s21, $0x2  }
0x155: {  	v21 =	vld [tilespmem:s4+$0xE00];
	s6 =	sshra.s32 s6, $0x2;
	s30 =	sadd.s32 $0x10, s8;
	s10 =	sor.u32 s10, s12  }
0x156: {  	v37 =	vld [tilespmem:s31+$0x2E00];
	s31 =	sand.u32 $0x7F, s30;
	s25 =	sshra.s32 s10, $0x2;
	s10 =	sshll.u32 s30, $0x2  }
0x157: {  	v38 =	vld [tilespmem:s3+$0xE00];
	s1 =	sshra.s32 s1, $0x2;
	s15 =	sshll.u32 s31, $0x2;
	s13 =	sand.u32 $0xFFFFFE00, s10  }
0x158: {  	v39 =	vld [tilespmem:s5+$0x2E00];
	s6 =	sadd.s32 s19, s6;
	s9 =	sshra.s32 s9, $0x2;
	s16 =	sor.u32 s15, s13  }
0x159: {  	v40 =	vld [tilespmem:s0+$0xE00];
	s1 =	sadd.s32 s19, s1;
	s9 =	sadd.s32 s19, s9;
	s0 =	sshra.s32 s16, $0x2  }
0x15a: {  	s2 =	sadd.s32 s19, s25;
	s0 =	sadd.s32 s19, s0;
	s3 =	spop (v2sf);
	(v2sf) =	vpush v20, $0xE  }
0x15b: {  	v41 =	vld [tilespmem:s6+$0x2E00];
	s23 =	sand.u32 $0x7F, s11;
	s24 =	sshll.u32 s11, $0x2;
	s18 =	sadd.s32 $0x10, s11  }
0x15c: {  	v42 =	vld [tilespmem:s1+$0xE00];
	s25 =	sadd.s32 $0x20, s11;
	s31 =	sadd.s32 $0x30, s11;
	s26 =	sand.u32 $0xFFFFFE00, s24  }
0x15d: {  	v43 =	vld [tilespmem:s9+$0x2E00];
	s12 =	sshll.u32 s23, $0x2;
	s20 =	sand.u32 $0x7F, s18;
	s5 =	sshll.u32 s18, $0x2  }
0x15e: {  	v21 =	vsub.f32 v21, v37;
	v44 =	vsub.f32 v38, v39;
	s23 =	sadd.s32 $0x20, s8;
	s9 =	sshll.u32 s25, $0x2;
	s8 =	sadd.s32 $0x30, s8  }
0x15f: {  	s11 =	sand.u32 $0x7F, s31;
	s28 =	sor.u32 s12, s26;
	s21 =	sand.u32 $0xFFFFFE00, s5  }
0x160: {  	v21 =	vmul.f32 v21, v21;
	v22 =	vmul.f32 v44, v44;
	v45 =	vsub.f32 v40, v41;
	s22 =	sshll.u32 s20, $0x2;
	s24 =	sshll.u32 s23, $0x2;
	s6 =	sand.u32 $0x7F, s23  }
0x161: {  	s26 =	sand.u32 $0x7F, s25;
	s9 =	sand.u32 $0xFFFFFE00, s9;
	s30 =	sshll.u32 s8, $0x2  }
0x162: {  	v21 =	vadd.f32 v22, v21;
	v46 =	vmul.f32 v45, v45;
	v47 =	vsub.f32 v42, v43;
	s8 =	sand.u32 $0x7F, s8;
	s13 =	sshll.u32 s11, $0x2;
	s4 =	sshra.s32 s28, $0x2  }
0x163: {  	s1 =	sor.u32 s22, s21;
	s5 =	sand.u32 $0xFFFFFE00, s24;
	s6 =	sshll.u32 s6, $0x2  }
0x164: {  	v21 =	vadd.f32 v46, v21;
	v48 =	vmul.f32 v47, v47;
	s10 =	sshll.u32 s26, $0x2;
	s8 =	sshll.u32 s8, $0x2;
	s4 =	sadd.s32 s19, s4  }
0x165: {  	s5 =	sor.u32 s6, s5;
	s28 =	sor.u32 s10, s9;
	s9 =	sand.u32 $0xFFFFFE00, s30  }
0x166: {  	v21 =	vadd.f32 v48, v21;
	s10 =	sshll.u32 s31, $0x2;
	s18 =	sshra.s32 s1, $0x2;
	s8 =	sor.u32 s8, s9  }
0x167: {  	s12 =	sand.u32 $0xFFFFFE00, s10;
	s5 =	sshra.s32 s5, $0x2;
	s21 =	sadd.s32 s19, s18  }
0x168: {  	[tilespmem:$0x4930] =	vst v21;
	s6 =	sshra.s32 s28, $0x2;
	s9 =	sor.u32 s13, s12;
	s5 =	sadd.s32 s19, s5  }
0x169: {  	v21 =	vld [tilespmem:s2+$0xE80];
	s22 =	sshra.s32 s8, $0x2;
	s23 =	sshra.s32 s9, $0x2;
	s1 =	spop (v2sf);
	(v2sf) =	vpush v19, $0xE  }
0x16a: {  	v50 =	vld [tilespmem:s0+$0xE80];
	s6 =	sadd.s32 s19, s6;
	s24 =	sadd.s32 s19, s22;
	s8 =	sadd.s32 s19, s23  }
0x16b: {  	v49 =	vld [tilespmem:s4+$0x2E80];
	s15 =	sand.u32 $0x7F, s7;
	s16 =	sshll.u32 s7, $0x2;
	s30 =	sadd.s32 $0x10, s7  }
0x16c: {  	v51 =	vld [tilespmem:s21+$0x2E80];
	s18 =	sadd.s32 $0x20, s7;
	s7 =	sadd.s32 $0x30, s7;
	s20 =	sand.u32 $0xFFFFFE00, s16  }
0x16d: {  	v52 =	vld [tilespmem:s5+$0xE80];
	s10 =	sshll.u32 s15, $0x2;
	s31 =	sand.u32 $0x7F, s30;
	s11 =	sshll.u32 s30, $0x2  }
0x16e: {  	v55 =	vld [tilespmem:s8+$0x2E80];
	s8 =	sshll.u32 s18, $0x2;
	s10 =	sor.u32 s10, s20;
	s12 =	sand.u32 $0xFFFFFE00, s11  }
0x16f: {  	v53 =	vld [tilespmem:s6+$0x2E80];
	s5 =	sshll.u32 s31, $0x2;
	s20 =	sand.u32 $0x7F, s18;
	s8 =	sand.u32 $0xFFFFFE00, s8  }
0x170: {  	s31 =	sand.u32 $0x7F, s7;
	s7 =	sshll.u32 s7, $0x2;
	s13 =	sor.u32 s5, s12  }
0x171: {  	v54 =	vld [tilespmem:s24+$0xE80];
	s25 =	sshra.s32 s10, $0x2;
	s7 =	sand.u32 $0xFFFFFE00, s7;
	s4 =	sshra.s32 s13, $0x2  }
0x172: {  	v21 =	vsub.f32 v21, v49;
	v56 =	vsub.f32 v50, v51;
	s2 =	sadd.s32 s19, s25;
	s22 =	sadd.s32 s19, s4;
	s28 =	sshll.u32 s3, $0x2  }
0x173: {  	s26 =	sand.u32 $0x7F, s3;
	s15 =	sadd.s32 $0x10, s3;
	s9 =	sand.u32 $0xFFFFFE00, s28  }
0x174: {  	v21 =	vmul.f32 v21, v21;
	v57 =	vsub.f32 v52, v53;
	v22 =	vmul.f32 v56, v56;
	s0 =	sshll.u32 s26, $0x2;
	s16 =	sand.u32 $0x7F, s15;
	s5 =	sshll.u32 s15, $0x2  }
0x175: {  	s26 =	sadd.s32 $0x20, s3;
	s3 =	sadd.s32 $0x30, s3;
	s0 =	sor.u32 s0, s9  }
0x176: {  	v58 =	vmul.f32 v57, v57;
	v59 =	vsub.f32 v54, v55;
	v21 =	vadd.f32 v22, v21;
	s5 =	sand.u32 $0xFFFFFE00, s5;
	s6 =	sshll.u32 s16, $0x2;
	s9 =	sshll.u32 s20, $0x2  }
0x177: {  	s28 =	sand.u32 $0x7F, s26;
	s30 =	sshll.u32 s26, $0x2;
	s11 =	sand.u32 $0x7F, s3  }
0x178: {  	v60 =	vmul.f32 v59, v59;
	s3 =	sshll.u32 s3, $0x2;
	s0 =	sshra.s32 s0, $0x2;
	s4 =	spop (v2sf);
	(v2sf) =	vpush v20, $0xF;
	v20 =	vadd.f32 v58, v21  }
0x179: {  	s5 =	sor.u32 s6, s5;
	s21 =	sor.u32 s9, s8;
	s10 =	sand.u32 $0xFFFFFE00, s30  }
0x17a: {  	s9 =	sshll.u32 s28, $0x2;
	s3 =	sand.u32 $0xFFFFFE00, s3;
	s0 =	sadd.s32 s19, s0;
	v20 =	vadd.f32 v60, v20  }
0x17b: {  	s23 =	sshra.s32 s5, $0x2;
	s24 =	sshra.s32 s21, $0x2;
	s9 =	sor.u32 s9, s10  }
0x17c: {  	s10 =	sshll.u32 s31, $0x2;
	s25 =	sadd.s32 s19, s23;
	s5 =	sadd.s32 s19, s24;
	[tilespmem:$0x4940] =	vst v20  }
0x17d: {  	s7 =	sor.u32 s10, s7;
	s9 =	sshra.s32 s9, $0x2;
	s10 =	sshll.u32 s11, $0x2;
	v20 =	vld [tilespmem:s2+$0xF00]  }
0x17e: {  	s12 =	sor.u32 s10, s3;
	s16 =	sadd.s32 s19, s9;
	s7 =	sshra.s32 s7, $0x2;
	v61 =	vld [tilespmem:s0+$0x2F00]  }
0x17f: {  	s20 =	sadd.s32 s19, s7;
	s13 =	sand.u32 $0x7F, s1;
	s15 =	sshll.u32 s1, $0x2;
	v62 =	vld [tilespmem:s22+$0xF00]  }
0x180: {  	s24 =	sadd.s32 $0x10, s1;
	s10 =	sadd.s32 $0x20, s1;
	s1 =	sadd.s32 $0x30, s1;
	v63 =	vld [tilespmem:s25+$0x2F00]  }
0x181: {  	s18 =	sand.u32 $0xFFFFFE00, s15;
	s3 =	sshll.u32 s13, $0x2;
	s26 =	sshll.u32 s24, $0x2;
	v30 =	vld [tilespmem:s5+$0xF00]  }
0x182: {  	s11 =	sand.u32 $0x7F, s10;
	s8 =	sshll.u32 s10, $0x2;
	s3 =	sor.u32 s3, s18;
	v31 =	vld [tilespmem:s16+$0x2F00]  }
0x183: {  	s28 =	sand.u32 $0xFFFFFE00, s26;
	s13 =	sshll.u32 s11, $0x2;
	s2 =	sshra.s32 s12, $0x2  }
0x184: {  	s21 =	sand.u32 $0x7F, s4;
	s22 =	sshll.u32 s4, $0x2;
	v32 =	vld [tilespmem:s20+$0xF00];
	s2 =	sadd.s32 s19, s2  }
0x185: {  	s5 =	sshll.u32 s21, $0x2;
	s25 =	sand.u32 $0x7F, s24;
	s23 =	sand.u32 $0xFFFFFE00, s22;
	v33 =	vld [tilespmem:s2+$0x2F00]  }
0x186: {  	s18 =	sand.u32 $0x7F, s1;
	s0 =	sor.u32 s5, s23;
	s5 =	sshll.u32 s25, $0x2;
	v20 =	vsub.f32 v20, v61;
	v34 =	vsub.f32 v62, v63  }
0x187: {  	s1 =	sshll.u32 s1, $0x2;
	s3 =	sshra.s32 s3, $0x2;
	s2 =	sor.u32 s5, s28;
	v35 =	vsub.f32 v30, v31  }
0x188: {  	s30 =	sadd.s32 $0x10, s4;
	s31 =	sshra.s32 s2, $0x2;
	s2 =	spop (v2sf);
	(v2sf) =	vpush v19, $0xF;
	v19 =	vmul.f32 v20, v20;
	v20 =	vmul.f32 v34, v34  }
0x189: {  	s1 =	sand.u32 $0xFFFFFE00, s1;
	s3 =	sadd.s32 s19, s3;
	s9 =	sshll.u32 s30, $0x2  }
0x18a: {  	s15 =	sadd.s32 $0x20, s4;
	s7 =	sand.u32 $0xFFFFFE00, s9;
	s12 =	sand.u32 $0xFFFFFE00, s8;
	v36 =	vsub.f32 v32, v33;
	v19 =	vadd.f32 v20, v19;
	v20 =	vmul.f32 v35, v35  }
0x18b: {  	s16 =	sand.u32 $0x7F, s15;
	s8 =	sshll.u32 s15, $0x2;
	s4 =	sadd.s32 $0x30, s4  }
0x18c: {  	s8 =	sand.u32 $0xFFFFFE00, s8;
	s9 =	sshll.u32 s16, $0x2;
	s22 =	sand.u32 $0x7F, s4;
	v19 =	vadd.f32 v20, v19;
	v20 =	vmul.f32 v36, v36  }
0x18d: {  	s4 =	sshll.u32 s4, $0x2;
	s8 =	sor.u32 s9, s8;
	s9 =	sshll.u32 s18, $0x2  }
0x18e: {  	s4 =	sand.u32 $0xFFFFFE00, s4;
	s0 =	sshra.s32 s0, $0x2;
	s5 =	sand.u32 $0x7F, s30;
	v19 =	vadd.f32 v20, v19  }
0x18f: {  	s8 =	sshra.s32 s8, $0x2;
	s1 =	sor.u32 s9, s1;
	s0 =	sadd.s32 s19, s0  }
0x190: {  	s5 =	sshll.u32 s5, $0x2;
	s20 =	sadd.s32 s19, s8;
	s21 =	sshra.s32 s1, $0x2;
	[tilespmem:$0x4950] =	vst v19  }
0x191: {  	s1 =	sshll.u32 s22, $0x2;
	s5 =	sor.u32 s5, s7;
	s6 =	sadd.s32 s19, s31;
	v19 =	vld [tilespmem:s3+$0xF80]  }
0x192: {  	s7 =	sor.u32 s13, s12;
	s1 =	sor.u32 s1, s4;
	s5 =	sshra.s32 s5, $0x2;
	v20 =	vld [tilespmem:s0+$0x2F80]  }
0x193: {  	s7 =	sshra.s32 s7, $0x2;
	s1 =	sshra.s32 s1, $0x2;
	s5 =	sadd.s32 s19, s5;
	v37 =	vld [tilespmem:s6+$0xF80]  }
0x194: {  	s7 =	sadd.s32 s19, s7;
	s30 =	sadd.s32 s19, s1;
	s13 =	sadd.s32 $0x20, s2;
	v38 =	vld [tilespmem:s5+$0x2F80]  }
0x195: {  	s23 =	sand.u32 $0x7F, s2;
	s24 =	sshll.u32 s2, $0x2;
	s15 =	sand.u32 $0x7F, s13;
	v39 =	vld [tilespmem:s7+$0xF80]  }
0x196: {  	s25 =	sand.u32 $0xFFFFFE00, s24;
	s18 =	sshll.u32 s15, $0x2;
	s6 =	sshll.u32 s23, $0x2;
	v40 =	vld [tilespmem:s20+$0x2F80]  }
0x197: {  	s0 =	sadd.s32 s19, s21;
	v42 =	vld [tilespmem:s30+$0x2F80];
	s7 =	sadd.s32 $0x10, s2;
	s2 =	sadd.s32 $0x30, s2  }
0x198: {  	s26 =	sor.u32 s6, s25;
	v41 =	vld [tilespmem:s0+$0xF80];
	s8 =	sand.u32 $0x7F, s7;
	s23 =	sand.u32 $0x7F, s2  }
0x199: {  	s2 =	sshll.u32 s2, $0x2;
	s4 =	sshra.s32 s26, $0x2;
	s10 =	sshll.u32 s8, $0x2;
	v19 =	vsub.f32 v19, v20;
	v20 =	vsub.f32 v37, v38  }
0x19a: {  	s24 =	sand.u32 $0xFFFFFE00, s2;
	s25 =	sshll.u32 s23, $0x2;
	s28 =	spop (v2sf)  }
0x19b: {  	s31 =	sadd.s32 s19, s4;
	v43 =	vsub.f32 v39, v40;
	s5 =	sshll.u32 s28, $0x2;
	s6 =	sand.u32 $0x7F, s28;
	v19 =	vmul.f32 v19, v19;
	v20 =	vmul.f32 v20, v20  }
0x19c: {  	s11 =	sadd.s32 $0x10, s28;
	s20 =	sadd.s32 $0x20, s28;
	s3 =	sadd.s32 $0x30, s28  }
0x19d: {  	v44 =	vsub.f32 v41, v42;
	s4 =	sand.u32 $0xFFFFFE00, s5;
	s0 =	sshll.u32 s6, $0x2;
	s5 =	sshll.u32 s7, $0x2;
	v19 =	vadd.f32 v20, v19;
	v20 =	vmul.f32 v43, v43  }
0x19e: {  	s12 =	sshll.u32 s11, $0x2;
	s7 =	sshll.u32 s13, $0x2;
	s21 =	sand.u32 $0x7F, s20  }
0x19f: {  	s26 =	sand.u32 $0x7F, s3;
	s3 =	sshll.u32 s3, $0x2;
	s0 =	sor.u32 s0, s4;
	v19 =	vadd.f32 v20, v19;
	v20 =	vmul.f32 v44, v44  }
0x1a0: {  	s9 =	sand.u32 $0xFFFFFE00, s5;
	s5 =	sand.u32 $0x7F, s11;
	s6 =	sand.u32 $0xFFFFFE00, s12  }
0x1a1: {  	s16 =	sand.u32 $0xFFFFFE00, s7;
	s7 =	sshll.u32 s20, $0x2;
	s8 =	sshll.u32 s21, $0x2;
	v19 =	vadd.f32 v20, v19  }
0x1a2: {  	s3 =	sand.u32 $0xFFFFFE00, s3;
	s2 =	sshll.u32 s26, $0x2;
	s0 =	sshra.s32 s0, $0x2  }
0x1a3: {  	s4 =	sor.u32 s10, s9;
	s5 =	sshll.u32 s5, $0x2;
	s7 =	sand.u32 $0xFFFFFE00, s7;
	[tilespmem:$0x4960] =	vst v19  }
0x1a4: {  	s0 =	sadd.s32 s19, s0;
	s4 =	sshra.s32 s4, $0x2;
	s5 =	sor.u32 s5, s6;
	v19 =	vld [tilespmem:s31+$0x1000]  }
0x1a5: {  	s6 =	sor.u32 s18, s16;
	s4 =	sadd.s32 s19, s4;
	s5 =	sshra.s32 s5, $0x2;
	v20 =	vld [tilespmem:s0+$0x3000]  }
0x1a6: {  	s22 =	sor.u32 s8, s7;
	s6 =	sshra.s32 s6, $0x2;
	s5 =	sadd.s32 s19, s5;
	v45 =	vld [tilespmem:s4+$0x1000]  }
0x1a7: {  	s2 =	sor.u32 s2, s3;
	s1 =	sshra.s32 s22, $0x2;
	s6 =	sadd.s32 s19, s6;
	v46 =	vld [tilespmem:s5+$0x3000]  }
0x1a8: {  	s28 =	sshra.s32 s2, $0x2;
	s1 =	sadd.s32 s19, s1;
	s0 =	sor.u32 s25, s24;
	v47 =	vld [tilespmem:s6+$0x1000]  }
0x1a9: {  	s30 =	sadd.s32 s19, s28;
	v48 =	vld [tilespmem:s1+$0x3000];
	s0 =	sshra.s32 s0, $0x2  }
0x1aa: {  	v50 =	vld [tilespmem:s30+$0x3000];
	s0 =	sadd.s32 s19, s0  }
0x1ab: {  	v49 =	vld [tilespmem:s0+$0x1000]  }
0x1ac: {  	v19 =	vsub.f32 v19, v20;
	v20 =	vsub.f32 v45, v46;
	_ =	sdelay $0x1  }
0x1ad: {  	v51 =	vsub.f32 v47, v48;
	v19 =	vmul.f32 v19, v19;
	v20 =	vmul.f32 v20, v20;
	_ =	sdelay $0x1  }
0x1ae: {  	v52 =	vsub.f32 v49, v50;
	v19 =	vadd.f32 v20, v19;
	v20 =	vmul.f32 v51, v51;
	_ =	sdelay $0x1  }
0x1af: {  	v19 =	vadd.f32 v20, v19;
	v20 =	vmul.f32 v52, v52;
	_ =	sdelay $0x1  }
0x1b0: {  	v19 =	vadd.f32 v20, v19;
	_ =	sdelay $0x1  }
0x1b1: {  	[tilespmem:$0x4970] =	vst v19  }
0x1b2: {  	v19 =	vld.idx.msk [tilespmem:v0+s29+$0x0], $0xffff  }
0x1b3: {  	v20 =	vld.idx.msk [tilespmem:v2+s29+$0x0], $0xffff;
	_ =	sdelay $0x1  }
0x1b4: {  	v53 =	vld.idx.msk [tilespmem:v3+s29+$0x0], $0xffff;
	_ =	sdelay $0x1  }
0x1b5: {  	v54 =	vld.idx.msk [tilespmem:v4+s29+$0x0], $0xffff  }
0x1b6: {  	v19 =	vadd.f32 v20, v19  }
0x1b7: {  	v20 =	vld.idx.msk [tilespmem:v5+s29+$0x0], $0xffff  }
0x1b8: {  	v19 =	vadd.f32 v53, v19  }
0x1b9: {  	v55 =	vld.idx.msk [tilespmem:v6+s29+$0x0], $0xffff  }
0x1ba: {  	v19 =	vadd.f32 v54, v19  }
0x1bb: {  	v56 =	vld.idx.msk [tilespmem:v7+s29+$0x0], $0xffff  }
0x1bc: {  	v19 =	vadd.f32 v20, v19  }
0x1bd: {  	v20 =	vld.idx.msk [tilespmem:v8+s29+$0x0], $0xffff  }
0x1be: {  	v19 =	vadd.f32 v55, v19  }
0x1bf: {  	v57 =	vld.idx.msk [tilespmem:v9+s29+$0x0], $0xffff  }
0x1c0: {  	v19 =	vadd.f32 v56, v19  }
0x1c1: {  	v58 =	vld.idx.msk [tilespmem:v10+s29+$0x0], $0xffff  }
0x1c2: {  	v19 =	vadd.f32 v20, v19  }
0x1c3: {  	v20 =	vld.idx.msk [tilespmem:v11+s29+$0x0], $0xffff  }
0x1c4: {  	v19 =	vadd.f32 v57, v19  }
0x1c5: {  	v59 =	vld.idx.msk [tilespmem:v12+s29+$0x0], $0xffff  }
0x1c6: {  	v19 =	vadd.f32 v58, v19  }
0x1c7: {  	v60 =	vld.idx.msk [tilespmem:v13+s29+$0x0], $0xffff  }
0x1c8: {  	v19 =	vadd.f32 v20, v19  }
0x1c9: {  	v20 =	vld.idx.msk [tilespmem:v14+s29+$0x0], $0xffff  }
0x1ca: {  	v19 =	vadd.f32 v59, v19  }
0x1cb: {  	v61 =	vld.idx.msk [tilespmem:v15+s29+$0x0], $0xffff  }
0x1cc: {  	v19 =	vadd.f32 v60, v19  }
0x1cd: {  	v62 =	vld.idx.msk [tilespmem:v16+s29+$0x0], $0xffff  }
0x1ce: {  	v19 =	vadd.f32 v20, v19;
	_ =	sdelay $0x1  }
0x1cf: {  	v19 =	vadd.f32 v61, v19;
	_ =	sdelay $0x1  }
0x1d0: {  	v19 =	vadd.f32 v62, v19;
	_ =	sdelay $0x1  }
0x1d1: {  	v19 =	vmul.f32 v19, v18;
	_ =	sdelay $0x1  }
0x1d2: {  	v19 =	vsub.f32 v17, v19;
	_ =	sdelay $0x1  }
0x1d3: {  	v20 =	vand.u32 $0x7FFFFFFF, v19  }
0x1d4: {  	v20 =	vsub.f32 $0.0e+00, v20;
	_ =	sdelay $0x1  }
0x1d5: {  	v20 =	vmul.f32 $1.442695020e+00, v20;
	_ =	sdelay $0x1  }
0x1d6: {  	(erf) = vpow2.f32 v20;
	_ =	sdelay $0x8  }
0x1d7: {  	v20 =	vpop (erf)  }
0x1d8: {  	v63 =	vadd.f32 $1.000000000e+00, v20;
	_ =	sdelay $0x1  }
0x1d9: {  	(erf) = vrcp.f32 v63;
	_ =	sdelay $0x7  }
0x1da: {  	p0 =	sne.s32 s17, $0x6000  }
.Ltmp1:
0x1db: {  	v21 =	vpop (erf);
	(pc) =	sbr.rel @p0 .LBB2_5-.Ltmp1, $4  }
0x1dc: {  	v20 =	vmul.f32 v21, v20  }
0x1dd: {  	vm0 =	vge.f32 v19, $0.0e+00  }
0x1de: {  	s31 =	rddreg [dreg:$0x15];
	v19 =	vsel vm0, v21, v20  }
0x1df: {  	s14 =	sadd.s32 $0x10, s14;
	s17 =	sadd.s32 $0x2000, s17;
	s6 =	sadd.s32 $0x10, s31;
	[tilespmem:s31+$0x0] =	vst v19  }
0x1e0: {  	s1 =	rddreg [dreg:$0x14]  }
0x1e1: {  	s1 =	sadd.s32 $0x1, s1  }
0x1e2: {  	p0 =	sne.s32 s1, $0x8  }
.Ltmp2:
0x1e3: {  	_ = 	snop;
	(pc) =	sbr.rel @p0 .LBB2_4-.Ltmp2, $4  }
0x1e4: {  	s6 =	rddreg [dreg:$0x11]  }
0x1e5: {  	s8 =	rddreg [dreg:$0x13]  }
0x1e6: {  	s7 =	rddreg [dreg:$0x12]  }
0x1e7: {  	s6 =	sadd.s32 $0x40, s6;
	s8 =	sadd.s32 $0x80, s8;
	s7 =	sadd.s32 $0x4, s7  }
0x1e8: {  	s7 =	simm.s32 $0x0  }
0x1e9: {  	s0 =	rddreg [dreg:$0x8];
	s1 =	simm.s32 $0x4980;
	s2 =	simm.s32 $0x2  }
0x1ea: {  	[hbm4b:s0+s7] =	stream.linear.scatter [tilespmem:s1], [sflag:$0x2], $0x200, $0x38;
	[tilespmem:$0x4B80] =	vst v63  }
0x1eb: {  	_ =	swait.ge [sflag:s2], $0x200  }
0x1ec: {  	s30 =	rddreg [dreg:$0x10]  }
0x1ed: {  	s31 =	rddreg [dreg:$0x9];
	s1 =	sadd.s32 $0x1, s30  }
0x1ee: {  	p0 =	sne.s32 s1, s31  }
.Ltmp3:
0x1ef: {  	_ = 	snop;
	(pc) =	sbr.rel @p0 .LBB2_1-.Ltmp3, $3  }
0x1f0: {  	_ =	sdelay $0x1  }
0x1f1: {  	[sflag:s2] =	ssyncset.done $0x0  }
0x1f2: {  	[sflag:s2] =	ssyncadd.s32 $0xFFFFFE00  }
0x1f3: {  	_ =	sfence.sel $0x180000  }
0x1f4: {  	[bflag:$0x0] =	sbarrier.arrive $0xFFFF  }
0x1f5: {  	_ =	strace $0x90000047  }
0x1f6: {  	s0 =	stileid.u32;
	[bflag:$0x2] =	sbarrier.arrive $0xFFFF  }
0x1f7: {  	p0 =	sne.s32 s0, $0x0;
	s0 =	rddreg [dreg:$0x4]  }
0x1f8: {  	s0 =	sadd.s32 @!p0 $0x100000, s0  }
0x1f9: {  	[sflag:s0] =	ssyncadd.tile.s32 @!p0 $0x1;
	_ =	shalt  }
.Lfunc_end2:
_tile_overlayer_lowered:
.L_overlay_start_2:
0x1fa: {  	(tag) =	ssettag $0x2  }
0x1fb: {  	s0 =	rddreg [dreg:$0x0];
	s2 =	stileid.u32  }
0x1fc: {  	s1 =	rddreg [dreg:$0x1];
	p0 =	sne.s32 s2, $0x0  }
0x1fd: {  	s3 =	rddreg [dreg:$0x2];
	[bflag:$0x3] =	sbarrier.arrive $0xFFFF;
	s2 =	simm.s32 @!p0 $0x1C02  }
0x1fe: {  	[timem:s3], [sflag:s2] =	dma.local @!p0 [hbm:s0], s1  }
0x1ff: {  	s0 =	simm.s32 @!p0 $0x2  }
0x200: {  	_ =	swait.ge @!p0 [sflag:s0], s1  }
0x201: {  	s1 =	ssub.s32 @!p0 $0x0, s1;
	[sflag:s0] =	ssyncset.done @!p0 $0x0  }
0x202: {  	[sflag:s0] =	ssyncadd.s32 @!p0 s1  }
0x203: {  	[bflag:$0x3] =	sbarrier.arrive $0xFFFF  }
0x204: {  	_ =	shalt  }

</sc_bundles>
